<compile_context>
chip_gen: v7x
topology: tpu7x:2x2x1
jax: 0.10.2.dev20260603
libtpu: 0.0.44.dev20260713+nightly
codegen_flags: <defaults>
</compile_context>

<pallas_src>
import functools

import jax
import jax.numpy as jnp
from jax import lax
from jax.experimental import pallas as pl
from jax.experimental.pallas import tpu as pltpu
from jax.experimental.pallas import tpu_sc as plsc

B, T, C = 128, 2048, 32
ALPHA = 2.0
LS = 0.05
TMAX = 3600.0

NC, NS = 2, 16
NW = NC * NS
B_PER_W = B // NW
CH = 256
CPB = T // CH
PPB = CPB // 2
NPAIRS = B_PER_W * PPB
STRIPS = CH // 16

_LN2 = 0.6931471805599453


def _log16(s):
    bits = lax.bitcast_convert_type(s, jnp.int32)
    e = ((bits >> 23) & 0xFF) - 127
    m = lax.bitcast_convert_type((bits & 0x007FFFFF) | 0x3F800000, jnp.float32)
    z = (m - 1.0) / (m + 1.0)
    z2 = z * z
    poly = 1.0 + z2 * ((1.0 / 3.0) + z2 * ((1.0 / 5.0) + z2 * ((1.0 / 7.0) + z2 * (1.0 / 9.0))))
    return e.astype(jnp.float32) * _LN2 + 2.0 * z * poly


@functools.lru_cache(maxsize=None)
def _build_sc_loss():
  @functools.partial(
    pl.kernel,
    out_type=(
        jax.ShapeDtypeStruct((NW * 16,), jnp.float32),
        jax.ShapeDtypeStruct((NW * 16,), jnp.float32),
    ),
    mesh=plsc.VectorSubcoreMesh(core_axis_name="c", subcore_axis_name="s",
                                num_cores=NC, num_subcores=NS),
    scratch_types=[
        pltpu.VMEM((2 * CH, C), jnp.float32),
        pltpu.VMEM((2 * CH,), jnp.float32),
        pltpu.VMEM((B,), jnp.int32),
        pltpu.VMEM((16,), jnp.float32),
        pltpu.VMEM((16,), jnp.float32),
        pltpu.SemaphoreType.DMA,
        pltpu.SemaphoreType.DMA,
    ],
    compiler_params=pltpu.CompilerParams(needs_layout_passes=False,
                                         use_tc_tiling_on_sc=True),
  )
  def _sc_loss(lg, lab, tm, num_out, den_out,
               dbuf, tbuf, lbuf, nbuf, dnbuf, sem0, sem1):
    wid = lax.axis_index("s") * NC + lax.axis_index("c")
    pltpu.sync_copy(lab, lbuf)

    iota = lax.iota(jnp.int32, 16)

    def copies(b, t0, slot, sem):
        return (
            pltpu.make_async_copy(lg.at[pl.ds(b * T + t0, CH)],
                                  dbuf.at[pl.ds(slot * CH, CH)], sem),
            pltpu.make_async_copy(tm.at[pl.ds(b * T + t0, CH)],
                                  tbuf.at[pl.ds(slot * CH, CH)], sem),
        )

    def start_chunk(b, t0, slot, sem):
        for cp in copies(b, t0, slot, sem):
            cp.start()

    def wait_chunk(b, t0, slot, sem):
        for cp in copies(b, t0, slot, sem):
            cp.wait()

    def compute_chunk(labv, slot, acc):
        base_row = slot * CH

        @plsc.parallel_loop(0, STRIPS, unroll=4, carry=acc)
        def body(i, acc):
            accn, accd = acc
            rows = (base_row + i * 16) + iota
            s = [jnp.zeros((16,), jnp.float32) for _ in range(4)]
            t = [jnp.zeros((16,), jnp.float32) for _ in range(4)]
            for c in range(C):
                rot = (iota + c) & (C - 1)
                v = plsc.load_gather(dbuf, [rows, rot])
                k = c & 3
                s[k] = s[k] + jnp.exp(v)
                t[k] = t[k] + v
            acc_s = (s[0] + s[1]) + (s[2] + s[3])
            acc_t = (t[0] + t[1]) + (t[2] + t[3])
            xl = plsc.load_gather(dbuf, [rows, labv])
            ce = _log16(acc_s) - (1.0 - LS) * xl - (LS / C) * acc_t
            roff = base_row + i * 16
            tv = plsc.load_gather(tbuf, [roff + iota])
            raw = (1.0 + ALPHA) - (ALPHA / TMAX) * tv
            mv = jnp.where(raw > 0.5, 1.0, 0.0).astype(jnp.float32)
            w = raw * mv
            return (accn + w * ce, accd + mv)

        return body

    b0 = wid * B_PER_W
    start_chunk(b0, 0, 0, sem0)

    def outer(k, acc):
        b = b0 + k // PPB
        t0 = (k % PPB) * (2 * CH)
        labv = plsc.load_gather(lbuf, [jnp.zeros((16,), jnp.int32) + b])
        start_chunk(b, t0 + CH, 1, sem1)
        wait_chunk(b, t0, 0, sem0)
        acc = compute_chunk(labv, 0, acc)

        @pl.when(k < NPAIRS - 1)
        def _():
            kn = k + 1
            start_chunk(b0 + kn // PPB, (kn % PPB) * (2 * CH), 0, sem0)

        wait_chunk(b, t0 + CH, 1, sem1)
        return compute_chunk(labv, 1, acc)

    acc = (jnp.zeros((16,), jnp.float32), jnp.zeros((16,), jnp.float32))
    acc = lax.fori_loop(0, NPAIRS, outer, acc)

    nbuf[...] = acc[0]
    dnbuf[...] = acc[1]
    pltpu.sync_copy(nbuf, num_out.at[pl.ds(wid * 16, 16)])
    pltpu.sync_copy(dnbuf, den_out.at[pl.ds(wid * 16, 16)])

  return _sc_loss


def kernel(step_logits, labels, bin_mask, bin_times):
    lg = step_logits.reshape(B * T, C)
    tm = jnp.where(bin_mask, bin_times, 2.0 * TMAX).reshape(B * T)
    nump, denp = _build_sc_loss()(lg, labels, tm)
    num = jnp.sum(nump)
    den = jnp.sum(denp)
    return num / jnp.maximum(den, 1.0)

# --- scband reference (transcript-rebuilt; emitter-appended) ---
"""Pipeline reference for scband-per-step-temporal-loss-82532091560060 (READ-ONLY COPY).

The authoritative reference and input builder live on the scoring server;
editing this copy changes nothing except your own understanding.
"""

import jax, jax.numpy as jnp
import numpy as np

B, T, C = 128, 2048, 32
ALPHA = 2.0
LS = 0.05
TMAX = 3600.0


def setup_inputs(seed: int = 0) -> dict:
    key = jax.random.key(seed)
    k1, k2, k3, k4 = jax.random.split(key, 4)
    step_logits = jax.random.normal(k1, (B, T, C), dtype=jnp.float32)
    labels = jax.random.randint(k2, (B,), 0, C, dtype=jnp.int32)
    bin_mask = jax.random.randint(k3, (B, T), 0, 2, dtype=jnp.int32).astype(bool)
    bin_times = jax.random.uniform(k4, (B, T), dtype=jnp.float32) * TMAX
    return {"step_logits": step_logits, "labels": labels, "bin_mask": bin_mask, "bin_times": bin_times}


def reference(step_logits, labels, bin_mask, bin_times):
    # per-element cross entropy with label smoothing, masked over valid bins.
    # Equivalent to CE over gathered valid elements (mask-select replaced by
    # mask-weighted mean, which is mathematically identical).
    logp = jax.nn.log_softmax(step_logits, axis=-1)            # [B, T, C]
    onehot = jax.nn.one_hot(labels, C, dtype=step_logits.dtype)  # [B, C]
    q = (1.0 - LS) * onehot[:, None, :] + LS / C               # [B, 1->T, C]
    ce = -jnp.sum(q * logp, axis=-1)                           # [B, T]
    time_weight = 1.0 + ALPHA * (1.0 - bin_times / TMAX)       # [B, T]
    m = bin_mask.astype(step_logits.dtype)                     # [B, T]
    num = jnp.sum(ce * time_weight * m)
    den = jnp.sum(m)
    return num / jnp.maximum(den, 1.0)

if __name__ == "__main__":
    import jax
    _d = setup_inputs()
    print(jax.jit(kernel)(*tuple(_d.values())))

</pallas_src>

<mosaic_0001>
#map = affine_map<(d0, d1) -> (0, 0)>
#map1 = affine_map<(d0, d1) -> (0)>
module attributes {stable_mosaic.version = 14 : i64} {
  func.func @_sc_loss(%arg0: i32, %arg1: i32, %arg2: memref<262144x32xf32, #tpu.memory_space<hbm>>, %arg3: memref<128xi32, #tpu.memory_space<hbm>>, %arg4: memref<262144xf32, #tpu.memory_space<hbm>>, %arg5: memref<512xf32, #tpu.memory_space<hbm>>, %arg6: memref<512xf32, #tpu.memory_space<hbm>>, %arg7: memref<512x32xf32, #tpu.memory_space<vmem>>, %arg8: memref<512xf32, #tpu.memory_space<vmem>>, %arg9: memref<128xi32, #tpu.memory_space<vmem>>, %arg10: memref<16xf32, #tpu.memory_space<vmem>>, %arg11: memref<16xf32, #tpu.memory_space<vmem>>, %arg12: memref<!tpu.dma_semaphore, #tpu.memory_space<semaphore_mem>>, %arg13: memref<!tpu.dma_semaphore, #tpu.memory_space<semaphore_mem>>) attributes {dimension_semantics = [#tpu.dimension_semantics<core_parallel>, #tpu.dimension_semantics<subcore_parallel>], iteration_bounds = array<i64: 2, 16>, scalar_prefetch = 0 : i64, scratch_operands = 7 : i64, tpu.core_type = #tpu.core_type<sc_vector_subcore>, window_params = [{transform_indices = #map}, {transform_indices = #map1}, {transform_indices = #map1}, {transform_indices = #map1}, {transform_indices = #map1}]} {
    %mul3A = arith.constant 2 : i32
    %mul3A_0 = arith.muli %arg1, %mul3A : i32
    %add3A = arith.addi %mul3A_0, %arg0 : i32
    "tpu.region"() ({
      %run_scoped3A = tpu.sem_alloc : memref<!tpu.dma_semaphore, #tpu.memory_space<semaphore_mem>>
      tpu.enqueue_dma source(%arg3 : memref<128xi32, #tpu.memory_space<hbm>>) target(%arg9 : memref<128xi32, #tpu.memory_space<vmem>>) target_semaphore(%run_scoped3A : memref<!tpu.dma_semaphore, #tpu.memory_space<semaphore_mem>>)
      tpu.wait_dma2 semaphore(%run_scoped3A : memref<!tpu.dma_semaphore, #tpu.memory_space<semaphore_mem>>) src(%arg3 : memref<128xi32, #tpu.memory_space<hbm>>) dst(%arg9 : memref<128xi32, #tpu.memory_space<vmem>>)
      tpu.yield
    }) : () -> ()
    %iota3A = tpu.iota {dimensions = array<i32: 0>} : vector<16xi32>
    %mul3A_1 = arith.constant 4 : i32
    %mul3A_2 = arith.muli %add3A, %mul3A_1 : i32
    %mul3A_3 = arith.constant 2048 : i32
    %mul3A_4 = arith.muli %mul3A_2, %mul3A_3 : i32
    %add3A_5 = arith.constant 0 : i32
    %add3A_6 = arith.addi %mul3A_4, %add3A_5 : i32
    %mul3A_7 = arith.constant 2048 : i32
    %mul3A_8 = arith.muli %mul3A_2, %mul3A_7 : i32
    %add3A_9 = arith.constant 0 : i32
    %add3A_10 = arith.addi %mul3A_8, %add3A_9 : i32
    %dma_start3A = arith.constant 0 : i32
    %dma_start3A_11 = arith.constant 0 : i32
    %dma_start3A_12 = tpu.memref_slice %arg7[%dma_start3A, %dma_start3A_11] : memref<512x32xf32, #tpu.memory_space<vmem>> -> memref<256x32xf32, #tpu.memory_space<vmem>>
    %dma_start3A_13 = arith.constant 0 : i32
    %dma_start3A_14 = tpu.memref_slice %arg2[%add3A_6, %dma_start3A_13] : memref<262144x32xf32, #tpu.memory_space<hbm>> -> memref<256x32xf32, #tpu.memory_space<hbm>>
    %dma_start3A_15 = arith.constant 0 : i32
    %dma_start3A_16 = arith.constant 0 : i32
    %dma_start3A_17 = tpu.memref_slice %arg7[%dma_start3A_15, %dma_start3A_16] : memref<512x32xf32, #tpu.memory_space<vmem>> -> memref<256x32xf32, #tpu.memory_space<vmem>>
    %dma_start3A_18 = arith.constant 0 : i32
    %dma_start3A_19 = tpu.memref_slice %arg2[%add3A_6, %dma_start3A_18] : memref<262144x32xf32, #tpu.memory_space<hbm>> -> memref<256x32xf32, #tpu.memory_space<hbm>>
    tpu.enqueue_dma source(%dma_start3A_19 : memref<256x32xf32, #tpu.memory_space<hbm>>) target(%dma_start3A_17 : memref<256x32xf32, #tpu.memory_space<vmem>>) target_semaphore(%arg12 : memref<!tpu.dma_semaphore, #tpu.memory_space<semaphore_mem>>)
    %dma_start3A_20 = arith.constant 0 : i32
    %dma_start3A_21 = tpu.memref_slice %arg8[%dma_start3A_20] : memref<512xf32, #tpu.memory_space<vmem>> -> memref<256xf32, #tpu.memory_space<vmem>>
    %dma_start3A_22 = tpu.memref_slice %arg4[%add3A_10] : memref<262144xf32, #tpu.memory_space<hbm>> -> memref<256xf32, #tpu.memory_space<hbm>>
    %dma_start3A_23 = arith.constant 0 : i32
    %dma_start3A_24 = tpu.memref_slice %arg8[%dma_start3A_23] : memref<512xf32, #tpu.memory_space<vmem>> -> memref<256xf32, #tpu.memory_space<vmem>>
    %dma_start3A_25 = tpu.memref_slice %arg4[%add3A_10] : memref<262144xf32, #tpu.memory_space<hbm>> -> memref<256xf32, #tpu.memory_space<hbm>>
    tpu.enqueue_dma source(%dma_start3A_25 : memref<256xf32, #tpu.memory_space<hbm>>) target(%dma_start3A_24 : memref<256xf32, #tpu.memory_space<vmem>>) target_semaphore(%arg12 : memref<!tpu.dma_semaphore, #tpu.memory_space<semaphore_mem>>)
    %broadcast_in_dim3A = arith.constant 0.000000e+00 : f32
    %broadcast_in_dim3A_26 = vector.broadcast %broadcast_in_dim3A : f32 to vector<16xf32>
    %broadcast_in_dim3A_27 = arith.constant 0.000000e+00 : f32
    %broadcast_in_dim3A_28 = vector.broadcast %broadcast_in_dim3A_27 : f32 to vector<16xf32>
    %scan3A = arith.constant 0 : i32
    %scan3A_29 = arith.constant 16 : i32
    %scan3A_30 = arith.addi %scan3A, %scan3A_29 : i32
    %scan3A_31 = arith.constant 1 : i32
    %scan3A_32:2 = scf.for %scan3A_41 = %scan3A to %scan3A_30 step %scan3A_31 iter_args(%scan3A_42 = %broadcast_in_dim3A_26, %scan3A_43 = %broadcast_in_dim3A_28) -> (vector<16xf32>, vector<16xf32>)  : i32 {
      %jit3A = arith.constant 4 : i32
      %div3A = arith.divsi %scan3A_41, %jit3A : i32
      %sign3A = arith.constant 0 : i32
      %sign3A_44 = arith.cmpi sgt, %scan3A_41, %sign3A : i32
      %sign3A_45 = arith.extui %sign3A_44 : i1 to i32
      %sign3A_46 = arith.constant 0 : i32
      %sign3A_47 = arith.cmpi slt, %scan3A_41, %sign3A_46 : i32
      %sign3A_48 = arith.extui %sign3A_47 : i1 to i32
      %sign3A_49 = arith.subi %sign3A_45, %sign3A_48 : i32
      %sign3A_50 = arith.constant 0 : i32
      %sign3A_51 = arith.cmpi sgt, %jit3A, %sign3A_50 : i32
      %sign3A_52 = arith.extui %sign3A_51 : i1 to i32
      %sign3A_53 = arith.constant 0 : i32
      %sign3A_54 = arith.cmpi slt, %jit3A, %sign3A_53 : i32
      %sign3A_55 = arith.extui %sign3A_54 : i1 to i32
      %sign3A_56 = arith.subi %sign3A_52, %sign3A_55 : i32
      %ne3A = arith.cmpi ne, %sign3A_49, %sign3A_56 : i32
      %rem3A = arith.remsi %scan3A_41, %jit3A : i32
      %ne3A_57 = arith.constant 0 : i32
      %ne3A_58 = arith.cmpi ne, %rem3A, %ne3A_57 : i32
      %and3A = arith.andi %ne3A, %ne3A_58 : i1
      %sub3A = arith.constant 1 : i32
      %sub3A_59 = arith.subi %div3A, %sub3A : i32
      %select_n3A = arith.select %and3A, %sub3A_59, %div3A : i32
      %add3A_60 = arith.addi %mul3A_2, %select_n3A : i32
      %jit3A_61 = arith.constant 4 : i32
      %eq3A = arith.constant 0 : i32
      %eq3A_62 = arith.cmpi eq, %jit3A_61, %eq3A : i32
      %jit3A_63 = arith.constant 1 : i32
      %select_n3A_64 = arith.select %eq3A_62, %jit3A_63, %jit3A_61 : i32
      %rem3A_65 = arith.remsi %scan3A_41, %select_n3A_64 : i32
      %ne3A_66 = arith.constant 0 : i32
      %ne3A_67 = arith.cmpi ne, %rem3A_65, %ne3A_66 : i32
      %lt3A = arith.constant 0 : i32
      %lt3A_68 = arith.cmpi slt, %rem3A_65, %lt3A : i32
      %lt3A_69 = arith.constant 0 : i32
      %lt3A_70 = arith.cmpi slt, %select_n3A_64, %lt3A_69 : i32
      %ne3A_71 = arith.xori %lt3A_68, %lt3A_70 : i1
      %and3A_72 = arith.andi %ne3A_71, %ne3A_67 : i1
      %add3A_73 = arith.addi %rem3A_65, %select_n3A_64 : i32
      %select_n3A_74 = arith.select %and3A_72, %add3A_73, %rem3A_65 : i32
      %mul3A_75 = arith.constant 512 : i32
      %mul3A_76 = arith.muli %select_n3A_74, %mul3A_75 : i32
      %broadcast_in_dim3A_77 = arith.constant 0 : i32
      %broadcast_in_dim3A_78 = vector.broadcast %broadcast_in_dim3A_77 : i32 to vector<16xi32>
      %add3A_79 = vector.broadcast %add3A_60 : i32 to vector<16xi32>
      %add3A_80 = arith.addi %broadcast_in_dim3A_78, %add3A_79 : vector<16xi32>
      %gather3A = tpu.vector_load_idx %arg9[%add3A_80] : memref<128xi32, #tpu.memory_space<vmem>>[vector<16xi32>], vector<16xi32>,
      %add3A_81 = arith.constant 256 : i32
      %add3A_82 = arith.addi %mul3A_76, %add3A_81 : i32
      %mul3A_83 = arith.constant 2048 : i32
      %mul3A_84 = arith.muli %add3A_60, %mul3A_83 : i32
      %add3A_85 = arith.addi %mul3A_84, %add3A_82 : i32
      %mul3A_86 = arith.constant 2048 : i32
      %mul3A_87 = arith.muli %add3A_60, %mul3A_86 : i32
      %add3A_88 = arith.addi %mul3A_87, %add3A_82 : i32
      %dma_start3A_89 = arith.constant 256 : i32
      %dma_start3A_90 = arith.constant 0 : i32
      %dma_start3A_91 = tpu.memref_slice %arg7[%dma_start3A_89, %dma_start3A_90] : memref<512x32xf32, #tpu.memory_space<vmem>> -> memref<256x32xf32, #tpu.memory_space<vmem>>
      %dma_start3A_92 = arith.constant 0 : i32
      %dma_start3A_93 = tpu.memref_slice %arg2[%add3A_85, %dma_start3A_92] : memref<262144x32xf32, #tpu.memory_space<hbm>> -> memref<256x32xf32, #tpu.memory_space<hbm>>
      %dma_start3A_94 = arith.constant 256 : i32
      %dma_start3A_95 = arith.constant 0 : i32
      %dma_start3A_96 = tpu.memref_slice %arg7[%dma_start3A_94, %dma_start3A_95] : memref<512x32xf32, #tpu.memory_space<vmem>> -> memref<256x32xf32, #tpu.memory_space<vmem>>
      %dma_start3A_97 = arith.constant 0 : i32
      %dma_start3A_98 = tpu.memref_slice %arg2[%add3A_85, %dma_start3A_97] : memref<262144x32xf32, #tpu.memory_space<hbm>> -> memref<256x32xf32, #tpu.memory_space<hbm>>
      tpu.enqueue_dma source(%dma_start3A_98 : memref<256x32xf32, #tpu.memory_space<hbm>>) target(%dma_start3A_96 : memref<256x32xf32, #tpu.memory_space<vmem>>) target_semaphore(%arg13 : memref<!tpu.dma_semaphore, #tpu.memory_space<semaphore_mem>>)
      %dma_start3A_99 = arith.constant 256 : i32
      %dma_start3A_100 = tpu.memref_slice %arg8[%dma_start3A_99] : memref<512xf32, #tpu.memory_space<vmem>> -> memref<256xf32, #tpu.memory_space<vmem>>
      %dma_start3A_101 = tpu.memref_slice %arg4[%add3A_88] : memref<262144xf32, #tpu.memory_space<hbm>> -> memref<256xf32, #tpu.memory_space<hbm>>
      %dma_start3A_102 = arith.constant 256 : i32
      %dma_start3A_103 = tpu.memref_slice %arg8[%dma_start3A_102] : memref<512xf32, #tpu.memory_space<vmem>> -> memref<256xf32, #tpu.memory_space<vmem>>
      %dma_start3A_104 = tpu.memref_slice %arg4[%add3A_88] : memref<262144xf32, #tpu.memory_space<hbm>> -> memref<256xf32, #tpu.memory_space<hbm>>
      tpu.enqueue_dma source(%dma_start3A_104 : memref<256xf32, #tpu.memory_space<hbm>>) target(%dma_start3A_103 : memref<256xf32, #tpu.memory_space<vmem>>) target_semaphore(%arg13 : memref<!tpu.dma_semaphore, #tpu.memory_space<semaphore_mem>>)
      %mul3A_105 = arith.constant 2048 : i32
      %mul3A_106 = arith.muli %add3A_60, %mul3A_105 : i32
      %add3A_107 = arith.addi %mul3A_106, %mul3A_76 : i32
      %mul3A_108 = arith.constant 2048 : i32
      %mul3A_109 = arith.muli %add3A_60, %mul3A_108 : i32
      %add3A_110 = arith.addi %mul3A_109, %mul3A_76 : i32
      %dma_wait3A = arith.constant 0 : i32
      %dma_wait3A_111 = arith.constant 0 : i32
      %dma_wait3A_112 = tpu.memref_slice %arg7[%dma_wait3A, %dma_wait3A_111] : memref<512x32xf32, #tpu.memory_space<vmem>> -> memref<256x32xf32, #tpu.memory_space<vmem>>
      %dma_wait3A_113 = arith.constant 0 : i32
      %dma_wait3A_114 = tpu.memref_slice %arg2[%add3A_107, %dma_wait3A_113] : memref<262144x32xf32, #tpu.memory_space<hbm>> -> memref<256x32xf32, #tpu.memory_space<hbm>>
      %dma_wait3A_115 = arith.constant 0 : i32
      %dma_wait3A_116 = arith.constant 0 : i32
      %dma_wait3A_117 = tpu.memref_slice %arg7[%dma_wait3A_115, %dma_wait3A_116] : memref<512x32xf32, #tpu.memory_space<vmem>> -> memref<256x32xf32, #tpu.memory_space<vmem>>
      %dma_wait3A_118 = arith.constant 0 : i32
      %dma_wait3A_119 = tpu.memref_slice %arg2[%add3A_107, %dma_wait3A_118] : memref<262144x32xf32, #tpu.memory_space<hbm>> -> memref<256x32xf32, #tpu.memory_space<hbm>>
      tpu.wait_dma2 semaphore(%arg12 : memref<!tpu.dma_semaphore, #tpu.memory_space<semaphore_mem>>) src(%dma_wait3A_119 : memref<256x32xf32, #tpu.memory_space<hbm>>) dst(%dma_wait3A_117 : memref<256x32xf32, #tpu.memory_space<vmem>>)
      %dma_wait3A_120 = arith.constant 0 : i32
      %dma_wait3A_121 = tpu.memref_slice %arg8[%dma_wait3A_120] : memref<512xf32, #tpu.memory_space<vmem>> -> memref<256xf32, #tpu.memory_space<vmem>>
      %dma_wait3A_122 = tpu.memref_slice %arg4[%add3A_110] : memref<262144xf32, #tpu.memory_space<hbm>> -> memref<256xf32, #tpu.memory_space<hbm>>
      %dma_wait3A_123 = arith.constant 0 : i32
      %dma_wait3A_124 = tpu.memref_slice %arg8[%dma_wait3A_123] : memref<512xf32, #tpu.memory_space<vmem>> -> memref<256xf32, #tpu.memory_space<vmem>>
      %dma_wait3A_125 = tpu.memref_slice %arg4[%add3A_110] : memref<262144xf32, #tpu.memory_space<hbm>> -> memref<256xf32, #tpu.memory_space<hbm>>
      tpu.wait_dma2 semaphore(%arg12 : memref<!tpu.dma_semaphore, #tpu.memory_space<semaphore_mem>>) src(%dma_wait3A_125 : memref<256xf32, #tpu.memory_space<hbm>>) dst(%dma_wait3A_124 : memref<256xf32, #tpu.memory_space<vmem>>)
      %parallel_loop3A = arith.constant 0 : i32
      %parallel_loop3A_126 = arith.constant 16 : i32
      %parallel_loop3A_127 = arith.constant 1 : i32
      %parallel_loop3A_128:2 = scf.for %parallel_loop3A_160 = %parallel_loop3A to %parallel_loop3A_126 step %parallel_loop3A_127 iter_args(%parallel_loop3A_161 = %scan3A_42, %parallel_loop3A_162 = %scan3A_43) -> (vector<16xf32>, vector<16xf32>)  : i32 {
        %parallel_loop3A_163 = arith.constant 16 : i32
        %parallel_loop3A_164 = arith.muli %parallel_loop3A_160, %parallel_loop3A_163 : i32
        %parallel_loop3A_165 = arith.constant 0 : i32
        %parallel_loop3A_166 = arith.addi %parallel_loop3A_165, %parallel_loop3A_164 : i32
        %parallel_loop3A_167 = vector.broadcast %parallel_loop3A_166 : i32 to vector<16xi32>
        %parallel_loop3A_168 = arith.addi %parallel_loop3A_167, %iota3A : vector<16xi32>
        %parallel_loop3A_169 = arith.constant 0.000000e+00 : f32
        %parallel_loop3A_170 = vector.broadcast %parallel_loop3A_169 : f32 to vector<16xf32>
        %parallel_loop3A_171 = arith.constant 0.000000e+00 : f32
        %parallel_loop3A_172 = vector.broadcast %parallel_loop3A_171 : f32 to vector<16xf32>
        %parallel_loop3A_173 = arith.constant 0.000000e+00 : f32
        %parallel_loop3A_174 = vector.broadcast %parallel_loop3A_173 : f32 to vector<16xf32>
        %parallel_loop3A_175 = arith.constant 0.000000e+00 : f32
        %parallel_loop3A_176 = vector.broadcast %parallel_loop3A_175 : f32 to vector<16xf32>
        %parallel_loop3A_177 = arith.constant 0.000000e+00 : f32
        %parallel_loop3A_178 = vector.broadcast %parallel_loop3A_177 : f32 to vector<16xf32>
        %parallel_loop3A_179 = arith.constant 0.000000e+00 : f32
        %parallel_loop3A_180 = vector.broadcast %parallel_loop3A_179 : f32 to vector<16xf32>
        %parallel_loop3A_181 = arith.constant 0.000000e+00 : f32
        %parallel_loop3A_182 = vector.broadcast %parallel_loop3A_181 : f32 to vector<16xf32>
        %parallel_loop3A_183 = arith.constant 0.000000e+00 : f32
        %parallel_loop3A_184 = vector.broadcast %parallel_loop3A_183 : f32 to vector<16xf32>
        %parallel_loop3A_185 = arith.constant 0 : i32
        %parallel_loop3A_186 = vector.broadcast %parallel_loop3A_185 : i32 to vector<16xi32>
        %parallel_loop3A_187 = arith.addi %iota3A, %parallel_loop3A_186 : vector<16xi32>
        %parallel_loop3A_188 = arith.constant 31 : i32
        %parallel_loop3A_189 = vector.broadcast %parallel_loop3A_188 : i32 to vector<16xi32>
        %parallel_loop3A_190 = arith.andi %parallel_loop3A_187, %parallel_loop3A_189 : vector<16xi32>
        %parallel_loop3A_191 = tpu.vector_load_idx %arg7[%parallel_loop3A_168, %parallel_loop3A_190] : memref<512x32xf32, #tpu.memory_space<vmem>>[vector<16xi32>, vector<16xi32>], vector<16xf32>,
        %parallel_loop3A_192 = math.exp %parallel_loop3A_191 : vector<16xf32>
        %parallel_loop3A_193 = arith.addf %parallel_loop3A_170, %parallel_loop3A_192 : vector<16xf32>
        %parallel_loop3A_194 = arith.addf %parallel_loop3A_178, %parallel_loop3A_191 : vector<16xf32>
        %parallel_loop3A_195 = arith.constant 1 : i32
        %parallel_loop3A_196 = vector.broadcast %parallel_loop3A_195 : i32 to vector<16xi32>
        %parallel_loop3A_197 = arith.addi %iota3A, %parallel_loop3A_196 : vector<16xi32>
        %parallel_loop3A_198 = arith.constant 31 : i32
        %parallel_loop3A_199 = vector.broadcast %parallel_loop3A_198 : i32 to vector<16xi32>
        %parallel_loop3A_200 = arith.andi %parallel_loop3A_197, %parallel_loop3A_199 : vector<16xi32>
        %parallel_loop3A_201 = tpu.vector_load_idx %arg7[%parallel_loop3A_168, %parallel_loop3A_200] : memref<512x32xf32, #tpu.memory_space<vmem>>[vector<16xi32>, vector<16xi32>], vector<16xf32>,
        %parallel_loop3A_202 = math.exp %parallel_loop3A_201 : vector<16xf32>
        %parallel_loop3A_203 = arith.addf %parallel_loop3A_172, %parallel_loop3A_202 : vector<16xf32>
        %parallel_loop3A_204 = arith.addf %parallel_loop3A_180, %parallel_loop3A_201 : vector<16xf32>
        %parallel_loop3A_205 = arith.constant 2 : i32
        %parallel_loop3A_206 = vector.broadcast %parallel_loop3A_205 : i32 to vector<16xi32>
        %parallel_loop3A_207 = arith.addi %iota3A, %parallel_loop3A_206 : vector<16xi32>
        %parallel_loop3A_208 = arith.constant 31 : i32
        %parallel_loop3A_209 = vector.broadcast %parallel_loop3A_208 : i32 to vector<16xi32>
        %parallel_loop3A_210 = arith.andi %parallel_loop3A_207, %parallel_loop3A_209 : vector<16xi32>
        %parallel_loop3A_211 = tpu.vector_load_idx %arg7[%parallel_loop3A_168, %parallel_loop3A_210] : memref<512x32xf32, #tpu.memory_space<vmem>>[vector<16xi32>, vector<16xi32>], vector<16xf32>,
        %parallel_loop3A_212 = math.exp %parallel_loop3A_211 : vector<16xf32>
        %parallel_loop3A_213 = arith.addf %parallel_loop3A_174, %parallel_loop3A_212 : vector<16xf32>
        %parallel_loop3A_214 = arith.addf %parallel_loop3A_182, %parallel_loop3A_211 : vector<16xf32>
        %parallel_loop3A_215 = arith.constant 3 : i32
        %parallel_loop3A_216 = vector.broadcast %parallel_loop3A_215 : i32 to vector<16xi32>
        %parallel_loop3A_217 = arith.addi %iota3A, %parallel_loop3A_216 : vector<16xi32>
        %parallel_loop3A_218 = arith.constant 31 : i32
        %parallel_loop3A_219 = vector.broadcast %parallel_loop3A_218 : i32 to vector<16xi32>
        %parallel_loop3A_220 = arith.andi %parallel_loop3A_217, %parallel_loop3A_219 : vector<16xi32>
        %parallel_loop3A_221 = tpu.vector_load_idx %arg7[%parallel_loop3A_168, %parallel_loop3A_220] : memref<512x32xf32, #tpu.memory_space<vmem>>[vector<16xi32>, vector<16xi32>], vector<16xf32>,
        %parallel_loop3A_222 = math.exp %parallel_loop3A_221 : vector<16xf32>
        %parallel_loop3A_223 = arith.addf %parallel_loop3A_176, %parallel_loop3A_222 : vector<16xf32>
        %parallel_loop3A_224 = arith.addf %parallel_loop3A_184, %parallel_loop3A_221 : vector<16xf32>
        %parallel_loop3A_225 = arith.constant 4 : i32
        %parallel_loop3A_226 = vector.broadcast %parallel_loop3A_225 : i32 to vector<16xi32>
        %parallel_loop3A_227 = arith.addi %iota3A, %parallel_loop3A_226 : vector<16xi32>
        %parallel_loop3A_228 = arith.constant 31 : i32
        %parallel_loop3A_229 = vector.broadcast %parallel_loop3A_228 : i32 to vector<16xi32>
        %parallel_loop3A_230 = arith.andi %parallel_loop3A_227, %parallel_loop3A_229 : vector<16xi32>
        %parallel_loop3A_231 = tpu.vector_load_idx %arg7[%parallel_loop3A_168, %parallel_loop3A_230] : memref<512x32xf32, #tpu.memory_space<vmem>>[vector<16xi32>, vector<16xi32>], vector<16xf32>,
        %parallel_loop3A_232 = math.exp %parallel_loop3A_231 : vector<16xf32>
        %parallel_loop3A_233 = arith.addf %parallel_loop3A_193, %parallel_loop3A_232 : vector<16xf32>
        %parallel_loop3A_234 = arith.addf %parallel_loop3A_194, %parallel_loop3A_231 : vector<16xf32>
        %parallel_loop3A_235 = arith.constant 5 : i32
        %parallel_loop3A_236 = vector.broadcast %parallel_loop3A_235 : i32 to vector<16xi32>
        %parallel_loop3A_237 = arith.addi %iota3A, %parallel_loop3A_236 : vector<16xi32>
        %parallel_loop3A_238 = arith.constant 31 : i32
        %parallel_loop3A_239 = vector.broadcast %parallel_loop3A_238 : i32 to vector<16xi32>
        %parallel_loop3A_240 = arith.andi %parallel_loop3A_237, %parallel_loop3A_239 : vector<16xi32>
        %parallel_loop3A_241 = tpu.vector_load_idx %arg7[%parallel_loop3A_168, %parallel_loop3A_240] : memref<512x32xf32, #tpu.memory_space<vmem>>[vector<16xi32>, vector<16xi32>], vector<16xf32>,
        %parallel_loop3A_242 = math.exp %parallel_loop3A_241 : vector<16xf32>
        %parallel_loop3A_243 = arith.addf %parallel_loop3A_203, %parallel_loop3A_242 : vector<16xf32>
        %parallel_loop3A_244 = arith.addf %parallel_loop3A_204, %parallel_loop3A_241 : vector<16xf32>
        %parallel_loop3A_245 = arith.constant 6 : i32
        %parallel_loop3A_246 = vector.broadcast %parallel_loop3A_245 : i32 to vector<16xi32>
        %parallel_loop3A_247 = arith.addi %iota3A, %parallel_loop3A_246 : vector<16xi32>
        %parallel_loop3A_248 = arith.constant 31 : i32
        %parallel_loop3A_249 = vector.broadcast %parallel_loop3A_248 : i32 to vector<16xi32>
        %parallel_loop3A_250 = arith.andi %parallel_loop3A_247, %parallel_loop3A_249 : vector<16xi32>
        %parallel_loop3A_251 = tpu.vector_load_idx %arg7[%parallel_loop3A_168, %parallel_loop3A_250] : memref<512x32xf32, #tpu.memory_space<vmem>>[vector<16xi32>, vector<16xi32>], vector<16xf32>,
        %parallel_loop3A_252 = math.exp %parallel_loop3A_251 : vector<16xf32>
        %parallel_loop3A_253 = arith.addf %parallel_loop3A_213, %parallel_loop3A_252 : vector<16xf32>
        %parallel_loop3A_254 = arith.addf %parallel_loop3A_214, %parallel_loop3A_251 : vector<16xf32>
        %parallel_loop3A_255 = arith.constant 7 : i32
        %parallel_loop3A_256 = vector.broadcast %parallel_loop3A_255 : i32 to vector<16xi32>
        %parallel_loop3A_257 = arith.addi %iota3A, %parallel_loop3A_256 : vector<16xi32>
        %parallel_loop3A_258 = arith.constant 31 : i32
        %parallel_loop3A_259 = vector.broadcast %parallel_loop3A_258 : i32 to vector<16xi32>
        %parallel_loop3A_260 = arith.andi %parallel_loop3A_257, %parallel_loop3A_259 : vector<16xi32>
        %parallel_loop3A_261 = tpu.vector_load_idx %arg7[%parallel_loop3A_168, %parallel_loop3A_260] : memref<512x32xf32, #tpu.memory_space<vmem>>[vector<16xi32>, vector<16xi32>], vector<16xf32>,
        %parallel_loop3A_262 = math.exp %parallel_loop3A_261 : vector<16xf32>
        %parallel_loop3A_263 = arith.addf %parallel_loop3A_223, %parallel_loop3A_262 : vector<16xf32>
        %parallel_loop3A_264 = arith.addf %parallel_loop3A_224, %parallel_loop3A_261 : vector<16xf32>
        %parallel_loop3A_265 = arith.constant 8 : i32
        %parallel_loop3A_266 = vector.broadcast %parallel_loop3A_265 : i32 to vector<16xi32>
        %parallel_loop3A_267 = arith.addi %iota3A, %parallel_loop3A_266 : vector<16xi32>
        %parallel_loop3A_268 = arith.constant 31 : i32
        %parallel_loop3A_269 = vector.broadcast %parallel_loop3A_268 : i32 to vector<16xi32>
        %parallel_loop3A_270 = arith.andi %parallel_loop3A_267, %parallel_loop3A_269 : vector<16xi32>
        %parallel_loop3A_271 = tpu.vector_load_idx %arg7[%parallel_loop3A_168, %parallel_loop3A_270] : memref<512x32xf32, #tpu.memory_space<vmem>>[vector<16xi32>, vector<16xi32>], vector<16xf32>,
        %parallel_loop3A_272 = math.exp %parallel_loop3A_271 : vector<16xf32>
        %parallel_loop3A_273 = arith.addf %parallel_loop3A_233, %parallel_loop3A_272 : vector<16xf32>
        %parallel_loop3A_274 = arith.addf %parallel_loop3A_234, %parallel_loop3A_271 : vector<16xf32>
        %parallel_loop3A_275 = arith.constant 9 : i32
        %parallel_loop3A_276 = vector.broadcast %parallel_loop3A_275 : i32 to vector<16xi32>
        %parallel_loop3A_277 = arith.addi %iota3A, %parallel_loop3A_276 : vector<16xi32>
        %parallel_loop3A_278 = arith.constant 31 : i32
        %parallel_loop3A_279 = vector.broadcast %parallel_loop3A_278 : i32 to vector<16xi32>
        %parallel_loop3A_280 = arith.andi %parallel_loop3A_277, %parallel_loop3A_279 : vector<16xi32>
        %parallel_loop3A_281 = tpu.vector_load_idx %arg7[%parallel_loop3A_168, %parallel_loop3A_280] : memref<512x32xf32, #tpu.memory_space<vmem>>[vector<16xi32>, vector<16xi32>], vector<16xf32>,
        %parallel_loop3A_282 = math.exp %parallel_loop3A_281 : vector<16xf32>
        %parallel_loop3A_283 = arith.addf %parallel_loop3A_243, %parallel_loop3A_282 : vector<16xf32>
        %parallel_loop3A_284 = arith.addf %parallel_loop3A_244, %parallel_loop3A_281 : vector<16xf32>
        %parallel_loop3A_285 = arith.constant 10 : i32
        %parallel_loop3A_286 = vector.broadcast %parallel_loop3A_285 : i32 to vector<16xi32>
        %parallel_loop3A_287 = arith.addi %iota3A, %parallel_loop3A_286 : vector<16xi32>
        %parallel_loop3A_288 = arith.constant 31 : i32
        %parallel_loop3A_289 = vector.broadcast %parallel_loop3A_288 : i32 to vector<16xi32>
        %parallel_loop3A_290 = arith.andi %parallel_loop3A_287, %parallel_loop3A_289 : vector<16xi32>
        %parallel_loop3A_291 = tpu.vector_load_idx %arg7[%parallel_loop3A_168, %parallel_loop3A_290] : memref<512x32xf32, #tpu.memory_space<vmem>>[vector<16xi32>, vector<16xi32>], vector<16xf32>,
        %parallel_loop3A_292 = math.exp %parallel_loop3A_291 : vector<16xf32>
        %parallel_loop3A_293 = arith.addf %parallel_loop3A_253, %parallel_loop3A_292 : vector<16xf32>
        %parallel_loop3A_294 = arith.addf %parallel_loop3A_254, %parallel_loop3A_291 : vector<16xf32>
        %parallel_loop3A_295 = arith.constant 11 : i32
        %parallel_loop3A_296 = vector.broadcast %parallel_loop3A_295 : i32 to vector<16xi32>
        %parallel_loop3A_297 = arith.addi %iota3A, %parallel_loop3A_296 : vector<16xi32>
        %parallel_loop3A_298 = arith.constant 31 : i32
        %parallel_loop3A_299 = vector.broadcast %parallel_loop3A_298 : i32 to vector<16xi32>
        %parallel_loop3A_300 = arith.andi %parallel_loop3A_297, %parallel_loop3A_299 : vector<16xi32>
        %parallel_loop3A_301 = tpu.vector_load_idx %arg7[%parallel_loop3A_168, %parallel_loop3A_300] : memref<512x32xf32, #tpu.memory_space<vmem>>[vector<16xi32>, vector<16xi32>], vector<16xf32>,
        %parallel_loop3A_302 = math.exp %parallel_loop3A_301 : vector<16xf32>
        %parallel_loop3A_303 = arith.addf %parallel_loop3A_263, %parallel_loop3A_302 : vector<16xf32>
        %parallel_loop3A_304 = arith.addf %parallel_loop3A_264, %parallel_loop3A_301 : vector<16xf32>
        %parallel_loop3A_305 = arith.constant 12 : i32
        %parallel_loop3A_306 = vector.broadcast %parallel_loop3A_305 : i32 to vector<16xi32>
        %parallel_loop3A_307 = arith.addi %iota3A, %parallel_loop3A_306 : vector<16xi32>
        %parallel_loop3A_308 = arith.constant 31 : i32
        %parallel_loop3A_309 = vector.broadcast %parallel_loop3A_308 : i32 to vector<16xi32>
        %parallel_loop3A_310 = arith.andi %parallel_loop3A_307, %parallel_loop3A_309 : vector<16xi32>
        %parallel_loop3A_311 = tpu.vector_load_idx %arg7[%parallel_loop3A_168, %parallel_loop3A_310] : memref<512x32xf32, #tpu.memory_space<vmem>>[vector<16xi32>, vector<16xi32>], vector<16xf32>,
        %parallel_loop3A_312 = math.exp %parallel_loop3A_311 : vector<16xf32>
        %parallel_loop3A_313 = arith.addf %parallel_loop3A_273, %parallel_loop3A_312 : vector<16xf32>
        %parallel_loop3A_314 = arith.addf %parallel_loop3A_274, %parallel_loop3A_311 : vector<16xf32>
        %parallel_loop3A_315 = arith.constant 13 : i32
        %parallel_loop3A_316 = vector.broadcast %parallel_loop3A_315 : i32 to vector<16xi32>
        %parallel_loop3A_317 = arith.addi %iota3A, %parallel_loop3A_316 : vector<16xi32>
        %parallel_loop3A_318 = arith.constant 31 : i32
        %parallel_loop3A_319 = vector.broadcast %parallel_loop3A_318 : i32 to vector<16xi32>
        %parallel_loop3A_320 = arith.andi %parallel_loop3A_317, %parallel_loop3A_319 : vector<16xi32>
        %parallel_loop3A_321 = tpu.vector_load_idx %arg7[%parallel_loop3A_168, %parallel_loop3A_320] : memref<512x32xf32, #tpu.memory_space<vmem>>[vector<16xi32>, vector<16xi32>], vector<16xf32>,
        %parallel_loop3A_322 = math.exp %parallel_loop3A_321 : vector<16xf32>
        %parallel_loop3A_323 = arith.addf %parallel_loop3A_283, %parallel_loop3A_322 : vector<16xf32>
        %parallel_loop3A_324 = arith.addf %parallel_loop3A_284, %parallel_loop3A_321 : vector<16xf32>
        %parallel_loop3A_325 = arith.constant 14 : i32
        %parallel_loop3A_326 = vector.broadcast %parallel_loop3A_325 : i32 to vector<16xi32>
        %parallel_loop3A_327 = arith.addi %iota3A, %parallel_loop3A_326 : vector<16xi32>
        %parallel_loop3A_328 = arith.constant 31 : i32
        %parallel_loop3A_329 = vector.broadcast %parallel_loop3A_328 : i32 to vector<16xi32>
        %parallel_loop3A_330 = arith.andi %parallel_loop3A_327, %parallel_loop3A_329 : vector<16xi32>
        %parallel_loop3A_331 = tpu.vector_load_idx %arg7[%parallel_loop3A_168, %parallel_loop3A_330] : memref<512x32xf32, #tpu.memory_space<vmem>>[vector<16xi32>, vector<16xi32>], vector<16xf32>,
        %parallel_loop3A_332 = math.exp %parallel_loop3A_331 : vector<16xf32>
        %parallel_loop3A_333 = arith.addf %parallel_loop3A_293, %parallel_loop3A_332 : vector<16xf32>
        %parallel_loop3A_334 = arith.addf %parallel_loop3A_294, %parallel_loop3A_331 : vector<16xf32>
        %parallel_loop3A_335 = arith.constant 15 : i32
        %parallel_loop3A_336 = vector.broadcast %parallel_loop3A_335 : i32 to vector<16xi32>
        %parallel_loop3A_337 = arith.addi %iota3A, %parallel_loop3A_336 : vector<16xi32>
        %parallel_loop3A_338 = arith.constant 31 : i32
        %parallel_loop3A_339 = vector.broadcast %parallel_loop3A_338 : i32 to vector<16xi32>
        %parallel_loop3A_340 = arith.andi %parallel_loop3A_337, %parallel_loop3A_339 : vector<16xi32>
        %parallel_loop3A_341 = tpu.vector_load_idx %arg7[%parallel_loop3A_168, %parallel_loop3A_340] : memref<512x32xf32, #tpu.memory_space<vmem>>[vector<16xi32>, vector<16xi32>], vector<16xf32>,
        %parallel_loop3A_342 = math.exp %parallel_loop3A_341 : vector<16xf32>
        %parallel_loop3A_343 = arith.addf %parallel_loop3A_303, %parallel_loop3A_342 : vector<16xf32>
        %parallel_loop3A_344 = arith.addf %parallel_loop3A_304, %parallel_loop3A_341 : vector<16xf32>
        %parallel_loop3A_345 = arith.constant 16 : i32
        %parallel_loop3A_346 = vector.broadcast %parallel_loop3A_345 : i32 to vector<16xi32>
        %parallel_loop3A_347 = arith.addi %iota3A, %parallel_loop3A_346 : vector<16xi32>
        %parallel_loop3A_348 = arith.constant 31 : i32
        %parallel_loop3A_349 = vector.broadcast %parallel_loop3A_348 : i32 to vector<16xi32>
        %parallel_loop3A_350 = arith.andi %parallel_loop3A_347, %parallel_loop3A_349 : vector<16xi32>
        %parallel_loop3A_351 = tpu.vector_load_idx %arg7[%parallel_loop3A_168, %parallel_loop3A_350] : memref<512x32xf32, #tpu.memory_space<vmem>>[vector<16xi32>, vector<16xi32>], vector<16xf32>,
        %parallel_loop3A_352 = math.exp %parallel_loop3A_351 : vector<16xf32>
        %parallel_loop3A_353 = arith.addf %parallel_loop3A_313, %parallel_loop3A_352 : vector<16xf32>
        %parallel_loop3A_354 = arith.addf %parallel_loop3A_314, %parallel_loop3A_351 : vector<16xf32>
        %parallel_loop3A_355 = arith.constant 17 : i32
        %parallel_loop3A_356 = vector.broadcast %parallel_loop3A_355 : i32 to vector<16xi32>
        %parallel_loop3A_357 = arith.addi %iota3A, %parallel_loop3A_356 : vector<16xi32>
        %parallel_loop3A_358 = arith.constant 31 : i32
        %parallel_loop3A_359 = vector.broadcast %parallel_loop3A_358 : i32 to vector<16xi32>
        %parallel_loop3A_360 = arith.andi %parallel_loop3A_357, %parallel_loop3A_359 : vector<16xi32>
        %parallel_loop3A_361 = tpu.vector_load_idx %arg7[%parallel_loop3A_168, %parallel_loop3A_360] : memref<512x32xf32, #tpu.memory_space<vmem>>[vector<16xi32>, vector<16xi32>], vector<16xf32>,
        %parallel_loop3A_362 = math.exp %parallel_loop3A_361 : vector<16xf32>
        %parallel_loop3A_363 = arith.addf %parallel_loop3A_323, %parallel_loop3A_362 : vector<16xf32>
        %parallel_loop3A_364 = arith.addf %parallel_loop3A_324, %parallel_loop3A_361 : vector<16xf32>
        %parallel_loop3A_365 = arith.constant 18 : i32
        %parallel_loop3A_366 = vector.broadcast %parallel_loop3A_365 : i32 to vector<16xi32>
        %parallel_loop3A_367 = arith.addi %iota3A, %parallel_loop3A_366 : vector<16xi32>
        %parallel_loop3A_368 = arith.constant 31 : i32
        %parallel_loop3A_369 = vector.broadcast %parallel_loop3A_368 : i32 to vector<16xi32>
        %parallel_loop3A_370 = arith.andi %parallel_loop3A_367, %parallel_loop3A_369 : vector<16xi32>
        %parallel_loop3A_371 = tpu.vector_load_idx %arg7[%parallel_loop3A_168, %parallel_loop3A_370] : memref<512x32xf32, #tpu.memory_space<vmem>>[vector<16xi32>, vector<16xi32>], vector<16xf32>,
        %parallel_loop3A_372 = math.exp %parallel_loop3A_371 : vector<16xf32>
        %parallel_loop3A_373 = arith.addf %parallel_loop3A_333, %parallel_loop3A_372 : vector<16xf32>
        %parallel_loop3A_374 = arith.addf %parallel_loop3A_334, %parallel_loop3A_371 : vector<16xf32>
        %parallel_loop3A_375 = arith.constant 19 : i32
        %parallel_loop3A_376 = vector.broadcast %parallel_loop3A_375 : i32 to vector<16xi32>
        %parallel_loop3A_377 = arith.addi %iota3A, %parallel_loop3A_376 : vector<16xi32>
        %parallel_loop3A_378 = arith.constant 31 : i32
        %parallel_loop3A_379 = vector.broadcast %parallel_loop3A_378 : i32 to vector<16xi32>
        %parallel_loop3A_380 = arith.andi %parallel_loop3A_377, %parallel_loop3A_379 : vector<16xi32>
        %parallel_loop3A_381 = tpu.vector_load_idx %arg7[%parallel_loop3A_168, %parallel_loop3A_380] : memref<512x32xf32, #tpu.memory_space<vmem>>[vector<16xi32>, vector<16xi32>], vector<16xf32>,
        %parallel_loop3A_382 = math.exp %parallel_loop3A_381 : vector<16xf32>
        %parallel_loop3A_383 = arith.addf %parallel_loop3A_343, %parallel_loop3A_382 : vector<16xf32>
        %parallel_loop3A_384 = arith.addf %parallel_loop3A_344, %parallel_loop3A_381 : vector<16xf32>
        %parallel_loop3A_385 = arith.constant 20 : i32
        %parallel_loop3A_386 = vector.broadcast %parallel_loop3A_385 : i32 to vector<16xi32>
        %parallel_loop3A_387 = arith.addi %iota3A, %parallel_loop3A_386 : vector<16xi32>
        %parallel_loop3A_388 = arith.constant 31 : i32
        %parallel_loop3A_389 = vector.broadcast %parallel_loop3A_388 : i32 to vector<16xi32>
        %parallel_loop3A_390 = arith.andi %parallel_loop3A_387, %parallel_loop3A_389 : vector<16xi32>
        %parallel_loop3A_391 = tpu.vector_load_idx %arg7[%parallel_loop3A_168, %parallel_loop3A_390] : memref<512x32xf32, #tpu.memory_space<vmem>>[vector<16xi32>, vector<16xi32>], vector<16xf32>,
        %parallel_loop3A_392 = math.exp %parallel_loop3A_391 : vector<16xf32>
        %parallel_loop3A_393 = arith.addf %parallel_loop3A_353, %parallel_loop3A_392 : vector<16xf32>
        %parallel_loop3A_394 = arith.addf %parallel_loop3A_354, %parallel_loop3A_391 : vector<16xf32>
        %parallel_loop3A_395 = arith.constant 21 : i32
        %parallel_loop3A_396 = vector.broadcast %parallel_loop3A_395 : i32 to vector<16xi32>
        %parallel_loop3A_397 = arith.addi %iota3A, %parallel_loop3A_396 : vector<16xi32>
        %parallel_loop3A_398 = arith.constant 31 : i32
        %parallel_loop3A_399 = vector.broadcast %parallel_loop3A_398 : i32 to vector<16xi32>
        %parallel_loop3A_400 = arith.andi %parallel_loop3A_397, %parallel_loop3A_399 : vector<16xi32>
        %parallel_loop3A_401 = tpu.vector_load_idx %arg7[%parallel_loop3A_168, %parallel_loop3A_400] : memref<512x32xf32, #tpu.memory_space<vmem>>[vector<16xi32>, vector<16xi32>], vector<16xf32>,
        %parallel_loop3A_402 = math.exp %parallel_loop3A_401 : vector<16xf32>
        %parallel_loop3A_403 = arith.addf %parallel_loop3A_363, %parallel_loop3A_402 : vector<16xf32>
        %parallel_loop3A_404 = arith.addf %parallel_loop3A_364, %parallel_loop3A_401 : vector<16xf32>
        %parallel_loop3A_405 = arith.constant 22 : i32
        %parallel_loop3A_406 = vector.broadcast %parallel_loop3A_405 : i32 to vector<16xi32>
        %parallel_loop3A_407 = arith.addi %iota3A, %parallel_loop3A_406 : vector<16xi32>
        %parallel_loop3A_408 = arith.constant 31 : i32
        %parallel_loop3A_409 = vector.broadcast %parallel_loop3A_408 : i32 to vector<16xi32>
        %parallel_loop3A_410 = arith.andi %parallel_loop3A_407, %parallel_loop3A_409 : vector<16xi32>
        %parallel_loop3A_411 = tpu.vector_load_idx %arg7[%parallel_loop3A_168, %parallel_loop3A_410] : memref<512x32xf32, #tpu.memory_space<vmem>>[vector<16xi32>, vector<16xi32>], vector<16xf32>,
        %parallel_loop3A_412 = math.exp %parallel_loop3A_411 : vector<16xf32>
        %parallel_loop3A_413 = arith.addf %parallel_loop3A_373, %parallel_loop3A_412 : vector<16xf32>
        %parallel_loop3A_414 = arith.addf %parallel_loop3A_374, %parallel_loop3A_411 : vector<16xf32>
        %parallel_loop3A_415 = arith.constant 23 : i32
        %parallel_loop3A_416 = vector.broadcast %parallel_loop3A_415 : i32 to vector<16xi32>
        %parallel_loop3A_417 = arith.addi %iota3A, %parallel_loop3A_416 : vector<16xi32>
        %parallel_loop3A_418 = arith.constant 31 : i32
        %parallel_loop3A_419 = vector.broadcast %parallel_loop3A_418 : i32 to vector<16xi32>
        %parallel_loop3A_420 = arith.andi %parallel_loop3A_417, %parallel_loop3A_419 : vector<16xi32>
        %parallel_loop3A_421 = tpu.vector_load_idx %arg7[%parallel_loop3A_168, %parallel_loop3A_420] : memref<512x32xf32, #tpu.memory_space<vmem>>[vector<16xi32>, vector<16xi32>], vector<16xf32>,
        %parallel_loop3A_422 = math.exp %parallel_loop3A_421 : vector<16xf32>
        %parallel_loop3A_423 = arith.addf %parallel_loop3A_383, %parallel_loop3A_422 : vector<16xf32>
        %parallel_loop3A_424 = arith.addf %parallel_loop3A_384, %parallel_loop3A_421 : vector<16xf32>
        %parallel_loop3A_425 = arith.constant 24 : i32
        %parallel_loop3A_426 = vector.broadcast %parallel_loop3A_425 : i32 to vector<16xi32>
        %parallel_loop3A_427 = arith.addi %iota3A, %parallel_loop3A_426 : vector<16xi32>
        %parallel_loop3A_428 = arith.constant 31 : i32
        %parallel_loop3A_429 = vector.broadcast %parallel_loop3A_428 : i32 to vector<16xi32>
        %parallel_loop3A_430 = arith.andi %parallel_loop3A_427, %parallel_loop3A_429 : vector<16xi32>
        %parallel_loop3A_431 = tpu.vector_load_idx %arg7[%parallel_loop3A_168, %parallel_loop3A_430] : memref<512x32xf32, #tpu.memory_space<vmem>>[vector<16xi32>, vector<16xi32>], vector<16xf32>,
        %parallel_loop3A_432 = math.exp %parallel_loop3A_431 : vector<16xf32>
        %parallel_loop3A_433 = arith.addf %parallel_loop3A_393, %parallel_loop3A_432 : vector<16xf32>
        %parallel_loop3A_434 = arith.addf %parallel_loop3A_394, %parallel_loop3A_431 : vector<16xf32>
        %parallel_loop3A_435 = arith.constant 25 : i32
        %parallel_loop3A_436 = vector.broadcast %parallel_loop3A_435 : i32 to vector<16xi32>
        %parallel_loop3A_437 = arith.addi %iota3A, %parallel_loop3A_436 : vector<16xi32>
        %parallel_loop3A_438 = arith.constant 31 : i32
        %parallel_loop3A_439 = vector.broadcast %parallel_loop3A_438 : i32 to vector<16xi32>
        %parallel_loop3A_440 = arith.andi %parallel_loop3A_437, %parallel_loop3A_439 : vector<16xi32>
        %parallel_loop3A_441 = tpu.vector_load_idx %arg7[%parallel_loop3A_168, %parallel_loop3A_440] : memref<512x32xf32, #tpu.memory_space<vmem>>[vector<16xi32>, vector<16xi32>], vector<16xf32>,
        %parallel_loop3A_442 = math.exp %parallel_loop3A_441 : vector<16xf32>
        %parallel_loop3A_443 = arith.addf %parallel_loop3A_403, %parallel_loop3A_442 : vector<16xf32>
        %parallel_loop3A_444 = arith.addf %parallel_loop3A_404, %parallel_loop3A_441 : vector<16xf32>
        %parallel_loop3A_445 = arith.constant 26 : i32
        %parallel_loop3A_446 = vector.broadcast %parallel_loop3A_445 : i32 to vector<16xi32>
        %parallel_loop3A_447 = arith.addi %iota3A, %parallel_loop3A_446 : vector<16xi32>
        %parallel_loop3A_448 = arith.constant 31 : i32
        %parallel_loop3A_449 = vector.broadcast %parallel_loop3A_448 : i32 to vector<16xi32>
        %parallel_loop3A_450 = arith.andi %parallel_loop3A_447, %parallel_loop3A_449 : vector<16xi32>
        %parallel_loop3A_451 = tpu.vector_load_idx %arg7[%parallel_loop3A_168, %parallel_loop3A_450] : memref<512x32xf32, #tpu.memory_space<vmem>>[vector<16xi32>, vector<16xi32>], vector<16xf32>,
        %parallel_loop3A_452 = math.exp %parallel_loop3A_451 : vector<16xf32>
        %parallel_loop3A_453 = arith.addf %parallel_loop3A_413, %parallel_loop3A_452 : vector<16xf32>
        %parallel_loop3A_454 = arith.addf %parallel_loop3A_414, %parallel_loop3A_451 : vector<16xf32>
        %parallel_loop3A_455 = arith.constant 27 : i32
        %parallel_loop3A_456 = vector.broadcast %parallel_loop3A_455 : i32 to vector<16xi32>
        %parallel_loop3A_457 = arith.addi %iota3A, %parallel_loop3A_456 : vector<16xi32>
        %parallel_loop3A_458 = arith.constant 31 : i32
        %parallel_loop3A_459 = vector.broadcast %parallel_loop3A_458 : i32 to vector<16xi32>
        %parallel_loop3A_460 = arith.andi %parallel_loop3A_457, %parallel_loop3A_459 : vector<16xi32>
        %parallel_loop3A_461 = tpu.vector_load_idx %arg7[%parallel_loop3A_168, %parallel_loop3A_460] : memref<512x32xf32, #tpu.memory_space<vmem>>[vector<16xi32>, vector<16xi32>], vector<16xf32>,
        %parallel_loop3A_462 = math.exp %parallel_loop3A_461 : vector<16xf32>
        %parallel_loop3A_463 = arith.addf %parallel_loop3A_423, %parallel_loop3A_462 : vector<16xf32>
        %parallel_loop3A_464 = arith.addf %parallel_loop3A_424, %parallel_loop3A_461 : vector<16xf32>
        %parallel_loop3A_465 = arith.constant 28 : i32
        %parallel_loop3A_466 = vector.broadcast %parallel_loop3A_465 : i32 to vector<16xi32>
        %parallel_loop3A_467 = arith.addi %iota3A, %parallel_loop3A_466 : vector<16xi32>
        %parallel_loop3A_468 = arith.constant 31 : i32
        %parallel_loop3A_469 = vector.broadcast %parallel_loop3A_468 : i32 to vector<16xi32>
        %parallel_loop3A_470 = arith.andi %parallel_loop3A_467, %parallel_loop3A_469 : vector<16xi32>
        %parallel_loop3A_471 = tpu.vector_load_idx %arg7[%parallel_loop3A_168, %parallel_loop3A_470] : memref<512x32xf32, #tpu.memory_space<vmem>>[vector<16xi32>, vector<16xi32>], vector<16xf32>,
        %parallel_loop3A_472 = math.exp %parallel_loop3A_471 : vector<16xf32>
        %parallel_loop3A_473 = arith.addf %parallel_loop3A_433, %parallel_loop3A_472 : vector<16xf32>
        %parallel_loop3A_474 = arith.addf %parallel_loop3A_434, %parallel_loop3A_471 : vector<16xf32>
        %parallel_loop3A_475 = arith.constant 29 : i32
        %parallel_loop3A_476 = vector.broadcast %parallel_loop3A_475 : i32 to vector<16xi32>
        %parallel_loop3A_477 = arith.addi %iota3A, %parallel_loop3A_476 : vector<16xi32>
        %parallel_loop3A_478 = arith.constant 31 : i32
        %parallel_loop3A_479 = vector.broadcast %parallel_loop3A_478 : i32 to vector<16xi32>
        %parallel_loop3A_480 = arith.andi %parallel_loop3A_477, %parallel_loop3A_479 : vector<16xi32>
        %parallel_loop3A_481 = tpu.vector_load_idx %arg7[%parallel_loop3A_168, %parallel_loop3A_480] : memref<512x32xf32, #tpu.memory_space<vmem>>[vector<16xi32>, vector<16xi32>], vector<16xf32>,
        %parallel_loop3A_482 = math.exp %parallel_loop3A_481 : vector<16xf32>
        %parallel_loop3A_483 = arith.addf %parallel_loop3A_443, %parallel_loop3A_482 : vector<16xf32>
        %parallel_loop3A_484 = arith.addf %parallel_loop3A_444, %parallel_loop3A_481 : vector<16xf32>
        %parallel_loop3A_485 = arith.constant 30 : i32
        %parallel_loop3A_486 = vector.broadcast %parallel_loop3A_485 : i32 to vector<16xi32>
        %parallel_loop3A_487 = arith.addi %iota3A, %parallel_loop3A_486 : vector<16xi32>
        %parallel_loop3A_488 = arith.constant 31 : i32
        %parallel_loop3A_489 = vector.broadcast %parallel_loop3A_488 : i32 to vector<16xi32>
        %parallel_loop3A_490 = arith.andi %parallel_loop3A_487, %parallel_loop3A_489 : vector<16xi32>
        %parallel_loop3A_491 = tpu.vector_load_idx %arg7[%parallel_loop3A_168, %parallel_loop3A_490] : memref<512x32xf32, #tpu.memory_space<vmem>>[vector<16xi32>, vector<16xi32>], vector<16xf32>,
        %parallel_loop3A_492 = math.exp %parallel_loop3A_491 : vector<16xf32>
        %parallel_loop3A_493 = arith.addf %parallel_loop3A_453, %parallel_loop3A_492 : vector<16xf32>
        %parallel_loop3A_494 = arith.addf %parallel_loop3A_454, %parallel_loop3A_491 : vector<16xf32>
        %parallel_loop3A_495 = arith.constant 31 : i32
        %parallel_loop3A_496 = vector.broadcast %parallel_loop3A_495 : i32 to vector<16xi32>
        %parallel_loop3A_497 = arith.addi %iota3A, %parallel_loop3A_496 : vector<16xi32>
        %parallel_loop3A_498 = arith.constant 31 : i32
        %parallel_loop3A_499 = vector.broadcast %parallel_loop3A_498 : i32 to vector<16xi32>
        %parallel_loop3A_500 = arith.andi %parallel_loop3A_497, %parallel_loop3A_499 : vector<16xi32>
        %parallel_loop3A_501 = tpu.vector_load_idx %arg7[%parallel_loop3A_168, %parallel_loop3A_500] : memref<512x32xf32, #tpu.memory_space<vmem>>[vector<16xi32>, vector<16xi32>], vector<16xf32>,
        %parallel_loop3A_502 = math.exp %parallel_loop3A_501 : vector<16xf32>
        %parallel_loop3A_503 = arith.addf %parallel_loop3A_463, %parallel_loop3A_502 : vector<16xf32>
        %parallel_loop3A_504 = arith.addf %parallel_loop3A_464, %parallel_loop3A_501 : vector<16xf32>
        %parallel_loop3A_505 = arith.addf %parallel_loop3A_473, %parallel_loop3A_483 : vector<16xf32>
        %parallel_loop3A_506 = arith.addf %parallel_loop3A_493, %parallel_loop3A_503 : vector<16xf32>
        %parallel_loop3A_507 = arith.addf %parallel_loop3A_505, %parallel_loop3A_506 : vector<16xf32>
        %parallel_loop3A_508 = arith.addf %parallel_loop3A_474, %parallel_loop3A_484 : vector<16xf32>
        %parallel_loop3A_509 = arith.addf %parallel_loop3A_494, %parallel_loop3A_504 : vector<16xf32>
        %parallel_loop3A_510 = arith.addf %parallel_loop3A_508, %parallel_loop3A_509 : vector<16xf32>
        %parallel_loop3A_511 = tpu.vector_load_idx %arg7[%parallel_loop3A_168, %gather3A] : memref<512x32xf32, #tpu.memory_space<vmem>>[vector<16xi32>, vector<16xi32>], vector<16xf32>,
        %parallel_loop3A_512 = tpu.bitcast %parallel_loop3A_507 : vector<16xf32> -> vector<16xi32>
        %parallel_loop3A_513 = arith.constant 23 : i32
        %parallel_loop3A_514 = vector.broadcast %parallel_loop3A_513 : i32 to vector<16xi32>
        %parallel_loop3A_515 = arith.shrsi %parallel_loop3A_512, %parallel_loop3A_514 : vector<16xi32>
        %parallel_loop3A_516 = arith.constant 255 : i32
        %parallel_loop3A_517 = vector.broadcast %parallel_loop3A_516 : i32 to vector<16xi32>
        %parallel_loop3A_518 = arith.andi %parallel_loop3A_515, %parallel_loop3A_517 : vector<16xi32>
        %parallel_loop3A_519 = arith.constant 127 : i32
        %parallel_loop3A_520 = vector.broadcast %parallel_loop3A_519 : i32 to vector<16xi32>
        %parallel_loop3A_521 = arith.subi %parallel_loop3A_518, %parallel_loop3A_520 : vector<16xi32>
        %parallel_loop3A_522 = arith.constant 8388607 : i32
        %parallel_loop3A_523 = vector.broadcast %parallel_loop3A_522 : i32 to vector<16xi32>
        %parallel_loop3A_524 = arith.andi %parallel_loop3A_512, %parallel_loop3A_523 : vector<16xi32>
        %parallel_loop3A_525 = arith.constant 1065353216 : i32
        %parallel_loop3A_526 = vector.broadcast %parallel_loop3A_525 : i32 to vector<16xi32>
        %parallel_loop3A_527 = arith.ori %parallel_loop3A_524, %parallel_loop3A_526 : vector<16xi32>
        %parallel_loop3A_528 = tpu.bitcast %parallel_loop3A_527 : vector<16xi32> -> vector<16xf32>
        %parallel_loop3A_529 = arith.constant 1.000000e+00 : f32
        %parallel_loop3A_530 = vector.broadcast %parallel_loop3A_529 : f32 to vector<16xf32>
        %parallel_loop3A_531 = arith.subf %parallel_loop3A_528, %parallel_loop3A_530 : vector<16xf32>
        %parallel_loop3A_532 = arith.constant 1.000000e+00 : f32
        %parallel_loop3A_533 = vector.broadcast %parallel_loop3A_532 : f32 to vector<16xf32>
        %parallel_loop3A_534 = arith.addf %parallel_loop3A_528, %parallel_loop3A_533 : vector<16xf32>
        %parallel_loop3A_535 = arith.divf %parallel_loop3A_531, %parallel_loop3A_534 : vector<16xf32>
        %parallel_loop3A_536 = arith.mulf %parallel_loop3A_535, %parallel_loop3A_535 : vector<16xf32>
        %parallel_loop3A_537 = arith.constant 0.111111112 : f32
        %parallel_loop3A_538 = vector.broadcast %parallel_loop3A_537 : f32 to vector<16xf32>
        %parallel_loop3A_539 = arith.mulf %parallel_loop3A_536, %parallel_loop3A_538 : vector<16xf32>
        %parallel_loop3A_540 = arith.constant 0.142857149 : f32
        %parallel_loop3A_541 = vector.broadcast %parallel_loop3A_540 : f32 to vector<16xf32>
        %parallel_loop3A_542 = arith.addf %parallel_loop3A_541, %parallel_loop3A_539 : vector<16xf32>
        %parallel_loop3A_543 = arith.mulf %parallel_loop3A_536, %parallel_loop3A_542 : vector<16xf32>
        %parallel_loop3A_544 = arith.constant 2.000000e-01 : f32
        %parallel_loop3A_545 = vector.broadcast %parallel_loop3A_544 : f32 to vector<16xf32>
        %parallel_loop3A_546 = arith.addf %parallel_loop3A_545, %parallel_loop3A_543 : vector<16xf32>
        %parallel_loop3A_547 = arith.mulf %parallel_loop3A_536, %parallel_loop3A_546 : vector<16xf32>
        %parallel_loop3A_548 = arith.constant 0.333333343 : f32
        %parallel_loop3A_549 = vector.broadcast %parallel_loop3A_548 : f32 to vector<16xf32>
        %parallel_loop3A_550 = arith.addf %parallel_loop3A_549, %parallel_loop3A_547 : vector<16xf32>
        %parallel_loop3A_551 = arith.mulf %parallel_loop3A_536, %parallel_loop3A_550 : vector<16xf32>
        %parallel_loop3A_552 = arith.constant 1.000000e+00 : f32
        %parallel_loop3A_553 = vector.broadcast %parallel_loop3A_552 : f32 to vector<16xf32>
        %parallel_loop3A_554 = arith.addf %parallel_loop3A_553, %parallel_loop3A_551 : vector<16xf32>
        %parallel_loop3A_555 = arith.sitofp %parallel_loop3A_521 : vector<16xi32> to vector<16xf32>
        %parallel_loop3A_556 = arith.constant 0.693147182 : f32
        %parallel_loop3A_557 = vector.broadcast %parallel_loop3A_556 : f32 to vector<16xf32>
        %parallel_loop3A_558 = arith.mulf %parallel_loop3A_555, %parallel_loop3A_557 : vector<16xf32>
        %parallel_loop3A_559 = arith.constant 2.000000e+00 : f32
        %parallel_loop3A_560 = vector.broadcast %parallel_loop3A_559 : f32 to vector<16xf32>
        %parallel_loop3A_561 = arith.mulf %parallel_loop3A_560, %parallel_loop3A_535 : vector<16xf32>
        %parallel_loop3A_562 = arith.mulf %parallel_loop3A_561, %parallel_loop3A_554 : vector<16xf32>
        %parallel_loop3A_563 = arith.addf %parallel_loop3A_558, %parallel_loop3A_562 : vector<16xf32>
        %parallel_loop3A_564 = arith.constant 0.949999988 : f32
        %parallel_loop3A_565 = vector.broadcast %parallel_loop3A_564 : f32 to vector<16xf32>
        %parallel_loop3A_566 = arith.mulf %parallel_loop3A_565, %parallel_loop3A_511 : vector<16xf32>
        %parallel_loop3A_567 = arith.subf %parallel_loop3A_563, %parallel_loop3A_566 : vector<16xf32>
        %parallel_loop3A_568 = arith.constant 1.562500e-03 : f32
        %parallel_loop3A_569 = vector.broadcast %parallel_loop3A_568 : f32 to vector<16xf32>
        %parallel_loop3A_570 = arith.mulf %parallel_loop3A_569, %parallel_loop3A_510 : vector<16xf32>
        %parallel_loop3A_571 = arith.subf %parallel_loop3A_567, %parallel_loop3A_570 : vector<16xf32>
        %parallel_loop3A_572 = arith.constant 16 : i32
        %parallel_loop3A_573 = arith.muli %parallel_loop3A_160, %parallel_loop3A_572 : i32
        %parallel_loop3A_574 = arith.constant 0 : i32
        %parallel_loop3A_575 = arith.addi %parallel_loop3A_574, %parallel_loop3A_573 : i32
        %parallel_loop3A_576 = vector.broadcast %parallel_loop3A_575 : i32 to vector<16xi32>
        %parallel_loop3A_577 = arith.addi %parallel_loop3A_576, %iota3A : vector<16xi32>
        %parallel_loop3A_578 = tpu.vector_load_idx %arg8[%parallel_loop3A_577] : memref<512xf32, #tpu.memory_space<vmem>>[vector<16xi32>], vector<16xf32>,
        %parallel_loop3A_579 = arith.constant 5.55555569E-4 : f32
        %parallel_loop3A_580 = vector.broadcast %parallel_loop3A_579 : f32 to vector<16xf32>
        %parallel_loop3A_581 = arith.mulf %parallel_loop3A_580, %parallel_loop3A_578 : vector<16xf32>
        %parallel_loop3A_582 = arith.constant 3.000000e+00 : f32
        %parallel_loop3A_583 = vector.broadcast %parallel_loop3A_582 : f32 to vector<16xf32>
        %parallel_loop3A_584 = arith.subf %parallel_loop3A_583, %parallel_loop3A_581 : vector<16xf32>
        %parallel_loop3A_585 = arith.constant 5.000000e-01 : f32
        %parallel_loop3A_586 = vector.broadcast %parallel_loop3A_585 : f32 to vector<16xf32>
        %parallel_loop3A_587 = arith.cmpf ogt, %parallel_loop3A_584, %parallel_loop3A_586 : vector<16xf32>
        %parallel_loop3A_588 = arith.constant 1.000000e+00 : f32
        %parallel_loop3A_589 = arith.constant 0.000000e+00 : f32
        %parallel_loop3A_590 = vector.broadcast %parallel_loop3A_588 : f32 to vector<16xf32>
        %parallel_loop3A_591 = vector.broadcast %parallel_loop3A_589 : f32 to vector<16xf32>
        %parallel_loop3A_592 = arith.select %parallel_loop3A_587, %parallel_loop3A_590, %parallel_loop3A_591 : vector<16xi1>, vector<16xf32>
        %parallel_loop3A_593 = arith.mulf %parallel_loop3A_584, %parallel_loop3A_592 : vector<16xf32>
        %parallel_loop3A_594 = arith.mulf %parallel_loop3A_593, %parallel_loop3A_571 : vector<16xf32>
        %parallel_loop3A_595 = arith.addf %parallel_loop3A_161, %parallel_loop3A_594 : vector<16xf32>
        %parallel_loop3A_596 = arith.addf %parallel_loop3A_162, %parallel_loop3A_592 : vector<16xf32>
        scf.yield %parallel_loop3A_595, %parallel_loop3A_596 : vector<16xf32>, vector<16xf32>
      } {sc.loop_unroll_factor = 4 : i64, sc.parallel_access}
      %lt3A_129 = arith.constant 15 : i32
      %lt3A_130 = arith.cmpi slt, %scan3A_41, %lt3A_129 : i32
      %convert_element_type3A = arith.extui %lt3A_130 : i1 to i32
      %cond3A = arith.constant 0 : i32
      %cond3A_131 = arith.cmpi ne, %convert_element_type3A, %cond3A : i32
      scf.if %cond3A_131 {
        %add3A_160 = arith.constant 1 : i32
        %add3A_161 = arith.addi %scan3A_41, %add3A_160 : i32
        %jit3A_162 = arith.constant 4 : i32
        %div3A_163 = arith.divsi %add3A_161, %jit3A_162 : i32
        %sign3A_164 = arith.constant 0 : i32
        %sign3A_165 = arith.cmpi sgt, %add3A_161, %sign3A_164 : i32
        %sign3A_166 = arith.extui %sign3A_165 : i1 to i32
        %sign3A_167 = arith.constant 0 : i32
        %sign3A_168 = arith.cmpi slt, %add3A_161, %sign3A_167 : i32
        %sign3A_169 = arith.extui %sign3A_168 : i1 to i32
        %sign3A_170 = arith.subi %sign3A_166, %sign3A_169 : i32
        %sign3A_171 = arith.constant 0 : i32
        %sign3A_172 = arith.cmpi sgt, %jit3A_162, %sign3A_171 : i32
        %sign3A_173 = arith.extui %sign3A_172 : i1 to i32
        %sign3A_174 = arith.constant 0 : i32
        %sign3A_175 = arith.cmpi slt, %jit3A_162, %sign3A_174 : i32
        %sign3A_176 = arith.extui %sign3A_175 : i1 to i32
        %sign3A_177 = arith.subi %sign3A_173, %sign3A_176 : i32
        %ne3A_178 = arith.cmpi ne, %sign3A_170, %sign3A_177 : i32
        %rem3A_179 = arith.remsi %add3A_161, %jit3A_162 : i32
        %ne3A_180 = arith.constant 0 : i32
        %ne3A_181 = arith.cmpi ne, %rem3A_179, %ne3A_180 : i32
        %and3A_182 = arith.andi %ne3A_178, %ne3A_181 : i1
        %sub3A_183 = arith.constant 1 : i32
        %sub3A_184 = arith.subi %div3A_163, %sub3A_183 : i32
        %select_n3A_185 = arith.select %and3A_182, %sub3A_184, %div3A_163 : i32
        %add3A_186 = arith.addi %mul3A_2, %select_n3A_185 : i32
        %jit3A_187 = arith.constant 4 : i32
        %eq3A_188 = arith.constant 0 : i32
        %eq3A_189 = arith.cmpi eq, %jit3A_187, %eq3A_188 : i32
        %jit3A_190 = arith.constant 1 : i32
        %select_n3A_191 = arith.select %eq3A_189, %jit3A_190, %jit3A_187 : i32
        %rem3A_192 = arith.remsi %add3A_161, %select_n3A_191 : i32
        %ne3A_193 = arith.constant 0 : i32
        %ne3A_194 = arith.cmpi ne, %rem3A_192, %ne3A_193 : i32
        %lt3A_195 = arith.constant 0 : i32
        %lt3A_196 = arith.cmpi slt, %rem3A_192, %lt3A_195 : i32
        %lt3A_197 = arith.constant 0 : i32
        %lt3A_198 = arith.cmpi slt, %select_n3A_191, %lt3A_197 : i32
        %ne3A_199 = arith.xori %lt3A_196, %lt3A_198 : i1
        %and3A_200 = arith.andi %ne3A_199, %ne3A_194 : i1
        %add3A_201 = arith.addi %rem3A_192, %select_n3A_191 : i32
        %select_n3A_202 = arith.select %and3A_200, %add3A_201, %rem3A_192 : i32
        %mul3A_203 = arith.constant 512 : i32
        %mul3A_204 = arith.muli %select_n3A_202, %mul3A_203 : i32
        %mul3A_205 = arith.constant 2048 : i32
        %mul3A_206 = arith.muli %add3A_186, %mul3A_205 : i32
        %add3A_207 = arith.addi %mul3A_206, %mul3A_204 : i32
        %mul3A_208 = arith.constant 2048 : i32
        %mul3A_209 = arith.muli %add3A_186, %mul3A_208 : i32
        %add3A_210 = arith.addi %mul3A_209, %mul3A_204 : i32
        %dma_start3A_211 = arith.constant 0 : i32
        %dma_start3A_212 = arith.constant 0 : i32
        %dma_start3A_213 = tpu.memref_slice %arg7[%dma_start3A_211, %dma_start3A_212] : memref<512x32xf32, #tpu.memory_space<vmem>> -> memref<256x32xf32, #tpu.memory_space<vmem>>
        %dma_start3A_214 = arith.constant 0 : i32
        %dma_start3A_215 = tpu.memref_slice %arg2[%add3A_207, %dma_start3A_214] : memref<262144x32xf32, #tpu.memory_space<hbm>> -> memref<256x32xf32, #tpu.memory_space<hbm>>
        %dma_start3A_216 = arith.constant 0 : i32
        %dma_start3A_217 = arith.constant 0 : i32
        %dma_start3A_218 = tpu.memref_slice %arg7[%dma_start3A_216, %dma_start3A_217] : memref<512x32xf32, #tpu.memory_space<vmem>> -> memref<256x32xf32, #tpu.memory_space<vmem>>
        %dma_start3A_219 = arith.constant 0 : i32
        %dma_start3A_220 = tpu.memref_slice %arg2[%add3A_207, %dma_start3A_219] : memref<262144x32xf32, #tpu.memory_space<hbm>> -> memref<256x32xf32, #tpu.memory_space<hbm>>
        tpu.enqueue_dma source(%dma_start3A_220 : memref<256x32xf32, #tpu.memory_space<hbm>>) target(%dma_start3A_218 : memref<256x32xf32, #tpu.memory_space<vmem>>) target_semaphore(%arg12 : memref<!tpu.dma_semaphore, #tpu.memory_space<semaphore_mem>>)
        %dma_start3A_221 = arith.constant 0 : i32
        %dma_start3A_222 = tpu.memref_slice %arg8[%dma_start3A_221] : memref<512xf32, #tpu.memory_space<vmem>> -> memref<256xf32, #tpu.memory_space<vmem>>
        %dma_start3A_223 = tpu.memref_slice %arg4[%add3A_210] : memref<262144xf32, #tpu.memory_space<hbm>> -> memref<256xf32, #tpu.memory_space<hbm>>
        %dma_start3A_224 = arith.constant 0 : i32
        %dma_start3A_225 = tpu.memref_slice %arg8[%dma_start3A_224] : memref<512xf32, #tpu.memory_space<vmem>> -> memref<256xf32, #tpu.memory_space<vmem>>
        %dma_start3A_226 = tpu.memref_slice %arg4[%add3A_210] : memref<262144xf32, #tpu.memory_space<hbm>> -> memref<256xf32, #tpu.memory_space<hbm>>
        tpu.enqueue_dma source(%dma_start3A_226 : memref<256xf32, #tpu.memory_space<hbm>>) target(%dma_start3A_225 : memref<256xf32, #tpu.memory_space<vmem>>) target_semaphore(%arg12 : memref<!tpu.dma_semaphore, #tpu.memory_space<semaphore_mem>>)
      } else {
      }
      %add3A_132 = arith.constant 256 : i32
      %add3A_133 = arith.addi %mul3A_76, %add3A_132 : i32
      %mul3A_134 = arith.constant 2048 : i32
      %mul3A_135 = arith.muli %add3A_60, %mul3A_134 : i32
      %add3A_136 = arith.addi %mul3A_135, %add3A_133 : i32
      %mul3A_137 = arith.constant 2048 : i32
      %mul3A_138 = arith.muli %add3A_60, %mul3A_137 : i32
      %add3A_139 = arith.addi %mul3A_138, %add3A_133 : i32
      %dma_wait3A_140 = arith.constant 256 : i32
      %dma_wait3A_141 = arith.constant 0 : i32
      %dma_wait3A_142 = tpu.memref_slice %arg7[%dma_wait3A_140, %dma_wait3A_141] : memref<512x32xf32, #tpu.memory_space<vmem>> -> memref<256x32xf32, #tpu.memory_space<vmem>>
      %dma_wait3A_143 = arith.constant 0 : i32
      %dma_wait3A_144 = tpu.memref_slice %arg2[%add3A_136, %dma_wait3A_143] : memref<262144x32xf32, #tpu.memory_space<hbm>> -> memref<256x32xf32, #tpu.memory_space<hbm>>
      %dma_wait3A_145 = arith.constant 256 : i32
      %dma_wait3A_146 = arith.constant 0 : i32
      %dma_wait3A_147 = tpu.memref_slice %arg7[%dma_wait3A_145, %dma_wait3A_146] : memref<512x32xf32, #tpu.memory_space<vmem>> -> memref<256x32xf32, #tpu.memory_space<vmem>>
      %dma_wait3A_148 = arith.constant 0 : i32
      %dma_wait3A_149 = tpu.memref_slice %arg2[%add3A_136, %dma_wait3A_148] : memref<262144x32xf32, #tpu.memory_space<hbm>> -> memref<256x32xf32, #tpu.memory_space<hbm>>
      tpu.wait_dma2 semaphore(%arg13 : memref<!tpu.dma_semaphore, #tpu.memory_space<semaphore_mem>>) src(%dma_wait3A_149 : memref<256x32xf32, #tpu.memory_space<hbm>>) dst(%dma_wait3A_147 : memref<256x32xf32, #tpu.memory_space<vmem>>)
      %dma_wait3A_150 = arith.constant 256 : i32
      %dma_wait3A_151 = tpu.memref_slice %arg8[%dma_wait3A_150] : memref<512xf32, #tpu.memory_space<vmem>> -> memref<256xf32, #tpu.memory_space<vmem>>
      %dma_wait3A_152 = tpu.memref_slice %arg4[%add3A_139] : memref<262144xf32, #tpu.memory_space<hbm>> -> memref<256xf32, #tpu.memory_space<hbm>>
      %dma_wait3A_153 = arith.constant 256 : i32
      %dma_wait3A_154 = tpu.memref_slice %arg8[%dma_wait3A_153] : memref<512xf32, #tpu.memory_space<vmem>> -> memref<256xf32, #tpu.memory_space<vmem>>
      %dma_wait3A_155 = tpu.memref_slice %arg4[%add3A_139] : memref<262144xf32, #tpu.memory_space<hbm>> -> memref<256xf32, #tpu.memory_space<hbm>>
      tpu.wait_dma2 semaphore(%arg13 : memref<!tpu.dma_semaphore, #tpu.memory_space<semaphore_mem>>) src(%dma_wait3A_155 : memref<256xf32, #tpu.memory_space<hbm>>) dst(%dma_wait3A_154 : memref<256xf32, #tpu.memory_space<vmem>>)
      %parallel_loop3A_156 = arith.constant 0 : i32
      %parallel_loop3A_157 = arith.constant 16 : i32
      %parallel_loop3A_158 = arith.constant 1 : i32
      %parallel_loop3A_159:2 = scf.for %parallel_loop3A_160 = %parallel_loop3A_156 to %parallel_loop3A_157 step %parallel_loop3A_158 iter_args(%parallel_loop3A_161 = %parallel_loop3A_128#0, %parallel_loop3A_162 = %parallel_loop3A_128#1) -> (vector<16xf32>, vector<16xf32>)  : i32 {
        %parallel_loop3A_163 = arith.constant 16 : i32
        %parallel_loop3A_164 = arith.muli %parallel_loop3A_160, %parallel_loop3A_163 : i32
        %parallel_loop3A_165 = arith.constant 256 : i32
        %parallel_loop3A_166 = arith.addi %parallel_loop3A_165, %parallel_loop3A_164 : i32
        %parallel_loop3A_167 = vector.broadcast %parallel_loop3A_166 : i32 to vector<16xi32>
        %parallel_loop3A_168 = arith.addi %parallel_loop3A_167, %iota3A : vector<16xi32>
        %parallel_loop3A_169 = arith.constant 0.000000e+00 : f32
        %parallel_loop3A_170 = vector.broadcast %parallel_loop3A_169 : f32 to vector<16xf32>
        %parallel_loop3A_171 = arith.constant 0.000000e+00 : f32
        %parallel_loop3A_172 = vector.broadcast %parallel_loop3A_171 : f32 to vector<16xf32>
        %parallel_loop3A_173 = arith.constant 0.000000e+00 : f32
        %parallel_loop3A_174 = vector.broadcast %parallel_loop3A_173 : f32 to vector<16xf32>
        %parallel_loop3A_175 = arith.constant 0.000000e+00 : f32
        %parallel_loop3A_176 = vector.broadcast %parallel_loop3A_175 : f32 to vector<16xf32>
        %parallel_loop3A_177 = arith.constant 0.000000e+00 : f32
        %parallel_loop3A_178 = vector.broadcast %parallel_loop3A_177 : f32 to vector<16xf32>
        %parallel_loop3A_179 = arith.constant 0.000000e+00 : f32
        %parallel_loop3A_180 = vector.broadcast %parallel_loop3A_179 : f32 to vector<16xf32>
        %parallel_loop3A_181 = arith.constant 0.000000e+00 : f32
        %parallel_loop3A_182 = vector.broadcast %parallel_loop3A_181 : f32 to vector<16xf32>
        %parallel_loop3A_183 = arith.constant 0.000000e+00 : f32
        %parallel_loop3A_184 = vector.broadcast %parallel_loop3A_183 : f32 to vector<16xf32>
        %parallel_loop3A_185 = arith.constant 0 : i32
        %parallel_loop3A_186 = vector.broadcast %parallel_loop3A_185 : i32 to vector<16xi32>
        %parallel_loop3A_187 = arith.addi %iota3A, %parallel_loop3A_186 : vector<16xi32>
        %parallel_loop3A_188 = arith.constant 31 : i32
        %parallel_loop3A_189 = vector.broadcast %parallel_loop3A_188 : i32 to vector<16xi32>
        %parallel_loop3A_190 = arith.andi %parallel_loop3A_187, %parallel_loop3A_189 : vector<16xi32>
        %parallel_loop3A_191 = tpu.vector_load_idx %arg7[%parallel_loop3A_168, %parallel_loop3A_190] : memref<512x32xf32, #tpu.memory_space<vmem>>[vector<16xi32>, vector<16xi32>], vector<16xf32>,
        %parallel_loop3A_192 = math.exp %parallel_loop3A_191 : vector<16xf32>
        %parallel_loop3A_193 = arith.addf %parallel_loop3A_170, %parallel_loop3A_192 : vector<16xf32>
        %parallel_loop3A_194 = arith.addf %parallel_loop3A_178, %parallel_loop3A_191 : vector<16xf32>
        %parallel_loop3A_195 = arith.constant 1 : i32
        %parallel_loop3A_196 = vector.broadcast %parallel_loop3A_195 : i32 to vector<16xi32>
        %parallel_loop3A_197 = arith.addi %iota3A, %parallel_loop3A_196 : vector<16xi32>
        %parallel_loop3A_198 = arith.constant 31 : i32
        %parallel_loop3A_199 = vector.broadcast %parallel_loop3A_198 : i32 to vector<16xi32>
        %parallel_loop3A_200 = arith.andi %parallel_loop3A_197, %parallel_loop3A_199 : vector<16xi32>
        %parallel_loop3A_201 = tpu.vector_load_idx %arg7[%parallel_loop3A_168, %parallel_loop3A_200] : memref<512x32xf32, #tpu.memory_space<vmem>>[vector<16xi32>, vector<16xi32>], vector<16xf32>,
        %parallel_loop3A_202 = math.exp %parallel_loop3A_201 : vector<16xf32>
        %parallel_loop3A_203 = arith.addf %parallel_loop3A_172, %parallel_loop3A_202 : vector<16xf32>
        %parallel_loop3A_204 = arith.addf %parallel_loop3A_180, %parallel_loop3A_201 : vector<16xf32>
        %parallel_loop3A_205 = arith.constant 2 : i32
        %parallel_loop3A_206 = vector.broadcast %parallel_loop3A_205 : i32 to vector<16xi32>
        %parallel_loop3A_207 = arith.addi %iota3A, %parallel_loop3A_206 : vector<16xi32>
        %parallel_loop3A_208 = arith.constant 31 : i32
        %parallel_loop3A_209 = vector.broadcast %parallel_loop3A_208 : i32 to vector<16xi32>
        %parallel_loop3A_210 = arith.andi %parallel_loop3A_207, %parallel_loop3A_209 : vector<16xi32>
        %parallel_loop3A_211 = tpu.vector_load_idx %arg7[%parallel_loop3A_168, %parallel_loop3A_210] : memref<512x32xf32, #tpu.memory_space<vmem>>[vector<16xi32>, vector<16xi32>], vector<16xf32>,
        %parallel_loop3A_212 = math.exp %parallel_loop3A_211 : vector<16xf32>
        %parallel_loop3A_213 = arith.addf %parallel_loop3A_174, %parallel_loop3A_212 : vector<16xf32>
        %parallel_loop3A_214 = arith.addf %parallel_loop3A_182, %parallel_loop3A_211 : vector<16xf32>
        %parallel_loop3A_215 = arith.constant 3 : i32
        %parallel_loop3A_216 = vector.broadcast %parallel_loop3A_215 : i32 to vector<16xi32>
        %parallel_loop3A_217 = arith.addi %iota3A, %parallel_loop3A_216 : vector<16xi32>
        %parallel_loop3A_218 = arith.constant 31 : i32
        %parallel_loop3A_219 = vector.broadcast %parallel_loop3A_218 : i32 to vector<16xi32>
        %parallel_loop3A_220 = arith.andi %parallel_loop3A_217, %parallel_loop3A_219 : vector<16xi32>
        %parallel_loop3A_221 = tpu.vector_load_idx %arg7[%parallel_loop3A_168, %parallel_loop3A_220] : memref<512x32xf32, #tpu.memory_space<vmem>>[vector<16xi32>, vector<16xi32>], vector<16xf32>,
        %parallel_loop3A_222 = math.exp %parallel_loop3A_221 : vector<16xf32>
        %parallel_loop3A_223 = arith.addf %parallel_loop3A_176, %parallel_loop3A_222 : vector<16xf32>
        %parallel_loop3A_224 = arith.addf %parallel_loop3A_184, %parallel_loop3A_221 : vector<16xf32>
        %parallel_loop3A_225 = arith.constant 4 : i32
        %parallel_loop3A_226 = vector.broadcast %parallel_loop3A_225 : i32 to vector<16xi32>
        %parallel_loop3A_227 = arith.addi %iota3A, %parallel_loop3A_226 : vector<16xi32>
        %parallel_loop3A_228 = arith.constant 31 : i32
        %parallel_loop3A_229 = vector.broadcast %parallel_loop3A_228 : i32 to vector<16xi32>
        %parallel_loop3A_230 = arith.andi %parallel_loop3A_227, %parallel_loop3A_229 : vector<16xi32>
        %parallel_loop3A_231 = tpu.vector_load_idx %arg7[%parallel_loop3A_168, %parallel_loop3A_230] : memref<512x32xf32, #tpu.memory_space<vmem>>[vector<16xi32>, vector<16xi32>], vector<16xf32>,
        %parallel_loop3A_232 = math.exp %parallel_loop3A_231 : vector<16xf32>
        %parallel_loop3A_233 = arith.addf %parallel_loop3A_193, %parallel_loop3A_232 : vector<16xf32>
        %parallel_loop3A_234 = arith.addf %parallel_loop3A_194, %parallel_loop3A_231 : vector<16xf32>
        %parallel_loop3A_235 = arith.constant 5 : i32
        %parallel_loop3A_236 = vector.broadcast %parallel_loop3A_235 : i32 to vector<16xi32>
        %parallel_loop3A_237 = arith.addi %iota3A, %parallel_loop3A_236 : vector<16xi32>
        %parallel_loop3A_238 = arith.constant 31 : i32
        %parallel_loop3A_239 = vector.broadcast %parallel_loop3A_238 : i32 to vector<16xi32>
        %parallel_loop3A_240 = arith.andi %parallel_loop3A_237, %parallel_loop3A_239 : vector<16xi32>
        %parallel_loop3A_241 = tpu.vector_load_idx %arg7[%parallel_loop3A_168, %parallel_loop3A_240] : memref<512x32xf32, #tpu.memory_space<vmem>>[vector<16xi32>, vector<16xi32>], vector<16xf32>,
        %parallel_loop3A_242 = math.exp %parallel_loop3A_241 : vector<16xf32>
        %parallel_loop3A_243 = arith.addf %parallel_loop3A_203, %parallel_loop3A_242 : vector<16xf32>
        %parallel_loop3A_244 = arith.addf %parallel_loop3A_204, %parallel_loop3A_241 : vector<16xf32>
        %parallel_loop3A_245 = arith.constant 6 : i32
        %parallel_loop3A_246 = vector.broadcast %parallel_loop3A_245 : i32 to vector<16xi32>
        %parallel_loop3A_247 = arith.addi %iota3A, %parallel_loop3A_246 : vector<16xi32>
        %parallel_loop3A_248 = arith.constant 31 : i32
        %parallel_loop3A_249 = vector.broadcast %parallel_loop3A_248 : i32 to vector<16xi32>
        %parallel_loop3A_250 = arith.andi %parallel_loop3A_247, %parallel_loop3A_249 : vector<16xi32>
        %parallel_loop3A_251 = tpu.vector_load_idx %arg7[%parallel_loop3A_168, %parallel_loop3A_250] : memref<512x32xf32, #tpu.memory_space<vmem>>[vector<16xi32>, vector<16xi32>], vector<16xf32>,
        %parallel_loop3A_252 = math.exp %parallel_loop3A_251 : vector<16xf32>
        %parallel_loop3A_253 = arith.addf %parallel_loop3A_213, %parallel_loop3A_252 : vector<16xf32>
        %parallel_loop3A_254 = arith.addf %parallel_loop3A_214, %parallel_loop3A_251 : vector<16xf32>
        %parallel_loop3A_255 = arith.constant 7 : i32
        %parallel_loop3A_256 = vector.broadcast %parallel_loop3A_255 : i32 to vector<16xi32>
        %parallel_loop3A_257 = arith.addi %iota3A, %parallel_loop3A_256 : vector<16xi32>
        %parallel_loop3A_258 = arith.constant 31 : i32
        %parallel_loop3A_259 = vector.broadcast %parallel_loop3A_258 : i32 to vector<16xi32>
        %parallel_loop3A_260 = arith.andi %parallel_loop3A_257, %parallel_loop3A_259 : vector<16xi32>
        %parallel_loop3A_261 = tpu.vector_load_idx %arg7[%parallel_loop3A_168, %parallel_loop3A_260] : memref<512x32xf32, #tpu.memory_space<vmem>>[vector<16xi32>, vector<16xi32>], vector<16xf32>,
        %parallel_loop3A_262 = math.exp %parallel_loop3A_261 : vector<16xf32>
        %parallel_loop3A_263 = arith.addf %parallel_loop3A_223, %parallel_loop3A_262 : vector<16xf32>
        %parallel_loop3A_264 = arith.addf %parallel_loop3A_224, %parallel_loop3A_261 : vector<16xf32>
        %parallel_loop3A_265 = arith.constant 8 : i32
        %parallel_loop3A_266 = vector.broadcast %parallel_loop3A_265 : i32 to vector<16xi32>
        %parallel_loop3A_267 = arith.addi %iota3A, %parallel_loop3A_266 : vector<16xi32>
        %parallel_loop3A_268 = arith.constant 31 : i32
        %parallel_loop3A_269 = vector.broadcast %parallel_loop3A_268 : i32 to vector<16xi32>
        %parallel_loop3A_270 = arith.andi %parallel_loop3A_267, %parallel_loop3A_269 : vector<16xi32>
        %parallel_loop3A_271 = tpu.vector_load_idx %arg7[%parallel_loop3A_168, %parallel_loop3A_270] : memref<512x32xf32, #tpu.memory_space<vmem>>[vector<16xi32>, vector<16xi32>], vector<16xf32>,
        %parallel_loop3A_272 = math.exp %parallel_loop3A_271 : vector<16xf32>
        %parallel_loop3A_273 = arith.addf %parallel_loop3A_233, %parallel_loop3A_272 : vector<16xf32>
        %parallel_loop3A_274 = arith.addf %parallel_loop3A_234, %parallel_loop3A_271 : vector<16xf32>
        %parallel_loop3A_275 = arith.constant 9 : i32
        %parallel_loop3A_276 = vector.broadcast %parallel_loop3A_275 : i32 to vector<16xi32>
        %parallel_loop3A_277 = arith.addi %iota3A, %parallel_loop3A_276 : vector<16xi32>
        %parallel_loop3A_278 = arith.constant 31 : i32
        %parallel_loop3A_279 = vector.broadcast %parallel_loop3A_278 : i32 to vector<16xi32>
        %parallel_loop3A_280 = arith.andi %parallel_loop3A_277, %parallel_loop3A_279 : vector<16xi32>
        %parallel_loop3A_281 = tpu.vector_load_idx %arg7[%parallel_loop3A_168, %parallel_loop3A_280] : memref<512x32xf32, #tpu.memory_space<vmem>>[vector<16xi32>, vector<16xi32>], vector<16xf32>,
        %parallel_loop3A_282 = math.exp %parallel_loop3A_281 : vector<16xf32>
        %parallel_loop3A_283 = arith.addf %parallel_loop3A_243, %parallel_loop3A_282 : vector<16xf32>
        %parallel_loop3A_284 = arith.addf %parallel_loop3A_244, %parallel_loop3A_281 : vector<16xf32>
        %parallel_loop3A_285 = arith.constant 10 : i32
        %parallel_loop3A_286 = vector.broadcast %parallel_loop3A_285 : i32 to vector<16xi32>
        %parallel_loop3A_287 = arith.addi %iota3A, %parallel_loop3A_286 : vector<16xi32>
        %parallel_loop3A_288 = arith.constant 31 : i32
        %parallel_loop3A_289 = vector.broadcast %parallel_loop3A_288 : i32 to vector<16xi32>
        %parallel_loop3A_290 = arith.andi %parallel_loop3A_287, %parallel_loop3A_289 : vector<16xi32>
        %parallel_loop3A_291 = tpu.vector_load_idx %arg7[%parallel_loop3A_168, %parallel_loop3A_290] : memref<512x32xf32, #tpu.memory_space<vmem>>[vector<16xi32>, vector<16xi32>], vector<16xf32>,
        %parallel_loop3A_292 = math.exp %parallel_loop3A_291 : vector<16xf32>
        %parallel_loop3A_293 = arith.addf %parallel_loop3A_253, %parallel_loop3A_292 : vector<16xf32>
        %parallel_loop3A_294 = arith.addf %parallel_loop3A_254, %parallel_loop3A_291 : vector<16xf32>
        %parallel_loop3A_295 = arith.constant 11 : i32
        %parallel_loop3A_296 = vector.broadcast %parallel_loop3A_295 : i32 to vector<16xi32>
        %parallel_loop3A_297 = arith.addi %iota3A, %parallel_loop3A_296 : vector<16xi32>
        %parallel_loop3A_298 = arith.constant 31 : i32
        %parallel_loop3A_299 = vector.broadcast %parallel_loop3A_298 : i32 to vector<16xi32>
        %parallel_loop3A_300 = arith.andi %parallel_loop3A_297, %parallel_loop3A_299 : vector<16xi32>
        %parallel_loop3A_301 = tpu.vector_load_idx %arg7[%parallel_loop3A_168, %parallel_loop3A_300] : memref<512x32xf32, #tpu.memory_space<vmem>>[vector<16xi32>, vector<16xi32>], vector<16xf32>,
        %parallel_loop3A_302 = math.exp %parallel_loop3A_301 : vector<16xf32>
        %parallel_loop3A_303 = arith.addf %parallel_loop3A_263, %parallel_loop3A_302 : vector<16xf32>
        %parallel_loop3A_304 = arith.addf %parallel_loop3A_264, %parallel_loop3A_301 : vector<16xf32>
        %parallel_loop3A_305 = arith.constant 12 : i32
        %parallel_loop3A_306 = vector.broadcast %parallel_loop3A_305 : i32 to vector<16xi32>
        %parallel_loop3A_307 = arith.addi %iota3A, %parallel_loop3A_306 : vector<16xi32>
        %parallel_loop3A_308 = arith.constant 31 : i32
        %parallel_loop3A_309 = vector.broadcast %parallel_loop3A_308 : i32 to vector<16xi32>
        %parallel_loop3A_310 = arith.andi %parallel_loop3A_307, %parallel_loop3A_309 : vector<16xi32>
        %parallel_loop3A_311 = tpu.vector_load_idx %arg7[%parallel_loop3A_168, %parallel_loop3A_310] : memref<512x32xf32, #tpu.memory_space<vmem>>[vector<16xi32>, vector<16xi32>], vector<16xf32>,
        %parallel_loop3A_312 = math.exp %parallel_loop3A_311 : vector<16xf32>
        %parallel_loop3A_313 = arith.addf %parallel_loop3A_273, %parallel_loop3A_312 : vector<16xf32>
        %parallel_loop3A_314 = arith.addf %parallel_loop3A_274, %parallel_loop3A_311 : vector<16xf32>
        %parallel_loop3A_315 = arith.constant 13 : i32
        %parallel_loop3A_316 = vector.broadcast %parallel_loop3A_315 : i32 to vector<16xi32>
        %parallel_loop3A_317 = arith.addi %iota3A, %parallel_loop3A_316 : vector<16xi32>
        %parallel_loop3A_318 = arith.constant 31 : i32
        %parallel_loop3A_319 = vector.broadcast %parallel_loop3A_318 : i32 to vector<16xi32>
        %parallel_loop3A_320 = arith.andi %parallel_loop3A_317, %parallel_loop3A_319 : vector<16xi32>
        %parallel_loop3A_321 = tpu.vector_load_idx %arg7[%parallel_loop3A_168, %parallel_loop3A_320] : memref<512x32xf32, #tpu.memory_space<vmem>>[vector<16xi32>, vector<16xi32>], vector<16xf32>,
        %parallel_loop3A_322 = math.exp %parallel_loop3A_321 : vector<16xf32>
        %parallel_loop3A_323 = arith.addf %parallel_loop3A_283, %parallel_loop3A_322 : vector<16xf32>
        %parallel_loop3A_324 = arith.addf %parallel_loop3A_284, %parallel_loop3A_321 : vector<16xf32>
        %parallel_loop3A_325 = arith.constant 14 : i32
        %parallel_loop3A_326 = vector.broadcast %parallel_loop3A_325 : i32 to vector<16xi32>
        %parallel_loop3A_327 = arith.addi %iota3A, %parallel_loop3A_326 : vector<16xi32>
        %parallel_loop3A_328 = arith.constant 31 : i32
        %parallel_loop3A_329 = vector.broadcast %parallel_loop3A_328 : i32 to vector<16xi32>
        %parallel_loop3A_330 = arith.andi %parallel_loop3A_327, %parallel_loop3A_329 : vector<16xi32>
        %parallel_loop3A_331 = tpu.vector_load_idx %arg7[%parallel_loop3A_168, %parallel_loop3A_330] : memref<512x32xf32, #tpu.memory_space<vmem>>[vector<16xi32>, vector<16xi32>], vector<16xf32>,
        %parallel_loop3A_332 = math.exp %parallel_loop3A_331 : vector<16xf32>
        %parallel_loop3A_333 = arith.addf %parallel_loop3A_293, %parallel_loop3A_332 : vector<16xf32>
        %parallel_loop3A_334 = arith.addf %parallel_loop3A_294, %parallel_loop3A_331 : vector<16xf32>
        %parallel_loop3A_335 = arith.constant 15 : i32
        %parallel_loop3A_336 = vector.broadcast %parallel_loop3A_335 : i32 to vector<16xi32>
        %parallel_loop3A_337 = arith.addi %iota3A, %parallel_loop3A_336 : vector<16xi32>
        %parallel_loop3A_338 = arith.constant 31 : i32
        %parallel_loop3A_339 = vector.broadcast %parallel_loop3A_338 : i32 to vector<16xi32>
        %parallel_loop3A_340 = arith.andi %parallel_loop3A_337, %parallel_loop3A_339 : vector<16xi32>
        %parallel_loop3A_341 = tpu.vector_load_idx %arg7[%parallel_loop3A_168, %parallel_loop3A_340] : memref<512x32xf32, #tpu.memory_space<vmem>>[vector<16xi32>, vector<16xi32>], vector<16xf32>,
        %parallel_loop3A_342 = math.exp %parallel_loop3A_341 : vector<16xf32>
        %parallel_loop3A_343 = arith.addf %parallel_loop3A_303, %parallel_loop3A_342 : vector<16xf32>
        %parallel_loop3A_344 = arith.addf %parallel_loop3A_304, %parallel_loop3A_341 : vector<16xf32>
        %parallel_loop3A_345 = arith.constant 16 : i32
        %parallel_loop3A_346 = vector.broadcast %parallel_loop3A_345 : i32 to vector<16xi32>
        %parallel_loop3A_347 = arith.addi %iota3A, %parallel_loop3A_346 : vector<16xi32>
        %parallel_loop3A_348 = arith.constant 31 : i32
        %parallel_loop3A_349 = vector.broadcast %parallel_loop3A_348 : i32 to vector<16xi32>
        %parallel_loop3A_350 = arith.andi %parallel_loop3A_347, %parallel_loop3A_349 : vector<16xi32>
        %parallel_loop3A_351 = tpu.vector_load_idx %arg7[%parallel_loop3A_168, %parallel_loop3A_350] : memref<512x32xf32, #tpu.memory_space<vmem>>[vector<16xi32>, vector<16xi32>], vector<16xf32>,
        %parallel_loop3A_352 = math.exp %parallel_loop3A_351 : vector<16xf32>
        %parallel_loop3A_353 = arith.addf %parallel_loop3A_313, %parallel_loop3A_352 : vector<16xf32>
        %parallel_loop3A_354 = arith.addf %parallel_loop3A_314, %parallel_loop3A_351 : vector<16xf32>
        %parallel_loop3A_355 = arith.constant 17 : i32
        %parallel_loop3A_356 = vector.broadcast %parallel_loop3A_355 : i32 to vector<16xi32>
        %parallel_loop3A_357 = arith.addi %iota3A, %parallel_loop3A_356 : vector<16xi32>
        %parallel_loop3A_358 = arith.constant 31 : i32
        %parallel_loop3A_359 = vector.broadcast %parallel_loop3A_358 : i32 to vector<16xi32>
        %parallel_loop3A_360 = arith.andi %parallel_loop3A_357, %parallel_loop3A_359 : vector<16xi32>
        %parallel_loop3A_361 = tpu.vector_load_idx %arg7[%parallel_loop3A_168, %parallel_loop3A_360] : memref<512x32xf32, #tpu.memory_space<vmem>>[vector<16xi32>, vector<16xi32>], vector<16xf32>,
        %parallel_loop3A_362 = math.exp %parallel_loop3A_361 : vector<16xf32>
        %parallel_loop3A_363 = arith.addf %parallel_loop3A_323, %parallel_loop3A_362 : vector<16xf32>
        %parallel_loop3A_364 = arith.addf %parallel_loop3A_324, %parallel_loop3A_361 : vector<16xf32>
        %parallel_loop3A_365 = arith.constant 18 : i32
        %parallel_loop3A_366 = vector.broadcast %parallel_loop3A_365 : i32 to vector<16xi32>
        %parallel_loop3A_367 = arith.addi %iota3A, %parallel_loop3A_366 : vector<16xi32>
        %parallel_loop3A_368 = arith.constant 31 : i32
        %parallel_loop3A_369 = vector.broadcast %parallel_loop3A_368 : i32 to vector<16xi32>
        %parallel_loop3A_370 = arith.andi %parallel_loop3A_367, %parallel_loop3A_369 : vector<16xi32>
        %parallel_loop3A_371 = tpu.vector_load_idx %arg7[%parallel_loop3A_168, %parallel_loop3A_370] : memref<512x32xf32, #tpu.memory_space<vmem>>[vector<16xi32>, vector<16xi32>], vector<16xf32>,
        %parallel_loop3A_372 = math.exp %parallel_loop3A_371 : vector<16xf32>
        %parallel_loop3A_373 = arith.addf %parallel_loop3A_333, %parallel_loop3A_372 : vector<16xf32>
        %parallel_loop3A_374 = arith.addf %parallel_loop3A_334, %parallel_loop3A_371 : vector<16xf32>
        %parallel_loop3A_375 = arith.constant 19 : i32
        %parallel_loop3A_376 = vector.broadcast %parallel_loop3A_375 : i32 to vector<16xi32>
        %parallel_loop3A_377 = arith.addi %iota3A, %parallel_loop3A_376 : vector<16xi32>
        %parallel_loop3A_378 = arith.constant 31 : i32
        %parallel_loop3A_379 = vector.broadcast %parallel_loop3A_378 : i32 to vector<16xi32>
        %parallel_loop3A_380 = arith.andi %parallel_loop3A_377, %parallel_loop3A_379 : vector<16xi32>
        %parallel_loop3A_381 = tpu.vector_load_idx %arg7[%parallel_loop3A_168, %parallel_loop3A_380] : memref<512x32xf32, #tpu.memory_space<vmem>>[vector<16xi32>, vector<16xi32>], vector<16xf32>,
        %parallel_loop3A_382 = math.exp %parallel_loop3A_381 : vector<16xf32>
        %parallel_loop3A_383 = arith.addf %parallel_loop3A_343, %parallel_loop3A_382 : vector<16xf32>
        %parallel_loop3A_384 = arith.addf %parallel_loop3A_344, %parallel_loop3A_381 : vector<16xf32>
        %parallel_loop3A_385 = arith.constant 20 : i32
        %parallel_loop3A_386 = vector.broadcast %parallel_loop3A_385 : i32 to vector<16xi32>
        %parallel_loop3A_387 = arith.addi %iota3A, %parallel_loop3A_386 : vector<16xi32>
        %parallel_loop3A_388 = arith.constant 31 : i32
        %parallel_loop3A_389 = vector.broadcast %parallel_loop3A_388 : i32 to vector<16xi32>
        %parallel_loop3A_390 = arith.andi %parallel_loop3A_387, %parallel_loop3A_389 : vector<16xi32>
        %parallel_loop3A_391 = tpu.vector_load_idx %arg7[%parallel_loop3A_168, %parallel_loop3A_390] : memref<512x32xf32, #tpu.memory_space<vmem>>[vector<16xi32>, vector<16xi32>], vector<16xf32>,
        %parallel_loop3A_392 = math.exp %parallel_loop3A_391 : vector<16xf32>
        %parallel_loop3A_393 = arith.addf %parallel_loop3A_353, %parallel_loop3A_392 : vector<16xf32>
        %parallel_loop3A_394 = arith.addf %parallel_loop3A_354, %parallel_loop3A_391 : vector<16xf32>
        %parallel_loop3A_395 = arith.constant 21 : i32
        %parallel_loop3A_396 = vector.broadcast %parallel_loop3A_395 : i32 to vector<16xi32>
        %parallel_loop3A_397 = arith.addi %iota3A, %parallel_loop3A_396 : vector<16xi32>
        %parallel_loop3A_398 = arith.constant 31 : i32
        %parallel_loop3A_399 = vector.broadcast %parallel_loop3A_398 : i32 to vector<16xi32>
        %parallel_loop3A_400 = arith.andi %parallel_loop3A_397, %parallel_loop3A_399 : vector<16xi32>
        %parallel_loop3A_401 = tpu.vector_load_idx %arg7[%parallel_loop3A_168, %parallel_loop3A_400] : memref<512x32xf32, #tpu.memory_space<vmem>>[vector<16xi32>, vector<16xi32>], vector<16xf32>,
        %parallel_loop3A_402 = math.exp %parallel_loop3A_401 : vector<16xf32>
        %parallel_loop3A_403 = arith.addf %parallel_loop3A_363, %parallel_loop3A_402 : vector<16xf32>
        %parallel_loop3A_404 = arith.addf %parallel_loop3A_364, %parallel_loop3A_401 : vector<16xf32>
        %parallel_loop3A_405 = arith.constant 22 : i32
        %parallel_loop3A_406 = vector.broadcast %parallel_loop3A_405 : i32 to vector<16xi32>
        %parallel_loop3A_407 = arith.addi %iota3A, %parallel_loop3A_406 : vector<16xi32>
        %parallel_loop3A_408 = arith.constant 31 : i32
        %parallel_loop3A_409 = vector.broadcast %parallel_loop3A_408 : i32 to vector<16xi32>
        %parallel_loop3A_410 = arith.andi %parallel_loop3A_407, %parallel_loop3A_409 : vector<16xi32>
        %parallel_loop3A_411 = tpu.vector_load_idx %arg7[%parallel_loop3A_168, %parallel_loop3A_410] : memref<512x32xf32, #tpu.memory_space<vmem>>[vector<16xi32>, vector<16xi32>], vector<16xf32>,
        %parallel_loop3A_412 = math.exp %parallel_loop3A_411 : vector<16xf32>
        %parallel_loop3A_413 = arith.addf %parallel_loop3A_373, %parallel_loop3A_412 : vector<16xf32>
        %parallel_loop3A_414 = arith.addf %parallel_loop3A_374, %parallel_loop3A_411 : vector<16xf32>
        %parallel_loop3A_415 = arith.constant 23 : i32
        %parallel_loop3A_416 = vector.broadcast %parallel_loop3A_415 : i32 to vector<16xi32>
        %parallel_loop3A_417 = arith.addi %iota3A, %parallel_loop3A_416 : vector<16xi32>
        %parallel_loop3A_418 = arith.constant 31 : i32
        %parallel_loop3A_419 = vector.broadcast %parallel_loop3A_418 : i32 to vector<16xi32>
        %parallel_loop3A_420 = arith.andi %parallel_loop3A_417, %parallel_loop3A_419 : vector<16xi32>
        %parallel_loop3A_421 = tpu.vector_load_idx %arg7[%parallel_loop3A_168, %parallel_loop3A_420] : memref<512x32xf32, #tpu.memory_space<vmem>>[vector<16xi32>, vector<16xi32>], vector<16xf32>,
        %parallel_loop3A_422 = math.exp %parallel_loop3A_421 : vector<16xf32>
        %parallel_loop3A_423 = arith.addf %parallel_loop3A_383, %parallel_loop3A_422 : vector<16xf32>
        %parallel_loop3A_424 = arith.addf %parallel_loop3A_384, %parallel_loop3A_421 : vector<16xf32>
        %parallel_loop3A_425 = arith.constant 24 : i32
        %parallel_loop3A_426 = vector.broadcast %parallel_loop3A_425 : i32 to vector<16xi32>
        %parallel_loop3A_427 = arith.addi %iota3A, %parallel_loop3A_426 : vector<16xi32>
        %parallel_loop3A_428 = arith.constant 31 : i32
        %parallel_loop3A_429 = vector.broadcast %parallel_loop3A_428 : i32 to vector<16xi32>
        %parallel_loop3A_430 = arith.andi %parallel_loop3A_427, %parallel_loop3A_429 : vector<16xi32>
        %parallel_loop3A_431 = tpu.vector_load_idx %arg7[%parallel_loop3A_168, %parallel_loop3A_430] : memref<512x32xf32, #tpu.memory_space<vmem>>[vector<16xi32>, vector<16xi32>], vector<16xf32>,
        %parallel_loop3A_432 = math.exp %parallel_loop3A_431 : vector<16xf32>
        %parallel_loop3A_433 = arith.addf %parallel_loop3A_393, %parallel_loop3A_432 : vector<16xf32>
        %parallel_loop3A_434 = arith.addf %parallel_loop3A_394, %parallel_loop3A_431 : vector<16xf32>
        %parallel_loop3A_435 = arith.constant 25 : i32
        %parallel_loop3A_436 = vector.broadcast %parallel_loop3A_435 : i32 to vector<16xi32>
        %parallel_loop3A_437 = arith.addi %iota3A, %parallel_loop3A_436 : vector<16xi32>
        %parallel_loop3A_438 = arith.constant 31 : i32
        %parallel_loop3A_439 = vector.broadcast %parallel_loop3A_438 : i32 to vector<16xi32>
        %parallel_loop3A_440 = arith.andi %parallel_loop3A_437, %parallel_loop3A_439 : vector<16xi32>
        %parallel_loop3A_441 = tpu.vector_load_idx %arg7[%parallel_loop3A_168, %parallel_loop3A_440] : memref<512x32xf32, #tpu.memory_space<vmem>>[vector<16xi32>, vector<16xi32>], vector<16xf32>,
        %parallel_loop3A_442 = math.exp %parallel_loop3A_441 : vector<16xf32>
        %parallel_loop3A_443 = arith.addf %parallel_loop3A_403, %parallel_loop3A_442 : vector<16xf32>
        %parallel_loop3A_444 = arith.addf %parallel_loop3A_404, %parallel_loop3A_441 : vector<16xf32>
        %parallel_loop3A_445 = arith.constant 26 : i32
        %parallel_loop3A_446 = vector.broadcast %parallel_loop3A_445 : i32 to vector<16xi32>
        %parallel_loop3A_447 = arith.addi %iota3A, %parallel_loop3A_446 : vector<16xi32>
        %parallel_loop3A_448 = arith.constant 31 : i32
        %parallel_loop3A_449 = vector.broadcast %parallel_loop3A_448 : i32 to vector<16xi32>
        %parallel_loop3A_450 = arith.andi %parallel_loop3A_447, %parallel_loop3A_449 : vector<16xi32>
        %parallel_loop3A_451 = tpu.vector_load_idx %arg7[%parallel_loop3A_168, %parallel_loop3A_450] : memref<512x32xf32, #tpu.memory_space<vmem>>[vector<16xi32>, vector<16xi32>], vector<16xf32>,
        %parallel_loop3A_452 = math.exp %parallel_loop3A_451 : vector<16xf32>
        %parallel_loop3A_453 = arith.addf %parallel_loop3A_413, %parallel_loop3A_452 : vector<16xf32>
        %parallel_loop3A_454 = arith.addf %parallel_loop3A_414, %parallel_loop3A_451 : vector<16xf32>
        %parallel_loop3A_455 = arith.constant 27 : i32
        %parallel_loop3A_456 = vector.broadcast %parallel_loop3A_455 : i32 to vector<16xi32>
        %parallel_loop3A_457 = arith.addi %iota3A, %parallel_loop3A_456 : vector<16xi32>
        %parallel_loop3A_458 = arith.constant 31 : i32
        %parallel_loop3A_459 = vector.broadcast %parallel_loop3A_458 : i32 to vector<16xi32>
        %parallel_loop3A_460 = arith.andi %parallel_loop3A_457, %parallel_loop3A_459 : vector<16xi32>
        %parallel_loop3A_461 = tpu.vector_load_idx %arg7[%parallel_loop3A_168, %parallel_loop3A_460] : memref<512x32xf32, #tpu.memory_space<vmem>>[vector<16xi32>, vector<16xi32>], vector<16xf32>,
        %parallel_loop3A_462 = math.exp %parallel_loop3A_461 : vector<16xf32>
        %parallel_loop3A_463 = arith.addf %parallel_loop3A_423, %parallel_loop3A_462 : vector<16xf32>
        %parallel_loop3A_464 = arith.addf %parallel_loop3A_424, %parallel_loop3A_461 : vector<16xf32>
        %parallel_loop3A_465 = arith.constant 28 : i32
        %parallel_loop3A_466 = vector.broadcast %parallel_loop3A_465 : i32 to vector<16xi32>
        %parallel_loop3A_467 = arith.addi %iota3A, %parallel_loop3A_466 : vector<16xi32>
        %parallel_loop3A_468 = arith.constant 31 : i32
        %parallel_loop3A_469 = vector.broadcast %parallel_loop3A_468 : i32 to vector<16xi32>
        %parallel_loop3A_470 = arith.andi %parallel_loop3A_467, %parallel_loop3A_469 : vector<16xi32>
        %parallel_loop3A_471 = tpu.vector_load_idx %arg7[%parallel_loop3A_168, %parallel_loop3A_470] : memref<512x32xf32, #tpu.memory_space<vmem>>[vector<16xi32>, vector<16xi32>], vector<16xf32>,
        %parallel_loop3A_472 = math.exp %parallel_loop3A_471 : vector<16xf32>
        %parallel_loop3A_473 = arith.addf %parallel_loop3A_433, %parallel_loop3A_472 : vector<16xf32>
        %parallel_loop3A_474 = arith.addf %parallel_loop3A_434, %parallel_loop3A_471 : vector<16xf32>
        %parallel_loop3A_475 = arith.constant 29 : i32
        %parallel_loop3A_476 = vector.broadcast %parallel_loop3A_475 : i32 to vector<16xi32>
        %parallel_loop3A_477 = arith.addi %iota3A, %parallel_loop3A_476 : vector<16xi32>
        %parallel_loop3A_478 = arith.constant 31 : i32
        %parallel_loop3A_479 = vector.broadcast %parallel_loop3A_478 : i32 to vector<16xi32>
        %parallel_loop3A_480 = arith.andi %parallel_loop3A_477, %parallel_loop3A_479 : vector<16xi32>
        %parallel_loop3A_481 = tpu.vector_load_idx %arg7[%parallel_loop3A_168, %parallel_loop3A_480] : memref<512x32xf32, #tpu.memory_space<vmem>>[vector<16xi32>, vector<16xi32>], vector<16xf32>,
        %parallel_loop3A_482 = math.exp %parallel_loop3A_481 : vector<16xf32>
        %parallel_loop3A_483 = arith.addf %parallel_loop3A_443, %parallel_loop3A_482 : vector<16xf32>
        %parallel_loop3A_484 = arith.addf %parallel_loop3A_444, %parallel_loop3A_481 : vector<16xf32>
        %parallel_loop3A_485 = arith.constant 30 : i32
        %parallel_loop3A_486 = vector.broadcast %parallel_loop3A_485 : i32 to vector<16xi32>
        %parallel_loop3A_487 = arith.addi %iota3A, %parallel_loop3A_486 : vector<16xi32>
        %parallel_loop3A_488 = arith.constant 31 : i32
        %parallel_loop3A_489 = vector.broadcast %parallel_loop3A_488 : i32 to vector<16xi32>
        %parallel_loop3A_490 = arith.andi %parallel_loop3A_487, %parallel_loop3A_489 : vector<16xi32>
        %parallel_loop3A_491 = tpu.vector_load_idx %arg7[%parallel_loop3A_168, %parallel_loop3A_490] : memref<512x32xf32, #tpu.memory_space<vmem>>[vector<16xi32>, vector<16xi32>], vector<16xf32>,
        %parallel_loop3A_492 = math.exp %parallel_loop3A_491 : vector<16xf32>
        %parallel_loop3A_493 = arith.addf %parallel_loop3A_453, %parallel_loop3A_492 : vector<16xf32>
        %parallel_loop3A_494 = arith.addf %parallel_loop3A_454, %parallel_loop3A_491 : vector<16xf32>
        %parallel_loop3A_495 = arith.constant 31 : i32
        %parallel_loop3A_496 = vector.broadcast %parallel_loop3A_495 : i32 to vector<16xi32>
        %parallel_loop3A_497 = arith.addi %iota3A, %parallel_loop3A_496 : vector<16xi32>
        %parallel_loop3A_498 = arith.constant 31 : i32
        %parallel_loop3A_499 = vector.broadcast %parallel_loop3A_498 : i32 to vector<16xi32>
        %parallel_loop3A_500 = arith.andi %parallel_loop3A_497, %parallel_loop3A_499 : vector<16xi32>
        %parallel_loop3A_501 = tpu.vector_load_idx %arg7[%parallel_loop3A_168, %parallel_loop3A_500] : memref<512x32xf32, #tpu.memory_space<vmem>>[vector<16xi32>, vector<16xi32>], vector<16xf32>,
        %parallel_loop3A_502 = math.exp %parallel_loop3A_501 : vector<16xf32>
        %parallel_loop3A_503 = arith.addf %parallel_loop3A_463, %parallel_loop3A_502 : vector<16xf32>
        %parallel_loop3A_504 = arith.addf %parallel_loop3A_464, %parallel_loop3A_501 : vector<16xf32>
        %parallel_loop3A_505 = arith.addf %parallel_loop3A_473, %parallel_loop3A_483 : vector<16xf32>
        %parallel_loop3A_506 = arith.addf %parallel_loop3A_493, %parallel_loop3A_503 : vector<16xf32>
        %parallel_loop3A_507 = arith.addf %parallel_loop3A_505, %parallel_loop3A_506 : vector<16xf32>
        %parallel_loop3A_508 = arith.addf %parallel_loop3A_474, %parallel_loop3A_484 : vector<16xf32>
        %parallel_loop3A_509 = arith.addf %parallel_loop3A_494, %parallel_loop3A_504 : vector<16xf32>
        %parallel_loop3A_510 = arith.addf %parallel_loop3A_508, %parallel_loop3A_509 : vector<16xf32>
        %parallel_loop3A_511 = tpu.vector_load_idx %arg7[%parallel_loop3A_168, %gather3A] : memref<512x32xf32, #tpu.memory_space<vmem>>[vector<16xi32>, vector<16xi32>], vector<16xf32>,
        %parallel_loop3A_512 = tpu.bitcast %parallel_loop3A_507 : vector<16xf32> -> vector<16xi32>
        %parallel_loop3A_513 = arith.constant 23 : i32
        %parallel_loop3A_514 = vector.broadcast %parallel_loop3A_513 : i32 to vector<16xi32>
        %parallel_loop3A_515 = arith.shrsi %parallel_loop3A_512, %parallel_loop3A_514 : vector<16xi32>
        %parallel_loop3A_516 = arith.constant 255 : i32
        %parallel_loop3A_517 = vector.broadcast %parallel_loop3A_516 : i32 to vector<16xi32>
        %parallel_loop3A_518 = arith.andi %parallel_loop3A_515, %parallel_loop3A_517 : vector<16xi32>
        %parallel_loop3A_519 = arith.constant 127 : i32
        %parallel_loop3A_520 = vector.broadcast %parallel_loop3A_519 : i32 to vector<16xi32>
        %parallel_loop3A_521 = arith.subi %parallel_loop3A_518, %parallel_loop3A_520 : vector<16xi32>
        %parallel_loop3A_522 = arith.constant 8388607 : i32
        %parallel_loop3A_523 = vector.broadcast %parallel_loop3A_522 : i32 to vector<16xi32>
        %parallel_loop3A_524 = arith.andi %parallel_loop3A_512, %parallel_loop3A_523 : vector<16xi32>
        %parallel_loop3A_525 = arith.constant 1065353216 : i32
        %parallel_loop3A_526 = vector.broadcast %parallel_loop3A_525 : i32 to vector<16xi32>
        %parallel_loop3A_527 = arith.ori %parallel_loop3A_524, %parallel_loop3A_526 : vector<16xi32>
        %parallel_loop3A_528 = tpu.bitcast %parallel_loop3A_527 : vector<16xi32> -> vector<16xf32>
        %parallel_loop3A_529 = arith.constant 1.000000e+00 : f32
        %parallel_loop3A_530 = vector.broadcast %parallel_loop3A_529 : f32 to vector<16xf32>
        %parallel_loop3A_531 = arith.subf %parallel_loop3A_528, %parallel_loop3A_530 : vector<16xf32>
        %parallel_loop3A_532 = arith.constant 1.000000e+00 : f32
        %parallel_loop3A_533 = vector.broadcast %parallel_loop3A_532 : f32 to vector<16xf32>
        %parallel_loop3A_534 = arith.addf %parallel_loop3A_528, %parallel_loop3A_533 : vector<16xf32>
        %parallel_loop3A_535 = arith.divf %parallel_loop3A_531, %parallel_loop3A_534 : vector<16xf32>
        %parallel_loop3A_536 = arith.mulf %parallel_loop3A_535, %parallel_loop3A_535 : vector<16xf32>
        %parallel_loop3A_537 = arith.constant 0.111111112 : f32
        %parallel_loop3A_538 = vector.broadcast %parallel_loop3A_537 : f32 to vector<16xf32>
        %parallel_loop3A_539 = arith.mulf %parallel_loop3A_536, %parallel_loop3A_538 : vector<16xf32>
        %parallel_loop3A_540 = arith.constant 0.142857149 : f32
        %parallel_loop3A_541 = vector.broadcast %parallel_loop3A_540 : f32 to vector<16xf32>
        %parallel_loop3A_542 = arith.addf %parallel_loop3A_541, %parallel_loop3A_539 : vector<16xf32>
        %parallel_loop3A_543 = arith.mulf %parallel_loop3A_536, %parallel_loop3A_542 : vector<16xf32>
        %parallel_loop3A_544 = arith.constant 2.000000e-01 : f32
        %parallel_loop3A_545 = vector.broadcast %parallel_loop3A_544 : f32 to vector<16xf32>
        %parallel_loop3A_546 = arith.addf %parallel_loop3A_545, %parallel_loop3A_543 : vector<16xf32>
        %parallel_loop3A_547 = arith.mulf %parallel_loop3A_536, %parallel_loop3A_546 : vector<16xf32>
        %parallel_loop3A_548 = arith.constant 0.333333343 : f32
        %parallel_loop3A_549 = vector.broadcast %parallel_loop3A_548 : f32 to vector<16xf32>
        %parallel_loop3A_550 = arith.addf %parallel_loop3A_549, %parallel_loop3A_547 : vector<16xf32>
        %parallel_loop3A_551 = arith.mulf %parallel_loop3A_536, %parallel_loop3A_550 : vector<16xf32>
        %parallel_loop3A_552 = arith.constant 1.000000e+00 : f32
        %parallel_loop3A_553 = vector.broadcast %parallel_loop3A_552 : f32 to vector<16xf32>
        %parallel_loop3A_554 = arith.addf %parallel_loop3A_553, %parallel_loop3A_551 : vector<16xf32>
        %parallel_loop3A_555 = arith.sitofp %parallel_loop3A_521 : vector<16xi32> to vector<16xf32>
        %parallel_loop3A_556 = arith.constant 0.693147182 : f32
        %parallel_loop3A_557 = vector.broadcast %parallel_loop3A_556 : f32 to vector<16xf32>
        %parallel_loop3A_558 = arith.mulf %parallel_loop3A_555, %parallel_loop3A_557 : vector<16xf32>
        %parallel_loop3A_559 = arith.constant 2.000000e+00 : f32
        %parallel_loop3A_560 = vector.broadcast %parallel_loop3A_559 : f32 to vector<16xf32>
        %parallel_loop3A_561 = arith.mulf %parallel_loop3A_560, %parallel_loop3A_535 : vector<16xf32>
        %parallel_loop3A_562 = arith.mulf %parallel_loop3A_561, %parallel_loop3A_554 : vector<16xf32>
        %parallel_loop3A_563 = arith.addf %parallel_loop3A_558, %parallel_loop3A_562 : vector<16xf32>
        %parallel_loop3A_564 = arith.constant 0.949999988 : f32
        %parallel_loop3A_565 = vector.broadcast %parallel_loop3A_564 : f32 to vector<16xf32>
        %parallel_loop3A_566 = arith.mulf %parallel_loop3A_565, %parallel_loop3A_511 : vector<16xf32>
        %parallel_loop3A_567 = arith.subf %parallel_loop3A_563, %parallel_loop3A_566 : vector<16xf32>
        %parallel_loop3A_568 = arith.constant 1.562500e-03 : f32
        %parallel_loop3A_569 = vector.broadcast %parallel_loop3A_568 : f32 to vector<16xf32>
        %parallel_loop3A_570 = arith.mulf %parallel_loop3A_569, %parallel_loop3A_510 : vector<16xf32>
        %parallel_loop3A_571 = arith.subf %parallel_loop3A_567, %parallel_loop3A_570 : vector<16xf32>
        %parallel_loop3A_572 = arith.constant 16 : i32
        %parallel_loop3A_573 = arith.muli %parallel_loop3A_160, %parallel_loop3A_572 : i32
        %parallel_loop3A_574 = arith.constant 256 : i32
        %parallel_loop3A_575 = arith.addi %parallel_loop3A_574, %parallel_loop3A_573 : i32
        %parallel_loop3A_576 = vector.broadcast %parallel_loop3A_575 : i32 to vector<16xi32>
        %parallel_loop3A_577 = arith.addi %parallel_loop3A_576, %iota3A : vector<16xi32>
        %parallel_loop3A_578 = tpu.vector_load_idx %arg8[%parallel_loop3A_577] : memref<512xf32, #tpu.memory_space<vmem>>[vector<16xi32>], vector<16xf32>,
        %parallel_loop3A_579 = arith.constant 5.55555569E-4 : f32
        %parallel_loop3A_580 = vector.broadcast %parallel_loop3A_579 : f32 to vector<16xf32>
        %parallel_loop3A_581 = arith.mulf %parallel_loop3A_580, %parallel_loop3A_578 : vector<16xf32>
        %parallel_loop3A_582 = arith.constant 3.000000e+00 : f32
        %parallel_loop3A_583 = vector.broadcast %parallel_loop3A_582 : f32 to vector<16xf32>
        %parallel_loop3A_584 = arith.subf %parallel_loop3A_583, %parallel_loop3A_581 : vector<16xf32>
        %parallel_loop3A_585 = arith.constant 5.000000e-01 : f32
        %parallel_loop3A_586 = vector.broadcast %parallel_loop3A_585 : f32 to vector<16xf32>
        %parallel_loop3A_587 = arith.cmpf ogt, %parallel_loop3A_584, %parallel_loop3A_586 : vector<16xf32>
        %parallel_loop3A_588 = arith.constant 1.000000e+00 : f32
        %parallel_loop3A_589 = arith.constant 0.000000e+00 : f32
        %parallel_loop3A_590 = vector.broadcast %parallel_loop3A_588 : f32 to vector<16xf32>
        %parallel_loop3A_591 = vector.broadcast %parallel_loop3A_589 : f32 to vector<16xf32>
        %parallel_loop3A_592 = arith.select %parallel_loop3A_587, %parallel_loop3A_590, %parallel_loop3A_591 : vector<16xi1>, vector<16xf32>
        %parallel_loop3A_593 = arith.mulf %parallel_loop3A_584, %parallel_loop3A_592 : vector<16xf32>
        %parallel_loop3A_594 = arith.mulf %parallel_loop3A_593, %parallel_loop3A_571 : vector<16xf32>
        %parallel_loop3A_595 = arith.addf %parallel_loop3A_161, %parallel_loop3A_594 : vector<16xf32>
        %parallel_loop3A_596 = arith.addf %parallel_loop3A_162, %parallel_loop3A_592 : vector<16xf32>
        scf.yield %parallel_loop3A_595, %parallel_loop3A_596 : vector<16xf32>, vector<16xf32>
      } {sc.loop_unroll_factor = 4 : i64, sc.parallel_access}
      scf.yield %parallel_loop3A_159#0, %parallel_loop3A_159#1 : vector<16xf32>, vector<16xf32>
    }
    %scan3A_33 = arith.constant 16 : i32
    %swap3A = arith.constant 0 : index
    %swap3A_34 = tpu.vector_load %arg10[%swap3A] {strides = array<i32>} : memref<16xf32, #tpu.memory_space<vmem>>, vector<16xf32>,
    tpu.vector_store %arg10[%swap3A], %scan3A_32#0 {strides = array<i32>} : memref<16xf32, #tpu.memory_space<vmem>>, vector<16xf32>,
    %swap3A_35 = arith.constant 0 : index
    %swap3A_36 = tpu.vector_load %arg11[%swap3A_35] {strides = array<i32>} : memref<16xf32, #tpu.memory_space<vmem>>, vector<16xf32>,
    tpu.vector_store %arg11[%swap3A_35], %scan3A_32#1 {strides = array<i32>} : memref<16xf32, #tpu.memory_space<vmem>>, vector<16xf32>,
    %mul3A_37 = arith.constant 16 : i32
    %mul3A_38 = arith.muli %add3A, %mul3A_37 : i32
    "tpu.region"() ({
      %run_scoped3A = tpu.sem_alloc : memref<!tpu.dma_semaphore, #tpu.memory_space<semaphore_mem>>
      %dma_start3A_41 = tpu.memref_slice %arg5[%mul3A_38] : memref<512xf32, #tpu.memory_space<hbm>> -> memref<16xf32, #tpu.memory_space<hbm>>
      %dma_start3A_42 = tpu.memref_slice %arg5[%mul3A_38] : memref<512xf32, #tpu.memory_space<hbm>> -> memref<16xf32, #tpu.memory_space<hbm>>
      tpu.enqueue_dma source(%arg10 : memref<16xf32, #tpu.memory_space<vmem>>) target(%dma_start3A_42 : memref<16xf32, #tpu.memory_space<hbm>>) target_semaphore(%run_scoped3A : memref<!tpu.dma_semaphore, #tpu.memory_space<semaphore_mem>>)
      %dma_wait3A = tpu.memref_slice %arg5[%mul3A_38] : memref<512xf32, #tpu.memory_space<hbm>> -> memref<16xf32, #tpu.memory_space<hbm>>
      %dma_wait3A_43 = tpu.memref_slice %arg5[%mul3A_38] : memref<512xf32, #tpu.memory_space<hbm>> -> memref<16xf32, #tpu.memory_space<hbm>>
      tpu.wait_dma2 semaphore(%run_scoped3A : memref<!tpu.dma_semaphore, #tpu.memory_space<semaphore_mem>>) src(%arg10 : memref<16xf32, #tpu.memory_space<vmem>>) dst(%dma_wait3A_43 : memref<16xf32, #tpu.memory_space<hbm>>)
      tpu.yield
    }) : () -> ()
    %mul3A_39 = arith.constant 16 : i32
    %mul3A_40 = arith.muli %add3A, %mul3A_39 : i32
    "tpu.region"() ({
      %run_scoped3A = tpu.sem_alloc : memref<!tpu.dma_semaphore, #tpu.memory_space<semaphore_mem>>
      %dma_start3A_41 = tpu.memref_slice %arg6[%mul3A_40] : memref<512xf32, #tpu.memory_space<hbm>> -> memref<16xf32, #tpu.memory_space<hbm>>
      %dma_start3A_42 = tpu.memref_slice %arg6[%mul3A_40] : memref<512xf32, #tpu.memory_space<hbm>> -> memref<16xf32, #tpu.memory_space<hbm>>
      tpu.enqueue_dma source(%arg11 : memref<16xf32, #tpu.memory_space<vmem>>) target(%dma_start3A_42 : memref<16xf32, #tpu.memory_space<hbm>>) target_semaphore(%run_scoped3A : memref<!tpu.dma_semaphore, #tpu.memory_space<semaphore_mem>>)
      %dma_wait3A = tpu.memref_slice %arg6[%mul3A_40] : memref<512xf32, #tpu.memory_space<hbm>> -> memref<16xf32, #tpu.memory_space<hbm>>
      %dma_wait3A_43 = tpu.memref_slice %arg6[%mul3A_40] : memref<512xf32, #tpu.memory_space<hbm>> -> memref<16xf32, #tpu.memory_space<hbm>>
      tpu.wait_dma2 semaphore(%run_scoped3A : memref<!tpu.dma_semaphore, #tpu.memory_space<semaphore_mem>>) src(%arg11 : memref<16xf32, #tpu.memory_space<vmem>>) dst(%dma_wait3A_43 : memref<16xf32, #tpu.memory_space<hbm>>)
      tpu.yield
    }) : () -> ()
    return
  }
}

</mosaic_0001>

<sc_bundles>
// kernel: kernel.3.cloned.1.call-start
scs
__scs_entry_jumppad:
0x0: {  	(pc) =	sbr.rel $0x88, $3  }
0x1: {  	(tag) =	ssettag $0x0;
	lr =	simm.s32 $0x1  }
0x2: {  	[smem:$0x3F9D] =	sst lr;
	_ =	strace $0xD0000000  }
0x3: {  	_ = 	snop  }
0x4: {  	_ = 	snop  }
0x5: {  	_ = 	snop  }
0x6: {  	_ = 	snop  }
0x7: {  	_ = 	snop  }
__scs_overlays_trampoline_lowered:
0x8: {  	[smem:$0x3FAC] =	sst s0  }
0x9: {  	[smem:$0x3FAD] =	sst s1  }
0xa: {  	[smem:$0x3FAE] =	sst s2  }
0xb: {  	[smem:$0x3FAF] =	sst s3  }
0xc: {  	[smem:$0x3FB0] =	sst s4  }
0xd: {  	[smem:$0x3FB1] =	sst s5  }
0xe: {  	[smem:$0x3FB2] =	sst s6  }
0xf: {  	[smem:$0x3FB3] =	sst s7  }
0x10: {  	[smem:$0x3FB4] =	sst s8  }
0x11: {  	[smem:$0x3FB5] =	sst s9;
	s0 =	simm.s32 @!p0 $0x0  }
0x12: {  	s1 =	sld [smem:$0x3F9B];
	s0 =	simm.s32 @p0 $0x1  }
0x13: {  	[smem:$0x3FB6] =	sst s0;
	s0 =	simm.s32 @!p1 $0x0  }
0x14: {  	s2 =	sld [smem:$0x3F9A];
	s0 =	simm.s32 @p1 $0x1  }
0x15: {  	[smem:$0x3FB7] =	sst s0;
	s0 =	simm.s32 @!p2 $0x0  }
0x16: {  	s3 =	sld [smem:$0x3FDB];
	s0 =	simm.s32 @p2 $0x1  }
0x17: {  	s4 =	simm.s32 $0x1BF5;
	[smem:$0x3FB9] =	sst s0  }
0x18: {  	s0 =	sld [smem:$0x3F9C];
	_ =	swait.ge [sflag:s4], $0x0  }
0x19: {  	s7 =	sld [smem:$0x3F9D]  }
0x1a: {  	s8 =	sadd.s32 $0xFFFFE003, lr  }
0x1b: {  	s9 =	sadd.s32 $0xFFFFFEF7, lr;
	s5 =	simm.s32 $0xFFFFFFFF;
	p2 =	slt.u32 s8, $0xFFFFF086  }
0x1c: {  	p1 =	slt.u32 s9, $0xF7A;
	s5 =	simm.s32 @!p2 $0x0  }
0x1d: {  	s5 =	simm.s32 @p1 $0x1;
	p0 =	seq.s32 s7, s2  }
0x1e: {  	s7 =	smul.u32 @!p0 $0xF7A, s2;
	p2 =	seq.s32 @!p0 s5, $0x0  }
0x1f: {  	s9 =	smul.u32 $0xF7A, s1;
	s8 =	simm.s32 @!p0 $0x1BF5;
	p2 =	por !p2, p0  }
0x20: {  	[sflag:s8] =	ssyncset.s32 @!p0 $0xFFFFF086;
	s6 =	sadd.s32 @!p0 s3, s7;
	s7 =	simm.s32 @!p0 $0x108  }
0x21: {  	s3 =	sadd.s32 s3, s9;
	s6 =	sadd.s32 @!p0 $0x88, s6;
	s7 =	simm.s32 @p2 $0x1082  }
0x22: {  	[simem:s7], [sflag:s8] =	dma.local @!p0 [hbm:s6], $0xF7A  }
0x23: {  	s9 =	sor.u32 $0xD0000000, s2;
	s6 =	simm.s32 $0x108;
	_ =	swait.ge @!p0 [sflag:s8], $0x0  }
0x24: {  	s3 =	sadd.s32 $0x88, s3;
	s6 =	simm.s32 @!p1 $0x1082;
	[sflag:s4] =	ssyncset.s32 $0xFFFFF086  }
0x25: {  	[simem:s6], [sflag:s4] =	dma.local [hbm:s3], $0xF7A  }
0x26: {  	[smem:$0x3F9D] =	sst s1;
	(tag) =	ssettag s2;
	_ =	strace s9  }
0x27: {  	s1 =	sld [smem:$0x3FAD]  }
0x28: {  	s2 =	sld [smem:$0x3FAE]  }
0x29: {  	s4 =	sld [smem:$0x3FB0]  }
0x2a: {  	p0 =	seq.s32 s5, $0x0;
	s5 =	sld [smem:$0x3FB1]  }
0x2b: {  	s6 =	sld [smem:$0x3FB2]  }
0x2c: {  	s7 =	sld [smem:$0x3FB3]  }
0x2d: {  	s3 =	simm.s32 $0x108;
	s8 =	sld [smem:$0x3FB4]  }
0x2e: {  	s3 =	simm.s32 @!p0 $0x1082;
	s9 =	sld [smem:$0x3FB5]  }
0x2f: {  	lr =	sadd.s32 s0, s3;
	s0 =	sld [smem:$0x3FAC]  }
0x30: {  	s3 =	sld [smem:$0x3FAF]  }
0x31: {  	[smem:$0x3FB8] =	sst s10  }
0x32: {  	s10 =	sld [smem:$0x3FB6];
	_ =	sdelay $0x3  }
0x33: {  	p0 =	seq.s32 s10, $0x1;
	s10 =	sld [smem:$0x3FB8];
	_ =	sdelay $0x3  }
0x34: {  	[smem:$0x3FB8] =	sst s10  }
0x35: {  	s10 =	sld [smem:$0x3FB7];
	_ =	sdelay $0x3  }
0x36: {  	p1 =	seq.s32 s10, $0x1;
	s10 =	sld [smem:$0x3FB8];
	_ =	sdelay $0x3  }
0x37: {  	[smem:$0x3FB8] =	sst s10  }
0x38: {  	s10 =	sld [smem:$0x3FB9]  }
0x39: {  	_ = 	snop;
	(pc) =	sbr.ind lr, $3  }
0x3a: {  	_ = 	snop  }
0x3b: {  	_ = 	snop  }
0x3c: {  	p2 =	seq.s32 s10, $0x1;
	s10 =	sld [smem:$0x3FB8]  }
0x3d: {  	_ =	shalt  }
0x3e: {  	_ =	shalt  }
0x3f: {  	_ =	shalt  }
0x40: {  	_ =	shalt  }
0x41: {  	_ =	shalt  }
0x42: {  	_ =	shalt  }
0x43: {  	_ =	shalt  }
0x44: {  	_ =	shalt  }
0x45: {  	_ =	shalt  }
0x46: {  	_ =	shalt  }
0x47: {  	_ =	shalt  }
0x48: {  	_ =	shalt  }
0x49: {  	_ =	shalt  }
0x4a: {  	_ =	shalt  }
0x4b: {  	_ =	shalt  }
0x4c: {  	_ =	shalt  }
0x4d: {  	_ =	shalt  }
0x4e: {  	_ =	shalt  }
0x4f: {  	_ =	shalt  }
0x50: {  	_ =	shalt  }
0x51: {  	_ =	shalt  }
0x52: {  	_ =	shalt  }
0x53: {  	_ =	shalt  }
0x54: {  	_ =	shalt  }
0x55: {  	_ =	shalt  }
0x56: {  	_ =	shalt  }
0x57: {  	_ =	shalt  }
0x58: {  	_ =	shalt  }
0x59: {  	_ =	shalt  }
0x5a: {  	_ =	shalt  }
0x5b: {  	_ =	shalt  }
0x5c: {  	_ =	shalt  }
0x5d: {  	_ =	shalt  }
0x5e: {  	_ =	shalt  }
0x5f: {  	_ =	shalt  }
0x60: {  	_ =	shalt  }
0x61: {  	_ =	shalt  }
0x62: {  	_ =	shalt  }
0x63: {  	_ =	shalt  }
0x64: {  	_ =	shalt  }
0x65: {  	_ =	shalt  }
0x66: {  	_ =	shalt  }
0x67: {  	_ =	shalt  }
0x68: {  	_ =	shalt  }
0x69: {  	_ =	shalt  }
0x6a: {  	_ =	shalt  }
0x6b: {  	_ =	shalt  }
0x6c: {  	_ =	shalt  }
0x6d: {  	_ =	shalt  }
0x6e: {  	_ =	shalt  }
0x6f: {  	_ =	shalt  }
0x70: {  	_ =	shalt  }
0x71: {  	_ =	shalt  }
0x72: {  	_ =	shalt  }
0x73: {  	_ =	shalt  }
0x74: {  	_ =	shalt  }
0x75: {  	_ =	shalt  }
0x76: {  	_ =	shalt  }
0x77: {  	_ =	shalt  }
0x78: {  	_ =	shalt  }
0x79: {  	_ =	shalt  }
0x7a: {  	_ =	shalt  }
0x7b: {  	_ =	shalt  }
0x7c: {  	_ =	shalt  }
0x7d: {  	_ =	shalt  }
0x7e: {  	_ =	shalt  }
0x7f: {  	_ =	shalt  }
0x80: {  	_ =	shalt  }
0x81: {  	_ =	shalt  }
0x82: {  	_ =	shalt  }
0x83: {  	_ =	shalt  }
0x84: {  	_ =	shalt  }
0x85: {  	_ =	shalt  }
0x86: {  	_ =	shalt  }
0x87: {  	_ =	shalt  }
.Lfunc_end0:
.L_simem_size_0:
called_computation_lowered:
.L_overlay_start_0:
0x88: {  	s2 =	sld [smem:$0x3FD9]  }
0x89: {  	s3 =	sld [smem:$0x3FFE];
	_ =	sdelay $0x1  }
0x8a: {  	s1 =	srdreg.scid  }
0x8b: {  	s0 =	sand.u32 $0x1, s1  }
0x8c: {  	s17 =	sshll.u32 s0, $0xA;
	s2 =	sadd.s32 s3, s2  }
0x8d: {  	s2 =	sadd.s32 s2, s17  }
0x8e: {  	[smem:$0x3FC4] =	sst s2  }
0x8f: {  	_ = 	snop  }
0x90: {  	s2 =	sld [smem:$0x3FC8];
	(tm) =	ssettm $0x1  }
0x91: {  	s18 =	sld [smem:$0x3FFB];
	_ =	sdelay $0x3  }
0x92: {  	_ =	strace s18  }
0x93: {  	s3 =	sld [smem:$0x3FFC];
	_ =	sdelay $0x3  }
0x94: {  	_ =	strace s3  }
0x95: {  	s3 =	sld [smem:$0x3FFD];
	_ =	sdelay $0x3  }
0x96: {  	_ =	strace s3  }
0x97: {  	_ =	strace $0x8FFFFFFF  }
0x98: {  	s19 =	sld [smem:$0x3FDB];
	_ =	sdelay $0x1  }
0x99: {  	s4 =	simm.s32 $_scs_section_size  }
0x9a: {  	s5 =	simm.s32 $_size__tile_overlayer_lowered;
	s6 =	simm.s32 $_tile_overlayer_lowered  }
0x9b: {  	s22 =	simm.s32 $0x1BFF;
	s21 =	sshll.u32 s6, $0x1;
	s3 =	sadd.s32 s4, s19  }
0x9c: {  	s7 =	simm.s32 $0x0;
	s20 =	sshll.u32 s5, $0x1;
	s5 =	sadd.s32 s21, s3  }
0x9d: {  	[timem:s7], [sflag:s22] =	dma.local [hbm:s5], s20  }
0x9e: {  	_ =	swait.ge [sflag:s22], s20  }
0x9f: {  	s4 =	ssub.s32 $0x0, s20;
	[sflag:s22] =	ssyncset.done $0x0  }
0xa0: {  	[sflag:s22] =	ssyncadd.s32 s4;
	_ =	sdelay $0x1  }
0xa1: {  	s23 =	simm.s32 $0x1B8B  }
0xa2: {  	_ =	swait.ge [sflag:s23], $0x1  }
0xa3: {  	[sflag:s23] =	ssyncset.done $0x0  }
0xa4: {  	s25 =	simm.s32 $0x1B8E;
	s24 =	sld [smem:$0x3FFE];
	[sflag:s23] =	ssyncadd.s32 $0xFFFFFFFF  }
0xa5: {  	s26 =	simm.s32 $execute0_lowered;
	[smem:$0x3FD2] =	sst s25  }
0xa6: {  	s5 =	sshll.u32 s26, $0x1;
	_ =	strace $0x80000046;
	[dreg:$0x1] =	wrdreg $0xFFFFFFFF  }
0xa7: {  	s28 =	simm.s32 $_size_execute0_lowered;
	s3 =	sadd.s32 s3, s5;
	[dreg:$0x0] =	wrdreg $0x0  }
0xa8: {  	s5 =	sshll.u32 s28, $0x1;
	[dreg:$0x2] =	wrdreg s3  }
0xa9: {  	[dreg:$0x3] =	wrdreg s5  }
0xaa: {  	[dreg:$0x4] =	wrdreg $0xC0  }
0xab: {  	_ =	task [dreg:s7], $0x5FFFF  }
0xac: {  	[dreg:$0x1] =	wrdreg $0xFFFFFFFF  }
0xad: {  	[dreg:$0x0] =	wrdreg $0x60  }
0xae: {  	[dreg:$0x2] =	wrdreg s24  }
0xaf: {  	[dreg:$0x3] =	wrdreg s2  }
0xb0: {  	[dreg:$0x4] =	wrdreg $0x9  }
0xb1: {  	_ =	task.clear_ibuf [dreg:s7], $0x5FFFF;
	_ =	strace $0x90000046  }
0xb2: {  	s29 =	simm.s32 $0x9;
	_ =	strace $0x80000048  }
0xb3: {  	_ =	swait.ge [sflag:s29], $0x1  }
0xb4: {  	[sflag:s29] =	ssyncadd.s32 $0xFFFFFFFF  }
0xb5: {  	_ =	strace $0x90000048  }
0xb6: {  	_ =	sfence  }
0xb7: {  	s30 =	sld [smem:$0x0];
	_ =	sdelay $0x2  }
0xb8: {  	s31 =	sshll.u32 s1, $0xD;
	s1 =	sshrl.u32 s1, $0x2  }
0xb9: {  	s3 =	sand.u32 $0x4000, s31;
	s1 =	sadd.s32 s1, s30  }
0xba: {  	s0 =	sor.u32 s3, s0;
	s1 =	sshll.u32 s1, $0x11  }
0xbb: {  	s0 =	sor.u32 s1, s0  }
0xbc: {  	s0 =	sadd.s32 $0x8F2B, s0  }
0xbd: {  	[sflag:s0] =	ssyncadd.remote.s32 $0x1  }
0xbe: {  	_ =	sfence.sel $0xFFFF  }
0xbf: {  	[dreg:$0x0] =	wrdreg $0xFFFFFFFF;
	(pc) =	sbr.abs _section_cstart, $3  }
0xc0: {  	[dreg:$0x1] =	wrdreg $0xFFFFFFFF  }
0xc1: {  	_ =	task.clear_ibuf [dreg:s7], $0x2FFFF;
	_ =	strace $0x9FFFFFFF  }
0xc2: {  	(tm) =	ssettm $0x7FFFFFFF  }
0xc3: {  	_ =	shalt  }
tec
execute0_lowered:
.L_overlay_start_1:
0x0: {  	(tag) =	ssettag $0x1  }
0x1: {  	v19 =	vlaneseq.u32;
	v0 =	vimm.s32 $0x14131211;
	v1 =	vimm.s32 $0x18171615  }
0x2: {  	v2 =	vimm.s32 $0x1C1B1A19;
	v3 =	vimm.s32 $0x1F1E1D;
	v4 =	vimm.s32 $0x15141312  }
0x3: {  	v5 =	vimm.s32 $0x19181716;
	vm0 =	vcmask $0x1F10;
	v7 =	vimm.s32 $0x1D1C1B1A  }
0x4: {  	v59 =	vimm.s32 $0x1001F1E;
	v8 =	vimm.s32 $0x16151413;
	v9 =	vimm.s32 $0x1A191817  }
0x5: {  	v10 =	vimm.s32 $0x1E1D1C1B;
	v11 =	vimm.s32 $0x201001F;
	v12 =	vimm.s32 $0x3020100  }
0x6: {  	v13 =	vimm.s32 $0x1F1E1D1C;
	v14 =	vimm.s32 $0x17161514;
	v15 =	vimm.s32 $0x1B1A1918  }
0x7: {  	v18 =	vimm.s32 $0x4030201;
	v61 =	vimm.s32 $0x5040302;
	v63 =	vimm.s32 $0x6050403  }
0x8: {  	v44 =	vimm.s32 $0x76543210;
	v45 =	vimm.s32 $0x87654321;
	v46 =	vimm.s32 $0x98765432  }
0x9: {  	v49 =	vimm.s32 $0xA9876543;
	v50 =	vimm.s32 $0x32107654;
	v56 =	vimm.s32 $0x43218765  }
0xa: {  	vm15 =	vcmask $0x2F10;
	vm1 =	vcmask $0x3F30;
	v20 =	vadd.s32 $0x1, v19  }
0xb: {  	v21 =	vadd.s32 $0x2, v19;
	v22 =	vadd.s32 $0x3, v19;
	v23 =	vadd.s32 $0x4, v19  }
0xc: {  	v24 =	vadd.s32 $0x5, v19;
	v25 =	vadd.s32 $0x6, v19;
	v26 =	vadd.s32 $0x7, v19  }
0xd: {  	s0 =	rddreg [dreg:$0x0];
	v27 =	vadd.s32 $0x8, v19;
	v28 =	vadd.s32 $0x9, v19;
	v29 =	vadd.s32 $0xA, v19  }
0xe: {  	s2 =	rddreg [dreg:$0x1];
	s4 =	simm.s32 $0x0;
	v30 =	vadd.s32 $0xB, v19;
	v31 =	vadd.s32 $0xC, v19;
	v32 =	vadd.s32 $0xD, v19  }
0xf: {  	v33 =	vadd.s32 $0xE, v19;
	v34 =	vadd.s32 $0xF, v19;
	v0 =	vunpack.c.0.s8.s32 v0;
	[smem:$0x7FF] =	sst s4  }
0x10: {  	s1 =	rddreg [dreg:$0x2];
	v1 =	vunpack.c.0.s8.s32 v1;
	v2 =	vunpack.c.0.s8.s32 v2;
	v3 =	vunpack.c.0.s8.s32 v3;
	_ =	strace $0x80000047;
	[tilespmem:$0x1FE10] =	vst v20  }
0x11: {  	v4 =	vunpack.c.0.s8.s32 v4;
	v5 =	vunpack.c.0.s8.s32 v5;
	v58 =	vunpack.c.0.s8.s32 v7;
	[tilespmem:$0x1FE20] =	vst v21  }
0x12: {  	v7 =	vunpack.c.0.s8.s32 v59;
	v8 =	vunpack.c.0.s8.s32 v8;
	v9 =	vunpack.c.0.s8.s32 v9;
	[tilespmem:$0x1FE30] =	vst v22  }
0x13: {  	v10 =	vunpack.c.0.s8.s32 v10;
	v11 =	vunpack.c.0.s8.s32 v11;
	v12 =	vunpack.c.0.s8.s32 v12;
	[tilespmem:$0x1FE40] =	vst v23  }
0x14: {  	v13 =	vunpack.c.0.s8.s32 v13;
	v14 =	vunpack.c.0.s8.s32 v14;
	v15 =	vunpack.c.0.s8.s32 v15;
	[tilespmem:$0x1FE50] =	vst v24  }
0x15: {  	v60 =	vunpack.c.0.s8.s32 v18;
	v62 =	vunpack.c.0.s8.s32 v61;
	v38 =	vunpack.c.0.s8.s32 v63;
	[tilespmem:$0x1FE60] =	vst v25  }
0x16: {  	v48 =	vunpack.c.l.s4.s8 v46;
	v52 =	vunpack.c.l.s4.s8 v50;
	v59 =	vimm.s32 $0xB0A0908;
	[tilespmem:$0x1FE70] =	vst v26  }
0x17: {  	v61 =	vimm.s32 $0xC0B0A09;
	v63 =	vimm.s32 $0xE0D0C0B;
	[tilespmem:$0x1FE80] =	vst v27;
	v0 =	vsel vm0, v1, v0  }
0x18: {  	[tilespmem:$0x1FE90] =	vst v28;
	v6 =	vsel vm0, v3, v2;
	v57 =	vsel vm0, v5, v4;
	v16 =	vsel vm0, v7, v58  }
0x19: {  	[tilespmem:$0x1FEA0] =	vst v29;
	v8 =	vsel vm0, v9, v8;
	v17 =	vsel vm0, v11, v10;
	v12 =	vsel vm0, v12, v13  }
0x1a: {  	[tilespmem:$0x1FEB0] =	vst v30;
	v14 =	vsel vm0, v15, v14;
	v1 =	vsel vm0, v2, v1;
	v42 =	vsel vm0, v60, v3  }
0x1b: {  	[tilespmem:$0x1FEC0] =	vst v31;
	v2 =	vsel vm0, v62, v7;
	v4 =	vsel vm0, v58, v5;
	v43 =	vsel vm0, v10, v9  }
0x1c: {  	[tilespmem:$0x1FED0] =	vst v32;
	v47 =	vsel vm0, v13, v15;
	v5 =	vunpack.c.l.s4.s8 v49;
	v35 =	vcombine.low v0, v6  }
0x1d: {  	[tilespmem:$0x1FEE0] =	vst v33;
	v55 =	vunpack.c.0.s8.s32 v52;
	v36 =	vcombine.low v14, v12;
	v37 =	vcombine.low v57, v16  }
0x1e: {  	[tilespmem:$0x1FEF0] =	vst v34;
	v58 =	vimm.s32 $0x6543A987;
	v39 =	vcombine.low v8, v17;
	v40 =	vcombine.low v1, v42  }
0x1f: {  	v41 =	vcombine.low v4, v2;
	v0 =	vsel vm0, v38, v11;
	v2 =	vunpack.c.l.s4.s8 v44;
	[tilespmem:$0x1FF00] =	vst v35  }
0x20: {  	v4 =	vunpack.c.l.s4.s8 v45;
	v1 =	vunpack.c.0.s8.s32 v48;
	v57 =	vimm.s32 $0x54329876;
	[tilespmem:$0x1FF10] =	vst v36  }
0x21: {  	v8 =	vunpack.c.0.s8.s32 v63;
	v42 =	vcombine.low v43, v0;
	v54 =	vunpack.c.0.s8.s32 v5;
	[tilespmem:$0x1FF20] =	vst v37  }
0x22: {  	v0 =	vand.u32 $0xF, v55;
	v5 =	vunpack.c.l.s4.s8 v58;
	v2 =	vunpack.c.0.s8.s32 v2;
	[tilespmem:$0x1FF30] =	vst v39  }
0x23: {  	v4 =	vunpack.c.0.s8.s32 v4;
	v53 =	vand.u32 $0xF, v1;
	v0 =	vsel vm15, v0, v13;
	[tilespmem:$0x1FF40] =	vst v40  }
0x24: {  	[tilespmem:$0x1FF50] =	vst v41;
	v45 =	vcombine.low v16, v53;
	v1 =	vand.u32 $0xF, v54;
	v5 =	vunpack.c.0.s8.s32 v5  }
0x25: {  	s5 =	srdreg.scid;
	s3 =	stileid.u32;
	[tilespmem:$0x1FF60] =	vst v42;
	v43 =	vcombine.low v47, v2;
	v51 =	vand.u32 $0xF, v4;
	v2 =	vunpack.c.l.s4.s8 v56  }
0x26: {  	s12 =	simm.s32 $0x10200;
	s13 =	simm.s32 $0x3;
	s14 =	simm.s32 $0x10000;
	v4 =	vunpack.c.l.s4.s8 v57;
	v46 =	vcombine.low v17, v1;
	v47 =	vor.u32 $0x10, v19;
	[tilespmem:$0x1FF90] =	vst v45  }
0x27: {  	s15 =	simm.s32 $0x8000;
	s16 =	simm.s32 $0x10100;
	s17 =	simm.s32 $0x1;
	v44 =	vcombine.low v6, v51;
	v6 =	vunpack.c.0.s8.s32 v59;
	v5 =	vand.u32 $0xF, v5;
	[tilespmem:$0x1FFB0] =	vst v47  }
0x28: {  	s18 =	simm.s32 $0x2;
	s19 =	simm.s32 $0x10280;
	s20 =	simm.s32 $0x10300;
	v2 =	vunpack.c.0.s8.s32 v2;
	v4 =	vunpack.c.0.s8.s32 v4;
	v5 =	vsel vm15, v5, v11;
	[tilespmem:$0x1FF70] =	vst v43  }
0x29: {  	s21 =	simm.s32 $0x0;
	s5 =	sand.u32 $0x1, s5;
	s6 =	sshll.u32 s3, $0x1;
	v62 =	vimm.s32 $0xD0C0B0A;
	[tilespmem:$0x1FFA0] =	vst v46;
	v52 =	vsel vm1, v6, v0;
	v55 =	vsel vm1, v8, v5  }
0x2a: {  	s7 =	sor.u32 s5, s6;
	s29 =	ssub.s32 $0x2, s5;
	s5 =	sadd.s32 $0x8000, s0;
	[tilespmem:$0x1FF80] =	vst v44;
	v2 =	vand.u32 $0xF, v2;
	v60 =	vand.u32 $0xF, v4;
	v4 =	vunpack.c.0.s8.s32 v61  }
0x2b: {  	s8 =	sshll.u32 s7, $0x1;
	s9 =	sshrl.u32 s29, $0x1;
	s6 =	sshll.u32 s7, $0x2;
	[tilespmem:$0x1FFC0] =	vst v52;
	v2 =	vsel vm15, v2, v3;
	v3 =	vsel vm15, v60, v7;
	v7 =	vunpack.c.0.s8.s32 v62  }
0x2c: {  	s30 =	sshll.u32 s7, $0x11;
	s31 =	sshll.u32 s7, $0xA;
	s10 =	sadd.s32 s8, s0;
	[tilespmem:$0x1FFF0] =	vst v55;
	v53 =	vsel vm1, v4, v2  }
0x2d: {  	s11 =	ssub.s32 s29, s9;
	s7 =	sadd.s32 s5, s30;
	s8 =	sadd.s32 s0, s31;
	v54 =	vsel vm1, v7, v3;
	[tilespmem:$0x1FFD0] =	vst v53  }
0x2e: {  	s9 =	sadd.s32 $0x408200, s10;
	s10 =	sadd.s32 $0x408000, s10;
	s11 =	smax.u32 s11, $0x1;
	[tilespmem:$0x1FFE0] =	vst v54  }
.LBB2_1:
0x2f: {  	[tilespmem:s12], [sflag:$0x3] =	stream.linear.gather [hbm4b:s2+s4], $0x80, $0x38;
	[tilespmem:$0x10380] =	vst v63  }
0x30: {  	_ =	swait.ge [sflag:s13], $0x80  }
0x31: {  	[sflag:s13] =	ssyncset.done $0x0  }
0x32: {  	[sflag:s13] =	ssyncadd.s32 $0xFFFFFF80  }
0x33: {  	[tilespmem:s4], [sflag:$0x1] =	stream.linear.gather [hbm4b:s7+s4], $0x8000, $0x38;
	[tilespmem:$0x10380] =	vst v63  }
0x34: {  	s22 =	simm.s32 $0x0  }
0x35: {  	v1 =	vimm.f32 $0.0e+00;
	v2 =	vimm.f32 $0.0e+00;
	[tilespmem:s14], [sflag:$0x1] =	stream.linear.gather [hbm4b:s8+s4], $0x100, $0x38;
	[tilespmem:$0x10380] =	vst v63  }
.LBB2_2:
0x36: {  	s23 =	sshrl.u32 s22, $0x2  }
0x37: {  	s24 =	sshll.u32 s22, $0x9;
	s23 =	sor.u32 s6, s23  }
0x38: {  	s24 =	sand.u32 $0x600, s24;
	v0 =	vmov s23;
	s23 =	sshll.u32 s23, $0xB  }
0x39: {  	s23 =	sor.u32 s23, s24  }
0x3a: {  	s23 =	sor.u32 $0x100, s23  }
0x3b: {  	s31 =	sshll.u32 s23, $0x4  }
0x3c: {  	s23 =	sshrl.u32 s23, $0x3;
	s24 =	sadd.s32 s5, s31  }
0x3d: {  	v17 =	vld.idx.msk [tilespmem:v0+s12+$0x0], $0xffff;
	[tilespmem:s15], [sflag:$0x2] =	stream.linear.gather [hbm4b:s24+s4], $0x8000, $0x38  }
0x3e: {  	s23 =	sadd.s32 s0, s23  }
0x3f: {  	[tilespmem:s16], [sflag:$0x2] =	stream.linear.gather [hbm4b:s23+s4], $0x100, $0x38;
	[tilespmem:$0x10380] =	vst v63  }
0x40: {  	_ =	swait.ge [sflag:s17], $0x8000  }
0x41: {  	[sflag:s17] =	ssyncset.done $0x0  }
0x42: {  	[sflag:s17] =	ssyncadd.s32 $0xFFFF8000  }
0x43: {  	_ =	swait.ge [sflag:s17], $0x100  }
0x44: {  	[sflag:s17] =	ssyncset.done $0x0  }
0x45: {  	s24 =	simm.s32 $0x30;
	s23 =	simm.s32 $0xFFFFFFFC;
	[tilespmem:$0x1FE00] =	vst v17;
	[sflag:s17] =	ssyncadd.s32 $0xFFFFFF00  }
.LBB2_3:
0x46: {  	s25 =	sadd.s32 $0xFFFFFFD0, s24  }
0x47: {  	v0 =	vor.u32 s25, v19  }
0x48: {  	v38 =	vshll.u32 v0, $0x7  }
0x49: {  	[tilespmem:$0x1FCF0] =	vst v0;
	v0 =	vor.u32 v19, v38  }
0x4a: {  	[tilespmem:$0x1FD90] =	vst v1;
	v1 =	vor.u32 v20, v38  }
0x4b: {  	[tilespmem:$0x1FD00] =	vst v2;
	v2 =	vor.u32 v21, v38  }
0x4c: {  	v4 =	vor.u32 v22, v38  }
0x4d: {  	v5 =	vor.u32 v23, v38  }
0x4e: {  	v7 =	vor.u32 v24, v38;
	v6 =	vld.idx.msk [tilespmem:v0+s4+$0x0], $0xffff  }
0x4f: {  	v8 =	vor.u32 v25, v38;
	v3 =	vld.idx.msk [tilespmem:v1+s4+$0x0], $0xffff  }
0x50: {  	v9 =	vor.u32 v26, v38;
	v1 =	vld.idx.msk [tilespmem:v2+s4+$0x0], $0xffff  }
0x51: {  	v10 =	vor.u32 v27, v38;
	v0 =	vld.idx.msk [tilespmem:v4+s4+$0x0], $0xffff  }
0x52: {  	v11 =	vor.u32 v28, v38;
	v2 =	vld.idx.msk [tilespmem:v5+s4+$0x0], $0xffff  }
0x53: {  	v13 =	vor.u32 v29, v38;
	v4 =	vld.idx.msk [tilespmem:v7+s4+$0x0], $0xffff;
	v12 =	vmul.f32 $1.442695020e+00, v6  }
0x54: {  	v15 =	vor.u32 v30, v38;
	v5 =	vld.idx.msk [tilespmem:v8+s4+$0x0], $0xffff;
	v14 =	vmul.f32 $1.442695020e+00, v3  }
0x55: {  	v16 =	vor.u32 v31, v38;
	v7 =	vld.idx.msk [tilespmem:v9+s4+$0x0], $0xffff;
	v56 =	vmul.f32 $1.442695020e+00, v1;
	(erf) = vpow2.f32 v12  }
0x56: {  	v17 =	vor.u32 v32, v38;
	v8 =	vld.idx.msk [tilespmem:v10+s4+$0x0], $0xffff;
	v57 =	vmul.f32 $1.442695020e+00, v0;
	(erf) = vpow2.f32 v14  }
0x57: {  	v9 =	vld.idx.msk [tilespmem:v11+s4+$0x0], $0xffff;
	v58 =	vmul.f32 $1.442695020e+00, v2;
	(erf) = vpow2.f32 v56  }
0x58: {  	v19 =	vor.u32 v34, v38;
	v10 =	vld.idx.msk [tilespmem:v13+s4+$0x0], $0xffff;
	v59 =	vmul.f32 $1.442695020e+00, v4;
	(erf) = vpow2.f32 v57  }
0x59: {  	v18 =	vor.u32 v33, v38;
	v11 =	vld.idx.msk [tilespmem:v15+s4+$0x0], $0xffff;
	v60 =	vmul.f32 $1.442695020e+00, v5;
	(erf) = vpow2.f32 v58  }
0x5a: {  	v20 =	vor.u32 v47, v38;
	v61 =	vmul.f32 $1.442695020e+00, v7;
	v12 =	vld.idx.msk [tilespmem:v16+s4+$0x0], $0xffff;
	(erf) = vpow2.f32 v59  }
0x5b: {  	v22 =	vor.u32 v37, v38;
	v13 =	vld.idx.msk [tilespmem:v17+s4+$0x0], $0xffff;
	v62 =	vmul.f32 $1.442695020e+00, v8;
	(erf) = vpow2.f32 v60  }
0x5c: {  	v23 =	vor.u32 v39, v38;
	v16 =	vmul.f32 $1.442695020e+00, v9;
	(erf) = vpow2.f32 v61  }
0x5d: {  	v24 =	vor.u32 v36, v38;
	v15 =	vld.idx.msk [tilespmem:v19+s4+$0x0], $0xffff;
	v17 =	vmul.f32 $1.442695020e+00, v10;
	(erf) = vpow2.f32 v62  }
0x5e: {  	v14 =	vld.idx.msk [tilespmem:v18+s4+$0x0], $0xffff;
	v18 =	vmul.f32 $1.442695020e+00, v11;
	v25 =	vpop (erf);
	(erf) = vpow2.f32 v16  }
0x5f: {  	v21 =	vor.u32 v35, v38;
	v19 =	vmul.f32 $1.442695020e+00, v12;
	v16 =	vld.idx.msk [tilespmem:v20+s4+$0x0], $0xffff;
	v27 =	vpop (erf);
	(erf) = vpow2.f32 v17  }
0x60: {  	v20 =	vmul.f32 $1.442695020e+00, v13;
	v29 =	vpop (erf);
	(erf) = vpow2.f32 v18;
	v18 =	vld.idx.msk [tilespmem:v22+s4+$0x0], $0xffff;
	v22 =	vor.u32 v42, v38  }
0x61: {  	v30 =	vpop (erf);
	(erf) = vpow2.f32 v19;
	v19 =	vld.idx.msk [tilespmem:v23+s4+$0x0], $0xffff;
	v23 =	vor.u32 v43, v38  }
0x62: {  	(erf) = vpow2.f32 v20;
	v20 =	vld.idx.msk [tilespmem:v24+s4+$0x0], $0xffff;
	v24 =	vor.u32 v44, v38  }
0x63: {  	v28 =	vor.u32 v41, v38  }
0x64: {  	v26 =	vor.u32 v40, v38;
	v17 =	vld.idx.msk [tilespmem:v21+s4+$0x0], $0xffff;
	v21 =	vmul.f32 $1.442695020e+00, v14  }
0x65: {  	v63 =	vmul.f32 $1.442695020e+00, v15;
	v36 =	vpop (erf);
	v57 =	vld.idx.msk [tilespmem:v22+s4+$0x0], $0xffff  }
0x66: {  	v48 =	vpop (erf);
	(erf) = vpow2.f32 v21;
	v59 =	vld.idx.msk [tilespmem:v23+s4+$0x0], $0xffff  }
0x67: {  	v50 =	vpop (erf);
	(erf) = vpow2.f32 v63;
	v63 =	vld.idx.msk [tilespmem:v24+s4+$0x0], $0xffff  }
0x68: {  	v49 =	vld.idx.msk [tilespmem:v28+s4+$0x0], $0xffff;
	v44 =	vmul.f32 $1.442695020e+00, v16  }
0x69: {  	v28 =	vor.u32 v46, v38;
	v21 =	vld.idx.msk [tilespmem:v26+s4+$0x0], $0xffff;
	v26 =	vor.u32 v45, v38;
	v47 =	vmul.f32 $1.442695020e+00, v17;
	v51 =	vpop (erf)  }
0x6a: {  	(erf) = vpow2.f32 v44;
	v56 =	vmul.f32 $1.442695020e+00, v18;
	v22 =	vor.u32 v52, v38;
	v52 =	vpop (erf);
	[tilespmem:$0x1FCC0] =	vst v57  }
0x6b: {  	(erf) = vpow2.f32 v47;
	v58 =	vmul.f32 $1.442695020e+00, v19;
	v23 =	vor.u32 v53, v38;
	v53 =	vpop (erf);
	[tilespmem:$0x1FCD0] =	vst v59  }
0x6c: {  	(erf) = vpow2.f32 v56;
	v24 =	vor.u32 v54, v38;
	v54 =	vpop (erf);
	[tilespmem:$0x1FCE0] =	vst v63  }
0x6d: {  	v62 =	vmul.f32 $1.442695020e+00, v20;
	(erf) = vpow2.f32 v58  }
0x6e: {  	v61 =	vmul.f32 $1.442695020e+00, v49;
	v60 =	vmul.f32 $1.442695020e+00, v21;
	v42 =	vld.idx.msk [tilespmem:v26+s4+$0x0], $0xffff;
	v26 =	vor.u32 v55, v38  }
0x6f: {  	v56 =	vmul.f32 $1.442695020e+00, v59;
	v55 =	vpop (erf);
	(erf) = vpow2.f32 v62;
	v43 =	vld.idx.msk [tilespmem:v28+s4+$0x0], $0xffff  }
0x70: {  	v62 =	vmul.f32 $1.442695020e+00, v57;
	v44 =	vld.idx.msk [tilespmem:v22+s4+$0x0], $0xffff;
	v28 =	vpop (erf);
	(erf) = vpow2.f32 v60  }
0x71: {  	v22 =	vadd.f32 $0.0e+00, v25;
	v45 =	vld.idx.msk [tilespmem:v23+s4+$0x0], $0xffff;
	v23 =	vadd.f32 $0.0e+00, v27;
	v25 =	vpop (erf);
	(erf) = vpow2.f32 v61  }
0x72: {  	v57 =	vmul.f32 $1.442695020e+00, v63;
	v46 =	vld.idx.msk [tilespmem:v24+s4+$0x0], $0xffff;
	v24 =	vadd.f32 $0.0e+00, v29;
	v27 =	vpop (erf);
	(erf) = vpow2.f32 v62  }
0x73: {  	v22 =	vadd.f32 v36, v22;
	v29 =	vpop (erf);
	(erf) = vpow2.f32 v56;
	v63 =	vmul.f32 $1.442695020e+00, v42;
	v47 =	vld.idx.msk [tilespmem:v26+s4+$0x0], $0xffff  }
0x74: {  	v26 =	vadd.f32 $0.0e+00, v30;
	v30 =	vpop (erf);
	(erf) = vpow2.f32 v57;
	v40 =	vmul.f32 $1.442695020e+00, v43  }
0x75: {  	v23 =	vadd.f32 v48, v23;
	v41 =	vmul.f32 $1.442695020e+00, v44;
	v36 =	vpop (erf);
	(erf) = vpow2.f32 v63  }
0x76: {  	v61 =	vmul.f32 $1.442695020e+00, v45;
	v60 =	vpop (erf);
	v26 =	vadd.f32 v51, v26;
	(erf) = vpow2.f32 v40  }
0x77: {  	v24 =	vadd.f32 v50, v24;
	v63 =	vmul.f32 $1.442695020e+00, v46;
	v62 =	vpop (erf);
	(erf) = vpow2.f32 v41  }
0x78: {  	v39 =	vpop (erf);
	v26 =	vadd.f32 v55, v26;
	(erf) = vpow2.f32 v61;
	v40 =	vmul.f32 $1.442695020e+00, v47  }
0x79: {  	v22 =	vadd.f32 v52, v22;
	v23 =	vadd.f32 v53, v23;
	v41 =	vpop (erf);
	(erf) = vpow2.f32 v63  }
0x7a: {  	v24 =	vadd.f32 v54, v24;
	v58 =	vpop (erf);
	v26 =	vadd.f32 v29, v26;
	(erf) = vpow2.f32 v40  }
0x7b: {  	v22 =	vadd.f32 v28, v22;
	v23 =	vadd.f32 v25, v23;
	v25 =	vpop (erf)  }
0x7c: {  	v24 =	vadd.f32 v27, v24;
	v27 =	vpop (erf);
	v26 =	vadd.f32 v62, v26  }
0x7d: {  	v22 =	vadd.f32 v30, v22;
	v23 =	vadd.f32 v36, v23;
	v28 =	vpop (erf)  }
0x7e: {  	v0 =	vadd.f32 $0.0e+00, v0;
	v24 =	vadd.f32 v60, v24;
	v29 =	vpop (erf)  }
0x7f: {  	v22 =	vadd.f32 v39, v22;
	v23 =	vadd.f32 v41, v23;
	v30 =	vpop (erf)  }
0x80: {  	v24 =	vadd.f32 v58, v24;
	v25 =	vadd.f32 v25, v26;
	v26 =	vpop (erf)  }
0x81: {  	v22 =	vadd.f32 v27, v22;
	v23 =	vadd.f32 v28, v23;
	v27 =	vpop (erf)  }
0x82: {  	v24 =	vadd.f32 v29, v24;
	v25 =	vadd.f32 v30, v25;
	v28 =	vpop (erf)  }
0x83: {  	v22 =	vadd.f32 v26, v22;
	v23 =	vadd.f32 v27, v23;
	v26 =	vpop (erf)  }
0x84: {  	v24 =	vadd.f32 v28, v24;
	v25 =	vadd.f32 v26, v25  }
0x85: {  	v0 =	vadd.f32 v7, v0  }
0x86: {  	v22 =	vadd.f32 v23, v22;
	v23 =	vadd.f32 v25, v24  }
0x87: {  	v6 =	vadd.f32 $0.0e+00, v6  }
0x88: {  	v0 =	vadd.f32 v11, v0;
	v50 =	vadd.f32 v23, v22  }
0x89: {  	v3 =	vadd.f32 $0.0e+00, v3;
	v2 =	vadd.f32 v2, v6;
	v60 =	vld [tilespmem:$0x1FE10]  }
0x8a: {  	s30 =	sadd.s32 $0xFFFFFFE0, s24;
	v0 =	vadd.f32 v15, v0;
	v61 =	vld [tilespmem:$0x1FE20];
	v23 =	vlaneseq.u32;
	v22 =	vand.u32 $0x7FFFFF, v50  }
0x8b: {  	v59 =	vlaneseq.u32;
	v62 =	vld [tilespmem:$0x1FE30];
	v24 =	vor.u32 s30, v23;
	v22 =	vor.u32 $0x3F800000, v22  }
0x8c: {  	v40 =	vadd.f32 v19, v0;
	v0 =	vld [tilespmem:$0x1FE80];
	v48 =	vshll.u32 v24, $0x7;
	v23 =	vadd.f32 $1.000000000e+00, v22  }
0x8d: {  	v1 =	vadd.f32 $0.0e+00, v1;
	v3 =	vadd.f32 v4, v3;
	v6 =	vor.u32 v59, v48  }
0x8e: {  	v2 =	vadd.f32 v8, v2;
	v4 =	vor.u32 v60, v48;
	(erf) = vrcp.f32 v23  }
0x8f: {  	v1 =	vadd.f32 v5, v1;
	v3 =	vadd.f32 v9, v3;
	v5 =	vor.u32 v61, v48  }
0x90: {  	v2 =	vadd.f32 v12, v2;
	v12 =	vld [tilespmem:$0x1FE70];
	v7 =	vor.u32 v62, v48  }
0x91: {  	v3 =	vadd.f32 v13, v3;
	v63 =	vld [tilespmem:$0x1FE40];
	v0 =	vor.u32 v0, v48  }
0x92: {  	v1 =	vadd.f32 v10, v1;
	v51 =	vld.idx.msk [tilespmem:v6+s4+$0x0], $0xffff  }
0x93: {  	v3 =	vadd.f32 v17, v3;
	v52 =	vld.idx.msk [tilespmem:v4+s4+$0x0], $0xffff  }
0x94: {  	v1 =	vadd.f32 v14, v1;
	v53 =	vld.idx.msk [tilespmem:v5+s4+$0x0], $0xffff  }
0x95: {  	v54 =	vld.idx.msk [tilespmem:v7+s4+$0x0], $0xffff  }
0x96: {  	v23 =	vadd.f32 v18, v1;
	v1 =	vadd.f32 $-1.000000000e+00, v22;
	v36 =	vld.idx.msk [tilespmem:v0+s4+$0x0], $0xffff  }
0x97: {  	v39 =	vadd.f32 v21, v3;
	v0 =	vld [tilespmem:$0x1FFB0];
	v13 =	vmul.f32 $1.442695020e+00, v51;
	v3 =	vpop (erf)  }
0x98: {  	v7 =	vmul.f32 v3, v1;
	v1 =	vmul.f32 $1.442695020e+00, v52  }
0x99: {  	v10 =	vld [tilespmem:$0x1FE50];
	v8 =	vor.u32 v63, v48;
	v15 =	vmul.f32 $1.442695020e+00, v53;
	(erf) = vpow2.f32 v13  }
0x9a: {  	v5 =	vor.u32 v12, v48;
	v63 =	vmul.f32 $1.442695020e+00, v54;
	(erf) = vpow2.f32 v1  }
0x9b: {  	v11 =	vld [tilespmem:$0x1FE60];
	v33 =	vor.u32 v33, v48;
	(erf) = vpow2.f32 v15  }
0x9c: {  	v2 =	vadd.f32 v16, v2;
	(erf) = vpow2.f32 v63;
	v63 =	vor.u32 v0, v48;
	v0 =	vld [tilespmem:$0x1FF30]  }
0x9d: {  	v14 =	vld [tilespmem:$0x1FEA0]  }
0x9e: {  	v41 =	vadd.f32 v20, v2;
	v2 =	vld [tilespmem:$0x1FE90];
	v6 =	vor.u32 v10, v48  }
0x9f: {  	v58 =	vld.idx.msk [tilespmem:v5+s4+$0x0], $0xffff  }
0xa0: {  	v4 =	vor.u32 v11, v48;
	v5 =	vld.idx.msk [tilespmem:v33+s4+$0x0], $0xffff  }
0xa1: {  	v33 =	vor.u32 v0, v48;
	v0 =	vld [tilespmem:$0x1FF10]  }
0xa2: {  	v55 =	vld.idx.msk [tilespmem:v8+s4+$0x0], $0xffff  }
0xa3: {  	v2 =	vor.u32 v2, v48;
	v56 =	vld.idx.msk [tilespmem:v6+s4+$0x0], $0xffff  }
0xa4: {  	v6 =	vor.u32 v14, v48;
	v3 =	vld [tilespmem:$0x1FEB0]  }
0xa5: {  	v57 =	vld.idx.msk [tilespmem:v4+s4+$0x0], $0xffff  }
0xa6: {  	v17 =	vor.u32 v0, v48;
	v0 =	vld [tilespmem:$0x1FF40];
	_ =	sdelay $0x1  }
0xa7: {  	v9 =	vor.u32 v32, v48;
	v32 =	vmul.f32 $1.442695020e+00, v55;
	v15 =	vld.idx.msk [tilespmem:v2+s4+$0x0], $0xffff  }
0xa8: {  	v60 =	vmul.f32 $1.442695020e+00, v56;
	v13 =	vld.idx.msk [tilespmem:v6+s4+$0x0], $0xffff;
	v3 =	vor.u32 v3, v48  }
0xa9: {  	v61 =	vor.u32 v34, v48;
	v62 =	vmul.f32 $1.442695020e+00, v57;
	(erf) = vpow2.f32 v32  }
0xaa: {  	v34 =	vmul.f32 $1.442695020e+00, v58;
	(erf) = vpow2.f32 v60;
	v20 =	vor.u32 v0, v48;
	v0 =	vld [tilespmem:$0x1FF50]  }
0xab: {  	v16 =	vmul.f32 $1.442695020e+00, v36;
	(erf) = vpow2.f32 v62  }
0xac: {  	(erf) = vpow2.f32 v34;
	v32 =	vmul.f32 $1.442695020e+00, v15  }
0xad: {  	(erf) = vpow2.f32 v16;
	v16 =	vmul.f32 $1.442695020e+00, v13;
	v12 =	vld.idx.msk [tilespmem:v3+s4+$0x0], $0xffff  }
0xae: {  	v19 =	vpop (erf);
	(erf) = vpow2.f32 v32  }
0xaf: {  	v21 =	vpop (erf);
	(erf) = vpow2.f32 v16;
	v16 =	vor.u32 v0, v48;
	v0 =	vld [tilespmem:$0x1FF60];
	_ =	sdelay $0x2  }
0xb0: {  	v18 =	vmul.f32 $1.442695020e+00, v12;
	_ =	sdelay $0x1  }
0xb1: {  	[tilespmem:$0x1FDC0] =	vst v24;
	v24 =	vpop (erf);
	(erf) = vpow2.f32 v18;
	v18 =	vor.u32 v0, v48;
	v0 =	vld [tilespmem:$0x1FF70];
	_ =	sdelay $0x3  }
0xb2: {  	v59 =	vor.u32 v31, v48  }
0xb3: {  	v26 =	vor.u32 v0, v48;
	v0 =	vld [tilespmem:$0x1FF80];
	_ =	sdelay $0x3  }
0xb4: {  	v59 =	vld.idx.msk [tilespmem:v59+s4+$0x0], $0xffff  }
0xb5: {  	v29 =	vor.u32 v0, v48;
	v0 =	vld [tilespmem:$0x1FF90]  }
0xb6: {  	v35 =	vor.u32 v35, v48;
	v4 =	vld.idx.msk [tilespmem:v9+s4+$0x0], $0xffff;
	_ =	sdelay $0x1  }
0xb7: {  	v6 =	vld.idx.msk [tilespmem:v61+s4+$0x0], $0xffff  }
0xb8: {  	v14 =	vld.idx.msk [tilespmem:v20+s4+$0x0], $0xffff  }
0xb9: {  	v34 =	vmul.f32 $1.442695020e+00, v59;
	v20 =	vor.u32 v0, v48;
	v0 =	vld [tilespmem:$0x1FFA0]  }
0xba: {  	v8 =	vld.idx.msk [tilespmem:v35+s4+$0x0], $0xffff;
	v35 =	vmul.f32 $1.442695020e+00, v4  }
0xbb: {  	v22 =	vmul.f32 $1.442695020e+00, v5;
	v25 =	vpop (erf);
	(erf) = vpow2.f32 v34  }
0xbc: {  	v28 =	vmul.f32 $1.442695020e+00, v6;
	v27 =	vpop (erf);
	(erf) = vpow2.f32 v35  }
0xbd: {  	v60 =	vld.idx.msk [tilespmem:v63+s4+$0x0], $0xffff;
	v30 =	vpop (erf);
	(erf) = vpow2.f32 v22  }
0xbe: {  	v63 =	vpop (erf);
	(erf) = vpow2.f32 v28;
	v28 =	vor.u32 v0, v48;
	v0 =	vld [tilespmem:$0x1FFC0]  }
0xbf: {  	v37 =	vor.u32 v37, v48;
	_ =	sdelay $0x3  }
0xc0: {  	v32 =	vor.u32 v0, v48;
	v0 =	vld [tilespmem:$0x1FFD0]  }
0xc1: {  	v9 =	vld.idx.msk [tilespmem:v37+s4+$0x0], $0xffff  }
0xc2: {  	v10 =	vld.idx.msk [tilespmem:v33+s4+$0x0], $0xffff  }
0xc3: {  	v11 =	vld.idx.msk [tilespmem:v17+s4+$0x0], $0xffff  }
0xc4: {  	v61 =	vld.idx.msk [tilespmem:v26+s4+$0x0], $0xffff  }
0xc5: {  	v26 =	vor.u32 v0, v48;
	v0 =	vld [tilespmem:$0x1FFE0]  }
0xc6: {  	v17 =	vmul.f32 $1.442695020e+00, v60  }
0xc7: {  	v22 =	vmul.f32 $1.442695020e+00, v8;
	v16 =	vld.idx.msk [tilespmem:v16+s4+$0x0], $0xffff  }
0xc8: {  	v62 =	vmul.f32 $1.442695020e+00, v9;
	v31 =	vpop (erf);
	(erf) = vpow2.f32 v17;
	v17 =	vld.idx.msk [tilespmem:v18+s4+$0x0], $0xffff  }
0xc9: {  	v33 =	vpop (erf);
	(erf) = vpow2.f32 v22;
	v22 =	vmul.f32 $1.442695020e+00, v10;
	v18 =	vld.idx.msk [tilespmem:v29+s4+$0x0], $0xffff  }
0xca: {  	(erf) = vpow2.f32 v62;
	v35 =	vmul.f32 $1.442695020e+00, v11;
	v29 =	vor.u32 v0, v48;
	v0 =	vld [tilespmem:$0x1FFF0]  }
0xcb: {  	v34 =	vpop (erf);
	(erf) = vpow2.f32 v22  }
0xcc: {  	v37 =	vpop (erf);
	(erf) = vpow2.f32 v35  }
0xcd: {  	v22 =	vmul.f32 $1.442695020e+00, v14;
	v35 =	vmul.f32 $1.442695020e+00, v16  }
0xce: {  	v23 =	vadd.f32 v49, v23;
	v62 =	vld.idx.msk [tilespmem:v20+s4+$0x0], $0xffff  }
0xcf: {  	v49 =	vmul.f32 $1.442695020e+00, v17;
	v20 =	vld.idx.msk [tilespmem:v28+s4+$0x0], $0xffff;
	v28 =	vpop (erf);
	(erf) = vpow2.f32 v22;
	v1 =	vor.u32 v0, v48  }
0xd0: {  	v22 =	vld.idx.msk [tilespmem:v32+s4+$0x0], $0xffff;
	v32 =	vpop (erf);
	(erf) = vpow2.f32 v35  }
0xd1: {  	v19 =	vadd.f32 $0.0e+00, v19;
	v35 =	vpop (erf);
	(erf) = vpow2.f32 v49  }
0xd2: {  	v21 =	vadd.f32 $0.0e+00, v21;
	v49 =	vmul.f32 $1.442695020e+00, v18;
	v26 =	vld.idx.msk [tilespmem:v26+s4+$0x0], $0xffff;
	v0 =	vmul.f32 $1.442695020e+00, v61  }
0xd3: {  	v27 =	vadd.f32 v27, v19;
	v19 =	vld.idx.msk [tilespmem:v29+s4+$0x0], $0xffff  }
0xd4: {  	v30 =	vadd.f32 v30, v21;
	v29 =	vpop (erf);
	(erf) = vpow2.f32 v0;
	v21 =	vld.idx.msk [tilespmem:v1+s4+$0x0], $0xffff;
	v1 =	vmul.f32 $1.442695020e+00, v62  }
0xd5: {  	v24 =	vadd.f32 $0.0e+00, v24;
	v3 =	vpop (erf);
	v0 =	vmul.f32 $1.442695020e+00, v20;
	(erf) = vpow2.f32 v49  }
0xd6: {  	v2 =	vadd.f32 $0.0e+00, v25;
	v49 =	vpop (erf);
	(erf) = vpow2.f32 v1;
	v1 =	vmul.f32 $1.442695020e+00, v22;
	_ =	sdelay $0x1  }
0xd7: {  	v24 =	vadd.f32 v63, v24;
	v2 =	vadd.f32 v31, v2;
	v25 =	vpop (erf);
	v31 =	vmul.f32 $1.442695020e+00, v19  }
0xd8: {  	v63 =	vmul.f32 $1.442695020e+00, v26;
	(erf) = vpow2.f32 v0;
	v0 =	vpop (erf)  }
0xd9: {  	v30 =	vadd.f32 v34, v30;
	v24 =	vadd.f32 v37, v24;
	(erf) = vpow2.f32 v1;
	v1 =	vpop (erf)  }
0xda: {  	v27 =	vadd.f32 v33, v27;
	(erf) = vpow2.f32 v63;
	v63 =	vmul.f32 $1.442695020e+00, v21;
	v33 =	vpop (erf)  }
0xdb: {  	v30 =	vadd.f32 v35, v30;
	v24 =	vadd.f32 v29, v24;
	(erf) = vpow2.f32 v31;
	v31 =	vpop (erf)  }
0xdc: {  	v2 =	vadd.f32 v28, v2;
	v27 =	vadd.f32 v32, v27;
	(erf) = vpow2.f32 v63;
	v28 =	vpop (erf)  }
0xdd: {  	v25 =	vadd.f32 v25, v30;
	v29 =	vpop (erf)  }
0xde: {  	v2 =	vadd.f32 v3, v2;
	v3 =	vadd.f32 v49, v27;
	v27 =	vmul.f32 v7, v7;
	v37 =	vpop (erf)  }
0xdf: {  	v0 =	vadd.f32 v0, v24;
	v25 =	vadd.f32 v31, v25;
	v24 =	vpop (erf)  }
0xe0: {  	v1 =	vadd.f32 v1, v2;
	v2 =	vadd.f32 v33, v3;
	v3 =	vmul.f32 $1.111111120e-01, v27;
	v30 =	vpop (erf)  }
0xe1: {  	v0 =	vadd.f32 v28, v0;
	v28 =	vpop (erf)  }
0xe2: {  	v3 =	vadd.f32 $1.428571490e-01, v3;
	v1 =	vadd.f32 v29, v1;
	v29 =	vpop (erf)  }
0xe3: {  	v24 =	vadd.f32 v24, v25;
	v0 =	vadd.f32 v30, v0;
	v25 =	vpop (erf)  }
0xe4: {  	v2 =	vadd.f32 v37, v2;
	v3 =	vmul.f32 v3, v27;
	v1 =	vadd.f32 v28, v1;
	v28 =	vpop (erf)  }
0xe5: {  	v24 =	vadd.f32 v25, v24;
	v25 =	vpop (erf);
	v0 =	vadd.f32 v28, v0;
	v28 =	vld [tilespmem:$0x1FE00]  }
0xe6: {  	v3 =	vadd.f32 $2.000000030e-01, v3;
	v1 =	vadd.f32 v25, v1;
	v25 =	vld [tilespmem:$0x1FCC0]  }
0xe7: {  	v2 =	vadd.f32 v29, v2  }
0xe8: {  	v3 =	vmul.f32 v3, v27  }
0xe9: {  	v2 =	vadd.f32 v24, v2;
	v24 =	vld [tilespmem:$0x1FCE0];
	v0 =	vadd.f32 v1, v0  }
0xea: {  	v23 =	vadd.f32 v42, v23;
	v3 =	vadd.f32 $3.333333430e-01, v3;
	v1 =	vld [tilespmem:$0x1FCD0]  }
0xeb: {  	v28 =	vadd.s32 v28, v38;
	v0 =	vadd.f32 v0, v2;
	v25 =	vadd.f32 v25, v40  }
0xec: {  	v23 =	vadd.f32 v46, v23;
	v7 =	vadd.f32 v7, v7;
	v29 =	vshrl.u32 v50, $0x17  }
0xed: {  	v3 =	vmul.f32 v3, v27;
	v2 =	vadd.f32 v43, v25;
	v25 =	vand.u32 $0x7FFFFF, v0  }
0xee: {  	v27 =	vand.u32 $0xFF, v29;
	v24 =	vadd.f32 v24, v39;
	v25 =	vor.u32 $0x3F800000, v25  }
0xef: {  	v49 =	vld [tilespmem:$0x1FCF0];
	v27 =	vadd.s32 $0xFFFFFF81, v27;
	v1 =	vadd.f32 v1, v41;
	v29 =	vadd.f32 $1.000000000e+00, v25  }
0xf0: {  	v3 =	vadd.f32 $1.000000000e+00, v3;
	v27 =	vcvt.s32.f32 v27;
	v24 =	vadd.f32 v45, v24;
	v28 =	vld.idx.msk [tilespmem:v28+s4+$0x0], $0xffff  }
0xf1: {  	v1 =	vadd.f32 v44, v1;
	v2 =	vadd.f32 v47, v2;
	(erf) = vrcp.f32 v29  }
0xf2: {  	v3 =	vmul.f32 v3, v7  }
0xf3: {  	v1 =	vadd.f32 v24, v1;
	v2 =	vadd.f32 v2, v23;
	v23 =	vmul.f32 $6.931471820e-01, v27;
	_ =	sdelay $0x1  }
0xf4: {  	v1 =	vadd.f32 v2, v1;
	v2 =	vadd.f32 v3, v23;
	v3 =	vmul.f32 $9.499999880e-01, v28;
	_ =	sdelay $0x1  }
0xf5: {  	v1 =	vmul.f32 $1.562500020e-03, v1;
	v2 =	vsub.f32 v2, v3  }
0xf6: {  	v7 =	vld.idx.msk [tilespmem:v49+s14+$0x0], $0xffff;
	v24 =	vadd.f32 $0.0e+00, v52  }
0xf7: {  	v1 =	vsub.f32 v2, v1;
	v2 =	vadd.f32 $-1.000000000e+00, v25  }
0xf8: {  	v24 =	vadd.f32 v56, v24;
	v23 =	vpop (erf)  }
0xf9: {  	v50 =	vadd.f32 $0.0e+00, v51;
	v2 =	vmul.f32 v23, v2  }
0xfa: {  	v15 =	vadd.f32 v15, v24  }
0xfb: {  	v3 =	vmul.f32 $5.555555690e-04, v7;
	v7 =	vadd.f32 v55, v50;
	v27 =	vmul.f32 v2, v2;
	_ =	sdelay $0x1  }
0xfc: {  	v4 =	vadd.f32 v4, v15;
	v7 =	vadd.f32 v36, v7;
	v24 =	vmul.f32 $1.111111120e-01, v27  }
0xfd: {  	v3 =	vsub.f32 $3.000000000e+00, v3;
	v25 =	vadd.f32 $0.0e+00, v53  }
0xfe: {  	v7 =	vadd.f32 v59, v7;
	v24 =	vadd.f32 $1.428571490e-01, v24  }
0xff: {  	v53 =	vimm.f32 $0.0e+00;
	vm0 =	vgt.f32 v3, $5.000000000e-01;
	v59 =	vld [tilespmem:$0x1FE00];
	v23 =	vadd.f32 $0.0e+00, v54  }
0x100: {  	v54 =	vsel vm0, $0x3F800000, v53;
	v7 =	vadd.f32 v60, v7;
	v52 =	vmul.f32 v24, v27  }
0x101: {  	v4 =	vadd.f32 v8, v4;
	v3 =	vmul.f32 v54, v3  }
0x102: {  	v7 =	vadd.f32 v11, v7;
	v55 =	vadd.f32 $2.000000030e-01, v52  }
0x103: {  	v25 =	vadd.f32 v57, v25;
	v23 =	vadd.f32 v58, v23;
	v1 =	vmul.f32 v1, v3  }
0x104: {  	v3 =	vadd.f32 v61, v7;
	v7 =	vadd.s32 v59, v48;
	v8 =	vmul.f32 v55, v27  }
0x105: {  	v34 =	vld [tilespmem:$0x1FE60];
	v0 =	vshrl.u32 v0, $0x17;
	v13 =	vadd.f32 v13, v25;
	v12 =	vadd.f32 v12, v23  }
0x106: {  	v32 =	vld [tilespmem:$0x1FE40];
	v0 =	vand.u32 $0xFF, v0;
	v4 =	vadd.f32 v14, v4;
	v8 =	vadd.f32 $3.333333430e-01, v8  }
0x107: {  	v63 =	vld [tilespmem:$0x1FE30];
	v0 =	vadd.s32 $0xFFFFFF81, v0;
	v5 =	vadd.f32 v5, v13;
	v6 =	vadd.f32 v6, v12  }
0x108: {  	v33 =	vld [tilespmem:$0x1FE50];
	v0 =	vcvt.s32.f32 v0;
	v4 =	vadd.f32 v18, v4;
	v8 =	vmul.f32 v8, v27  }
0x109: {  	v5 =	vadd.f32 v9, v5;
	v6 =	vadd.f32 v10, v6;
	v7 =	vld.idx.msk [tilespmem:v7+s4+$0x0], $0xffff  }
0x10a: {  	v37 =	vld [tilespmem:$0x1FE80];
	v0 =	vmul.f32 $6.931471820e-01, v0;
	v2 =	vadd.f32 v2, v2;
	v8 =	vadd.f32 $1.000000000e+00, v8  }
0x10b: {  	s31 =	sadd.s32 $0xFFFFFFF0, s24;
	v51 =	vld [tilespmem:$0x1FE20];
	v28 =	vlaneseq.u32;
	v5 =	vadd.f32 v16, v5;
	v6 =	vadd.f32 v17, v6  }
0x10c: {  	v39 =	vld [tilespmem:$0x1FD00];
	v28 =	vor.u32 s31, v28;
	v4 =	vadd.f32 v26, v4;
	v2 =	vmul.f32 v8, v2  }
0x10d: {  	v49 =	vld [tilespmem:$0x1FFB0];
	v38 =	vshll.u32 v28, $0x7;
	v5 =	vadd.f32 v62, v5;
	v6 =	vadd.f32 v20, v6  }
0x10e: {  	v36 =	vld [tilespmem:$0x1FE70];
	v3 =	vadd.f32 v22, v3;
	v0 =	vadd.f32 v2, v0;
	v2 =	vmul.f32 $9.499999880e-01, v7  }
0x10f: {  	v14 =	vor.u32 v33, v38;
	v25 =	vld [tilespmem:$0x1FE10];
	v5 =	vadd.f32 v19, v5;
	v6 =	vadd.f32 v21, v6  }
0x110: {  	v0 =	vsub.f32 v0, v2;
	v2 =	vld [tilespmem:$0x1FEA0]  }
0x111: {  	v53 =	vld [tilespmem:$0x1FF20];
	v3 =	vadd.f32 v4, v3;
	v35 =	vadd.f32 v6, v5  }
0x112: {  	[tilespmem:$0x1FDA0] =	vst v54;
	v54 =	vld [tilespmem:$0x1FF30];
	v13 =	vor.u32 v51, v38;
	v23 =	vlaneseq.u32  }
0x113: {  	v51 =	vld [tilespmem:$0x1FF00];
	v23 =	vor.u32 v23, v38;
	v3 =	vadd.f32 v35, v3  }
0x114: {  	v1 =	vadd.f32 v1, v39;
	v14 =	vld.idx.msk [tilespmem:v14+s4+$0x0], $0xffff;
	v25 =	vor.u32 v25, v38  }
0x115: {  	[tilespmem:$0x1FD80] =	vst v3;
	v3 =	vor.u32 v2, v38;
	v2 =	vld [tilespmem:$0x1FEB0]  }
0x116: {  	v12 =	vor.u32 v63, v38;
	[tilespmem:$0x1FDF0] =	vst v1;
	v1 =	vld [tilespmem:$0x1FE90]  }
0x117: {  	v26 =	vor.u32 v54, v38;
	v58 =	vld.idx.msk [tilespmem:v13+s4+$0x0], $0xffff  }
0x118: {  	v56 =	vld.idx.msk [tilespmem:v23+s4+$0x0], $0xffff  }
0x119: {  	v13 =	vor.u32 v32, v38;
	v57 =	vld.idx.msk [tilespmem:v25+s4+$0x0], $0xffff  }
0x11a: {  	v40 =	vor.u32 v2, v38;
	v2 =	vld [tilespmem:$0x1FEC0]  }
0x11b: {  	v24 =	vor.u32 v53, v38;
	v12 =	vld.idx.msk [tilespmem:v12+s4+$0x0], $0xffff  }
0x11c: {  	v31 =	vld.idx.msk [tilespmem:v26+s4+$0x0], $0xffff  }
0x11d: {  	v26 =	vld [tilespmem:$0x1FF70];
	v8 =	vor.u32 v34, v38  }
0x11e: {  	v22 =	vor.u32 v49, v38;
	v13 =	vld.idx.msk [tilespmem:v13+s4+$0x0], $0xffff  }
0x11f: {  	v1 =	vor.u32 v1, v38;
	v41 =	vor.u32 v2, v38;
	v2 =	vld [tilespmem:$0x1FED0]  }
0x120: {  	v10 =	vld.idx.msk [tilespmem:v24+s4+$0x0], $0xffff;
	v60 =	vmul.f32 $1.442695020e+00, v56  }
0x121: {  	v16 =	vadd.f32 $0.0e+00, v56;
	v56 =	vld [tilespmem:$0x1FF10];
	v61 =	vmul.f32 $1.442695020e+00, v57  }
0x122: {  	v62 =	vmul.f32 $1.442695020e+00, v58;
	(erf) = vpow2.f32 v60;
	v17 =	vld.idx.msk [tilespmem:v8+s4+$0x0], $0xffff  }
0x123: {  	v23 =	vor.u32 v51, v38;
	(erf) = vpow2.f32 v61;
	v8 =	vld.idx.msk [tilespmem:v22+s4+$0x0], $0xffff  }
0x124: {  	(erf) = vpow2.f32 v62;
	v43 =	vor.u32 v2, v38;
	v2 =	vld.idx.msk [tilespmem:v1+s4+$0x0], $0xffff  }
0x125: {  	v1 =	vld [tilespmem:$0x1FEE0]  }
0x126: {  	v22 =	vld [tilespmem:$0x1FF40]  }
0x127: {  	v24 =	vld [tilespmem:$0x1FF60];
	v5 =	vor.u32 v36, v38  }
0x128: {  	v9 =	vld.idx.msk [tilespmem:v23+s4+$0x0], $0xffff;
	v27 =	vor.u32 v56, v38  }
0x129: {  	v23 =	vld [tilespmem:$0x1FF50];
	v6 =	vor.u32 v37, v38  }
0x12a: {  	v45 =	vor.u32 v1, v38;
	v1 =	vld.idx.msk [tilespmem:v3+s4+$0x0], $0xffff  }
0x12b: {  	[tilespmem:$0x1FDB0] =	vst v0;
	v0 =	vpop (erf);
	v22 =	vor.u32 v22, v38;
	v3 =	vld [tilespmem:$0x1FEF0]  }
0x12c: {  	v20 =	vld.idx.msk [tilespmem:v5+s4+$0x0], $0xffff;
	v15 =	vadd.f32 $0.0e+00, v0;
	v0 =	vpop (erf)  }
0x12d: {  	v11 =	vadd.f32 $0.0e+00, v58;
	v58 =	vld.idx.msk [tilespmem:v27+s4+$0x0], $0xffff;
	v18 =	vadd.f32 $0.0e+00, v0;
	v0 =	vpop (erf)  }
0x12e: {  	v42 =	vmul.f32 $1.442695020e+00, v12;
	v21 =	vadd.f32 $0.0e+00, v0;
	v0 =	vld.idx.msk [tilespmem:v6+s4+$0x0], $0xffff  }
0x12f: {  	v44 =	vmul.f32 $1.442695020e+00, v13;
	v27 =	vld [tilespmem:$0x1FF80]  }
0x130: {  	v46 =	vmul.f32 $1.442695020e+00, v14;
	(erf) = vpow2.f32 v42;
	v60 =	vld.idx.msk [tilespmem:v22+s4+$0x0], $0xffff;
	v47 =	vor.u32 v3, v38  }
0x131: {  	(erf) = vpow2.f32 v44;
	v48 =	vmul.f32 $1.442695020e+00, v17;
	v3 =	vld.idx.msk [tilespmem:v40+s4+$0x0], $0xffff  }
0x132: {  	v50 =	vmul.f32 $1.442695020e+00, v20;
	(erf) = vpow2.f32 v46;
	v4 =	vld.idx.msk [tilespmem:v41+s4+$0x0], $0xffff  }
0x133: {  	v24 =	vor.u32 v24, v38;
	(erf) = vpow2.f32 v48;
	v52 =	vmul.f32 $1.442695020e+00, v0;
	v5 =	vld.idx.msk [tilespmem:v43+s4+$0x0], $0xffff  }
0x134: {  	(erf) = vpow2.f32 v50;
	v25 =	vmul.f32 $1.442695020e+00, v2;
	v6 =	vld.idx.msk [tilespmem:v45+s4+$0x0], $0xffff  }
0x135: {  	v23 =	vor.u32 v23, v38;
	(erf) = vpow2.f32 v52;
	v55 =	vmul.f32 $1.442695020e+00, v1;
	v7 =	vld.idx.msk [tilespmem:v47+s4+$0x0], $0xffff  }
0x136: {  	v19 =	vadd.f32 $0.0e+00, v57;
	v22 =	vld [tilespmem:$0x1FF90];
	(erf) = vpow2.f32 v25;
	v57 =	vmul.f32 $1.442695020e+00, v3  }
0x137: {  	v27 =	vor.u32 v27, v38;
	v25 =	vmul.f32 $1.442695020e+00, v4;
	(erf) = vpow2.f32 v55  }
0x138: {  	[tilespmem:$0x1FDD0] =	vst v28;
	v63 =	vld.idx.msk [tilespmem:v24+s4+$0x0], $0xffff;
	v28 =	vmul.f32 $1.442695020e+00, v5;
	(erf) = vpow2.f32 v57  }
0x139: {  	v26 =	vor.u32 v26, v38;
	v24 =	vld [tilespmem:$0x1FFC0];
	v29 =	vpop (erf);
	(erf) = vpow2.f32 v25;
	v25 =	vmul.f32 $1.442695020e+00, v6  }
0x13a: {  	v61 =	vld.idx.msk [tilespmem:v23+s4+$0x0], $0xffff;
	v30 =	vpop (erf);
	(erf) = vpow2.f32 v28;
	v28 =	vmul.f32 $1.442695020e+00, v7  }
0x13b: {  	v23 =	vld [tilespmem:$0x1FFA0];
	v59 =	vpop (erf);
	v22 =	vor.u32 v22, v38;
	(erf) = vpow2.f32 v25;
	v25 =	vmul.f32 $1.442695020e+00, v8  }
0x13c: {  	v46 =	vld.idx.msk [tilespmem:v27+s4+$0x0], $0xffff;
	v33 =	vpop (erf);
	(erf) = vpow2.f32 v28;
	v28 =	vmul.f32 $1.442695020e+00, v9  }
0x13d: {  	v27 =	vld [tilespmem:$0x1FFE0];
	v62 =	vpop (erf);
	(erf) = vpow2.f32 v25  }
0x13e: {  	[tilespmem:$0x1FD10] =	vst v31;
	v44 =	vpop (erf);
	(erf) = vpow2.f32 v28;
	v28 =	vmul.f32 $1.442695020e+00, v31;
	v31 =	vld.idx.msk [tilespmem:v26+s4+$0x0], $0xffff  }
0x13f: {  	v26 =	vld [tilespmem:$0x1FFD0]  }
0x140: {  	v50 =	vld.idx.msk [tilespmem:v22+s4+$0x0], $0xffff  }
0x141: {  	v22 =	vld [tilespmem:$0x1FFF0]  }
0x142: {  	v23 =	vor.u32 v23, v38;
	v25 =	vmul.f32 $1.442695020e+00, v10  }
0x143: {  	v24 =	vor.u32 v24, v38  }
0x144: {  	v45 =	vpop (erf);
	(erf) = vpow2.f32 v25;
	v25 =	vmul.f32 $1.442695020e+00, v58;
	v26 =	vor.u32 v26, v38  }
0x145: {  	v27 =	vor.u32 v27, v38;
	v47 =	vpop (erf);
	(erf) = vpow2.f32 v28;
	v28 =	vmul.f32 $1.442695020e+00, v60  }
0x146: {  	[tilespmem:$0x1FD30] =	vst v60;
	v22 =	vor.u32 v22, v38;
	v60 =	vpop (erf);
	(erf) = vpow2.f32 v25;
	v25 =	vmul.f32 $1.442695020e+00, v61  }
0x147: {  	v51 =	vld.idx.msk [tilespmem:v23+s4+$0x0], $0xffff;
	v23 =	vpop (erf);
	(erf) = vpow2.f32 v28  }
0x148: {  	v12 =	vadd.f32 $0.0e+00, v12;
	v52 =	vld.idx.msk [tilespmem:v24+s4+$0x0], $0xffff;
	v28 =	vmul.f32 $1.442695020e+00, v63;
	v24 =	vpop (erf);
	(erf) = vpow2.f32 v25  }
0x149: {  	v13 =	vadd.f32 v13, v16;
	v25 =	vmul.f32 $1.442695020e+00, v31;
	v54 =	vld.idx.msk [tilespmem:v26+s4+$0x0], $0xffff;
	v26 =	vmul.f32 $1.442695020e+00, v46  }
0x14a: {  	v14 =	vadd.f32 v14, v19;
	v12 =	vadd.f32 v20, v12;
	v55 =	vld.idx.msk [tilespmem:v27+s4+$0x0], $0xffff;
	v16 =	vpop (erf);
	(erf) = vpow2.f32 v28  }
0x14b: {  	v29 =	vadd.f32 $0.0e+00, v29;
	v56 =	vld.idx.msk [tilespmem:v22+s4+$0x0], $0xffff;
	v27 =	vpop (erf);
	(erf) = vpow2.f32 v25;
	v25 =	vmul.f32 $1.442695020e+00, v50  }
0x14c: {  	v11 =	vadd.f32 v17, v11;
	v22 =	vmul.f32 $1.442695020e+00, v51;
	v19 =	vpop (erf);
	(erf) = vpow2.f32 v26  }
0x14d: {  	v15 =	vadd.f32 v30, v15;
	v26 =	vpop (erf);
	(erf) = vpow2.f32 v25;
	v25 =	vmul.f32 $1.442695020e+00, v52  }
0x14e: {  	v21 =	vadd.f32 v33, v21;
	v17 =	vpop (erf);
	(erf) = vpow2.f32 v22;
	v22 =	vmul.f32 $1.442695020e+00, v54  }
0x14f: {  	v28 =	vadd.f32 v62, v29;
	v29 =	vpop (erf);
	(erf) = vpow2.f32 v25;
	v25 =	vmul.f32 $1.442695020e+00, v55  }
0x150: {  	v18 =	vadd.f32 v59, v18;
	v20 =	vpop (erf);
	(erf) = vpow2.f32 v22;
	v22 =	vmul.f32 $1.442695020e+00, v56  }
0x151: {  	v21 =	vadd.f32 v47, v21;
	v30 =	vpop (erf);
	(erf) = vpow2.f32 v25;
	v25 =	vadd.f32 v60, v28  }
0x152: {  	v15 =	vadd.f32 v44, v15;
	v18 =	vadd.f32 v45, v18  }
0x153: {  	v16 =	vadd.f32 v16, v21;
	v28 =	vpop (erf);
	(erf) = vpow2.f32 v22;
	v21 =	vadd.f32 v27, v25  }
0x154: {  	v15 =	vadd.f32 v23, v15;
	v18 =	vadd.f32 v24, v18;
	v22 =	vpop (erf)  }
0x155: {  	v0 =	vadd.f32 v0, v13;
	v23 =	vpop (erf)  }
0x156: {  	v15 =	vadd.f32 v19, v15;
	v18 =	vadd.f32 v26, v18;
	v19 =	vpop (erf)  }
0x157: {  	v16 =	vadd.f32 v17, v16;
	v17 =	vadd.f32 v29, v21;
	v21 =	vpop (erf)  }
0x158: {  	v15 =	vadd.f32 v20, v15;
	v18 =	vadd.f32 v30, v18;
	v20 =	vpop (erf)  }
0x159: {  	v16 =	vadd.f32 v28, v16;
	v17 =	vadd.f32 v22, v17;
	v22 =	vpop (erf)  }
0x15a: {  	v15 =	vadd.f32 v23, v15;
	v18 =	vadd.f32 v19, v18;
	v19 =	vpop (erf)  }
0x15b: {  	v16 =	vadd.f32 v21, v16;
	v17 =	vadd.f32 v20, v17;
	v20 =	vpop (erf)  }
0x15c: {  	v15 =	vadd.f32 v22, v15;
	v18 =	vadd.f32 v19, v18;
	v19 =	vpop (erf)  }
0x15d: {  	v16 =	vadd.f32 v20, v16;
	v17 =	vadd.f32 v19, v17  }
0x15e: {  	v0 =	vadd.f32 v4, v0  }
0x15f: {  	[tilespmem:$0x1FD50] =	vst v63;
	v62 =	vadd.f32 v18, v15;
	v63 =	vadd.f32 v17, v16  }
0x160: {  	v48 =	vadd.f32 v8, v0;
	v0 =	vld [tilespmem:$0x1FE80];
	v11 =	vadd.f32 v1, v11  }
0x161: {  	v1 =	vld [tilespmem:$0x1FE40];
	v3 =	vadd.f32 v3, v12;
	v45 =	vadd.f32 v63, v62  }
0x162: {  	v23 =	vlaneseq.u32  }
0x163: {  	v49 =	vadd.f32 v7, v3;
	v23 =	vor.u32 s24, v23;
	v3 =	vand.u32 $0x7FFFFF, v45  }
0x164: {  	v53 =	vshll.u32 v23, $0x7;
	v25 =	vor.u32 $0x3F800000, v3  }
0x165: {  	v3 =	vor.u32 v0, v53;
	v0 =	vadd.f32 $1.000000000e+00, v25  }
0x166: {  	v32 =	vor.u32 v1, v53;
	v1 =	vld [tilespmem:$0x1FE50]  }
0x167: {  	(erf) = vrcp.f32 v0;
	v0 =	vld [tilespmem:$0x1FEB0];
	_ =	sdelay $0x3  }
0x168: {  	v33 =	vor.u32 v1, v53;
	v1 =	vld [tilespmem:$0x1FE60]  }
0x169: {  	v34 =	vadd.f32 v6, v11;
	v6 =	vor.u32 v0, v53;
	v0 =	vld [tilespmem:$0x1FEC0];
	_ =	sdelay $0x3  }
0x16a: {  	v35 =	vor.u32 v1, v53;
	v62 =	vld.idx.msk [tilespmem:v33+s4+$0x0], $0xffff  }
0x16b: {  	v33 =	vor.u32 v0, v53;
	v0 =	vld [tilespmem:$0x1FED0];
	_ =	sdelay $0x2  }
0x16c: {  	v16 =	vld [tilespmem:$0x1FE30]  }
0x16d: {  	v63 =	vld.idx.msk [tilespmem:v35+s4+$0x0], $0xffff  }
0x16e: {  	v35 =	vor.u32 v0, v53;
	v0 =	vld [tilespmem:$0x1FEE0];
	_ =	sdelay $0x3  }
0x16f: {  	v16 =	vor.u32 v16, v53  }
0x170: {  	v8 =	vor.u32 v0, v53;
	v0 =	vld [tilespmem:$0x1FEF0];
	_ =	sdelay $0x3  }
0x171: {  	v60 =	vld.idx.msk [tilespmem:v16+s4+$0x0], $0xffff  }
0x172: {  	v16 =	vor.u32 v0, v53;
	v0 =	vld [tilespmem:$0x1FFB0];
	_ =	sdelay $0x3  }
0x173: {  	v19 =	vld [tilespmem:$0x1FE10]  }
0x174: {  	v17 =	vor.u32 v0, v53;
	v0 =	vld [tilespmem:$0x1FF00];
	_ =	sdelay $0x3  }
0x175: {  	v19 =	vor.u32 v19, v53  }
0x176: {  	v18 =	vor.u32 v0, v53;
	v0 =	vld [tilespmem:$0x1FF20];
	_ =	sdelay $0x3  }
0x177: {  	[tilespmem:$0x1FD20] =	vst v58;
	v58 =	vld.idx.msk [tilespmem:v19+s4+$0x0], $0xffff  }
0x178: {  	v19 =	vor.u32 v0, v53;
	v0 =	vld [tilespmem:$0x1FF30];
	_ =	sdelay $0x2  }
0x179: {  	v21 =	vlaneseq.u32  }
0x17a: {  	v21 =	vor.u32 v21, v53  }
0x17b: {  	v20 =	vor.u32 v0, v53;
	v0 =	vld [tilespmem:$0x1FF10];
	_ =	sdelay $0x2  }
0x17c: {  	[tilespmem:$0x1FD40] =	vst v61;
	v61 =	vld [tilespmem:$0x1FE20]  }
0x17d: {  	v57 =	vld.idx.msk [tilespmem:v21+s4+$0x0], $0xffff  }
0x17e: {  	v21 =	vor.u32 v0, v53;
	v0 =	vld [tilespmem:$0x1FF40];
	_ =	sdelay $0x1  }
0x17f: {  	v1 =	vld [tilespmem:$0x1FE70]  }
0x180: {  	v13 =	vor.u32 v61, v53;
	_ =	sdelay $0x1  }
0x181: {  	v2 =	vadd.f32 v2, v14;
	v22 =	vor.u32 v0, v53;
	v0 =	vld [tilespmem:$0x1FF50];
	_ =	sdelay $0x1  }
0x182: {  	v2 =	vadd.f32 v5, v2;
	v36 =	vor.u32 v1, v53;
	v1 =	vld [tilespmem:$0x1FE90]  }
0x183: {  	v59 =	vld.idx.msk [tilespmem:v13+s4+$0x0], $0xffff  }
0x184: {  	v47 =	vadd.f32 v9, v2;
	v61 =	vld.idx.msk [tilespmem:v32+s4+$0x0], $0xffff;
	v2 =	vmul.f32 $1.442695020e+00, v57  }
0x185: {  	[tilespmem:$0x1FDE0] =	vst v23;
	v23 =	vor.u32 v0, v53;
	v0 =	vld [tilespmem:$0x1FF60]  }
0x186: {  	(erf) = vpow2.f32 v2;
	v2 =	vld [tilespmem:$0x1FFD0]  }
0x187: {  	v37 =	vor.u32 v1, v53;
	v1 =	vld [tilespmem:$0x1FEA0]  }
0x188: {  	v43 =	vld.idx.msk [tilespmem:v3+s4+$0x0], $0xffff  }
0x189: {  	v15 =	vmul.f32 $1.442695020e+00, v58;
	v44 =	vld.idx.msk [tilespmem:v36+s4+$0x0], $0xffff  }
0x18a: {  	[tilespmem:$0x1FD70] =	vst v46;
	v46 =	vadd.f32 v10, v34;
	v32 =	vmul.f32 $1.442695020e+00, v59;
	v24 =	vor.u32 v0, v53;
	v0 =	vld [tilespmem:$0x1FF70]  }
0x18b: {  	v12 =	vor.u32 v2, v53;
	v2 =	vld [tilespmem:$0x1FFE0];
	(erf) = vpow2.f32 v15;
	v34 =	vmul.f32 $1.442695020e+00, v60  }
0x18c: {  	v36 =	vmul.f32 $1.442695020e+00, v61;
	(erf) = vpow2.f32 v32;
	v40 =	vld.idx.msk [tilespmem:v6+s4+$0x0], $0xffff;
	v39 =	vor.u32 v1, v53  }
0x18d: {  	(erf) = vpow2.f32 v34;
	v42 =	vld.idx.msk [tilespmem:v37+s4+$0x0], $0xffff;
	v37 =	vmul.f32 $1.442695020e+00, v62  }
0x18e: {  	v4 =	vmul.f32 $1.442695020e+00, v63;
	(erf) = vpow2.f32 v36;
	v1 =	vld [tilespmem:$0x1FFC0]  }
0x18f: {  	(erf) = vpow2.f32 v37;
	v28 =	vor.u32 v0, v53;
	v0 =	vld [tilespmem:$0x1FF80]  }
0x190: {  	(erf) = vpow2.f32 v4;
	v4 =	vor.u32 v2, v53;
	v2 =	vld [tilespmem:$0x1FFF0]  }
0x191: {  	v41 =	vld.idx.msk [tilespmem:v39+s4+$0x0], $0xffff  }
0x192: {  	v39 =	vld.idx.msk [tilespmem:v33+s4+$0x0], $0xffff  }
0x193: {  	v35 =	vld.idx.msk [tilespmem:v35+s4+$0x0], $0xffff  }
0x194: {  	v5 =	vmul.f32 $1.442695020e+00, v44;
	v34 =	vor.u32 v0, v53;
	v0 =	vld [tilespmem:$0x1FF90]  }
0x195: {  	[tilespmem:$0x1FD60] =	vst v31;
	v6 =	vmul.f32 $1.442695020e+00, v43;
	v31 =	vld.idx.msk [tilespmem:v8+s4+$0x0], $0xffff  }
0x196: {  	(erf) = vpow2.f32 v5;
	v7 =	vmul.f32 $1.442695020e+00, v42;
	v15 =	vld.idx.msk [tilespmem:v16+s4+$0x0], $0xffff  }
0x197: {  	(erf) = vpow2.f32 v6;
	v11 =	vmul.f32 $1.442695020e+00, v41;
	v14 =	vld.idx.msk [tilespmem:v17+s4+$0x0], $0xffff  }
0x198: {  	v32 =	vpop (erf);
	(erf) = vpow2.f32 v7;
	v16 =	vmul.f32 $1.442695020e+00, v40;
	v13 =	vld.idx.msk [tilespmem:v18+s4+$0x0], $0xffff  }
0x199: {  	v26 =	vpop (erf);
	(erf) = vpow2.f32 v11;
	v17 =	vmul.f32 $1.442695020e+00, v39;
	v37 =	vor.u32 v0, v53;
	v0 =	vld [tilespmem:$0x1FFA0]  }
0x19a: {  	v27 =	vpop (erf);
	(erf) = vpow2.f32 v16;
	v18 =	vmul.f32 $1.442695020e+00, v35;
	v16 =	vld.idx.msk [tilespmem:v19+s4+$0x0], $0xffff  }
0x19b: {  	v30 =	vpop (erf);
	(erf) = vpow2.f32 v17;
	v19 =	vmul.f32 $1.442695020e+00, v31;
	v17 =	vld.idx.msk [tilespmem:v20+s4+$0x0], $0xffff  }
0x19c: {  	v33 =	vpop (erf);
	(erf) = vpow2.f32 v18;
	v20 =	vmul.f32 $1.442695020e+00, v15;
	v18 =	vld.idx.msk [tilespmem:v21+s4+$0x0], $0xffff  }
0x19d: {  	v29 =	vpop (erf);
	(erf) = vpow2.f32 v19;
	v19 =	vld.idx.msk [tilespmem:v22+s4+$0x0], $0xffff  }
0x19e: {  	v36 =	vpop (erf);
	(erf) = vpow2.f32 v20;
	v21 =	vmul.f32 $1.442695020e+00, v14;
	v20 =	vld.idx.msk [tilespmem:v23+s4+$0x0], $0xffff;
	v23 =	vor.u32 v0, v53  }
0x19f: {  	v22 =	vmul.f32 $1.442695020e+00, v13  }
0x1a0: {  	v11 =	vpop (erf);
	(erf) = vpow2.f32 v21;
	v21 =	vld.idx.msk [tilespmem:v24+s4+$0x0], $0xffff;
	v0 =	vmul.f32 $1.442695020e+00, v16  }
0x1a1: {  	v6 =	vor.u32 v1, v53;
	v1 =	vmul.f32 $1.442695020e+00, v17;
	v24 =	vpop (erf);
	(erf) = vpow2.f32 v22;
	v22 =	vld.idx.msk [tilespmem:v28+s4+$0x0], $0xffff  }
0x1a2: {  	v5 =	vor.u32 v2, v53;
	v28 =	vpop (erf);
	v34 =	vld.idx.msk [tilespmem:v34+s4+$0x0], $0xffff;
	(erf) = vpow2.f32 v0;
	v0 =	vmul.f32 $1.442695020e+00, v18  }
0x1a3: {  	v2 =	vadd.f32 $0.0e+00, v26;
	v10 =	vpop (erf);
	(erf) = vpow2.f32 v1;
	v1 =	vmul.f32 $1.442695020e+00, v19;
	v26 =	vld.idx.msk [tilespmem:v23+s4+$0x0], $0xffff  }
0x1a4: {  	v9 =	vpop (erf);
	v37 =	vld.idx.msk [tilespmem:v37+s4+$0x0], $0xffff;
	(erf) = vpow2.f32 v0;
	v0 =	vmul.f32 $1.442695020e+00, v20  }
0x1a5: {  	v12 =	vld.idx.msk [tilespmem:v12+s4+$0x0], $0xffff;
	v23 =	vpop (erf);
	(erf) = vpow2.f32 v1;
	v1 =	vmul.f32 $1.442695020e+00, v21  }
0x1a6: {  	v3 =	vadd.f32 $0.0e+00, v27;
	v27 =	vld.idx.msk [tilespmem:v6+s4+$0x0], $0xffff;
	v8 =	vpop (erf);
	(erf) = vpow2.f32 v0;
	v0 =	vmul.f32 $1.442695020e+00, v22  }
0x1a7: {  	v2 =	vadd.f32 v29, v2;
	v29 =	vld.idx.msk [tilespmem:v4+s4+$0x0], $0xffff;
	v4 =	vmul.f32 $1.442695020e+00, v34;
	v7 =	vpop (erf);
	(erf) = vpow2.f32 v1  }
0x1a8: {  	v3 =	vadd.f32 v36, v3;
	v6 =	vpop (erf);
	(erf) = vpow2.f32 v0;
	v0 =	vmul.f32 $1.442695020e+00, v26  }
0x1a9: {  	v2 =	vadd.f32 v28, v2;
	v36 =	vmul.f32 $1.442695020e+00, v37;
	v1 =	vadd.f32 $0.0e+00, v30;
	v30 =	vld.idx.msk [tilespmem:v5+s4+$0x0], $0xffff;
	v5 =	vpop (erf)  }
0x1aa: {  	v3 =	vadd.f32 v10, v3;
	(erf) = vpow2.f32 v4;
	v4 =	vadd.f32 $0.0e+00, v33;
	v33 =	vpop (erf)  }
0x1ab: {  	v1 =	vadd.f32 v11, v1;
	(erf) = vpow2.f32 v36;
	v36 =	vmul.f32 $1.442695020e+00, v27;
	v11 =	vpop (erf)  }
0x1ac: {  	v4 =	vadd.f32 v24, v4;
	v24 =	vmul.f32 $1.442695020e+00, v12;
	(erf) = vpow2.f32 v0;
	v0 =	vpop (erf)  }
0x1ad: {  	v1 =	vadd.f32 v9, v1;
	(erf) = vpow2.f32 v36;
	v36 =	vmul.f32 $1.442695020e+00, v29;
	v28 =	vpop (erf)  }
0x1ae: {  	v3 =	vadd.f32 v7, v3;
	(erf) = vpow2.f32 v24;
	v10 =	vpop (erf)  }
0x1af: {  	v4 =	vadd.f32 v23, v4;
	v1 =	vadd.f32 v6, v1;
	(erf) = vpow2.f32 v36;
	v9 =	vpop (erf)  }
0x1b0: {  	v2 =	vadd.f32 v8, v2;
	v24 =	vmul.f32 $1.442695020e+00, v30;
	v7 =	vpop (erf)  }
0x1b1: {  	v3 =	vadd.f32 v11, v3;
	v4 =	vadd.f32 v5, v4;
	v5 =	vpop (erf)  }
0x1b2: {  	v2 =	vadd.f32 v33, v2;
	v6 =	vadd.f32 $-1.000000000e+00, v25;
	(erf) = vpow2.f32 v24;
	v8 =	vpop (erf)  }
0x1b3: {  	v0 =	vadd.f32 v0, v1;
	v3 =	vadd.f32 v9, v3;
	v1 =	vpop (erf)  }
0x1b4: {  	v4 =	vadd.f32 v28, v4;
	v2 =	vadd.f32 v10, v2;
	v10 =	vpop (erf)  }
0x1b5: {  	v0 =	vadd.f32 v7, v0;
	v7 =	vpop (erf)  }
0x1b6: {  	v6 =	vmul.f32 v32, v6;
	v4 =	vadd.f32 v5, v4;
	v5 =	vpop (erf)  }
0x1b7: {  	v1 =	vadd.f32 v1, v3;
	v0 =	vadd.f32 v10, v0;
	v3 =	vpop (erf)  }
0x1b8: {  	v2 =	vadd.f32 v8, v2;
	v8 =	vmul.f32 v6, v6;
	v11 =	vpop (erf)  }
0x1b9: {  	v0 =	vadd.f32 v11, v0;
	v11 =	vld [tilespmem:$0x1FD10]  }
0x1ba: {  	v9 =	vmul.f32 $1.111111120e-01, v8;
	v4 =	vadd.f32 v7, v4  }
0x1bb: {  	v2 =	vadd.f32 v5, v2;
	v1 =	vadd.f32 v3, v1;
	v3 =	vpop (erf)  }
0x1bc: {  	v10 =	vadd.f32 $1.428571490e-01, v9;
	v3 =	vadd.f32 v3, v4  }
0x1bd: {  	v9 =	vld [tilespmem:$0x1FD40];
	v1 =	vadd.f32 v1, v2  }
0x1be: {  	v2 =	vmul.f32 v10, v8;
	v0 =	vadd.f32 v3, v0;
	v5 =	vadd.f32 v11, v49;
	v49 =	vld [tilespmem:$0x1FD20]  }
0x1bf: {  	v10 =	vld [tilespmem:$0x1FD60]  }
0x1c0: {  	v0 =	vadd.f32 v0, v1;
	v1 =	vadd.f32 $2.000000030e-01, v2;
	v2 =	vld [tilespmem:$0x1FD50]  }
0x1c1: {  	v3 =	vld [tilespmem:$0x1FD30];
	_ =	sdelay $0x1  }
0x1c2: {  	v11 =	vld [tilespmem:$0x1FD70];
	v7 =	vadd.f32 v49, v48  }
0x1c3: {  	v33 =	vld [tilespmem:$0x1FEE0];
	v4 =	vadd.f32 v9, v46;
	v1 =	vmul.f32 v1, v8;
	v48 =	vand.u32 $0x7FFFFF, v0  }
0x1c4: {  	v23 =	vld [tilespmem:$0x1FE40];
	v2 =	vadd.f32 v2, v5;
	v5 =	vadd.f32 v10, v7;
	v7 =	vor.u32 $0x3F800000, v48  }
0x1c5: {  	v25 =	vld [tilespmem:$0x1FE60];
	v3 =	vadd.f32 v3, v47;
	v49 =	vadd.f32 $1.000000000e+00, v7  }
0x1c6: {  	v32 =	vld [tilespmem:$0x1FED0];
	v4 =	vadd.f32 v50, v4;
	v1 =	vadd.f32 $3.333333430e-01, v1  }
0x1c7: {  	v36 =	vld [tilespmem:$0x1FF10];
	v3 =	vadd.f32 v11, v3;
	(erf) = vrcp.f32 v49  }
0x1c8: {  	v24 =	vld [tilespmem:$0x1FE50];
	v6 =	vadd.f32 v6, v6;
	v4 =	vadd.f32 v55, v4;
	v1 =	vmul.f32 v1, v8  }
0x1c9: {  	v11 =	vld [tilespmem:$0x1FD80];
	v2 =	vadd.f32 v51, v2;
	v3 =	vadd.f32 v54, v3  }
0x1ca: {  	v28 =	vld [tilespmem:$0x1FE90];
	v50 =	vshrl.u32 v45, $0x17;
	v1 =	vadd.f32 $1.000000000e+00, v1;
	v7 =	vadd.f32 $-1.000000000e+00, v7  }
0x1cb: {  	v46 =	vld [tilespmem:$0x1FFA0];
	v51 =	vand.u32 $0xFF, v50;
	v5 =	vadd.f32 v52, v5;
	v2 =	vadd.f32 v56, v2  }
0x1cc: {  	v8 =	vadd.s32 $0xFFFFFF81, v51;
	v51 =	vld [tilespmem:$0x1FDB0];
	v56 =	vadd.f32 $0.0e+00, v58;
	v58 =	vadd.f32 $0.0e+00, v60  }
0x1cd: {  	v48 =	vld [tilespmem:$0x1FD90];
	v8 =	vcvt.s32.f32 v8;
	v3 =	vadd.f32 v3, v5;
	v2 =	vadd.f32 v2, v4  }
0x1ce: {  	v49 =	vld [tilespmem:$0x1FDA0];
	v1 =	vmul.f32 v1, v6;
	v4 =	vmul.f32 $1.562500020e-03, v11;
	v6 =	vadd.f32 v62, v56  }
0x1cf: {  	v60 =	vld [tilespmem:$0x1FE00];
	v50 =	vmul.f32 $6.931471820e-01, v8;
	v9 =	vadd.f32 v44, v58;
	v2 =	vadd.f32 v2, v3  }
0x1d0: {  	v45 =	vld [tilespmem:$0x1FF90];
	v3 =	vadd.f32 $0.0e+00, v57;
	v57 =	vadd.f32 $0.0e+00, v59;
	v59 =	vpop (erf)  }
0x1d1: {  	v55 =	vld [tilespmem:$0x1FFF0];
	v4 =	vsub.f32 v51, v4;
	v1 =	vadd.f32 v1, v50;
	v7 =	vmul.f32 v59, v7  }
0x1d2: {  	v47 =	vld [tilespmem:$0x1FFB0];
	v6 =	vadd.f32 v42, v6;
	v9 =	vadd.f32 v40, v9  }
0x1d3: {  	v54 =	vld [tilespmem:$0x1FFE0];
	v5 =	vadd.f32 v49, v48;
	v3 =	vadd.f32 v61, v3;
	v10 =	vmul.f32 v7, v7  }
0x1d4: {  	v11 =	vadd.s32 v60, v38;
	v8 =	vadd.f32 v63, v57;
	v6 =	vadd.f32 v35, v6;
	v63 =	vld [tilespmem:$0x1FDC0]  }
0x1d5: {  	v38 =	vld [tilespmem:$0x1FDD0];
	v9 =	vadd.f32 v15, v9;
	v3 =	vadd.f32 v43, v3;
	v61 =	vmul.f32 $1.111111120e-01, v10  }
0x1d6: {  	v52 =	vld [tilespmem:$0x1FFC0];
	v8 =	vadd.f32 v41, v8;
	v6 =	vadd.f32 v13, v6  }
0x1d7: {  	v9 =	vadd.f32 v17, v9;
	v17 =	vld [tilespmem:$0x1FE00];
	v62 =	vadd.f32 $1.428571490e-01, v61  }
0x1d8: {  	v44 =	vld [tilespmem:$0x1FF80];
	v3 =	vadd.f32 v39, v3;
	v8 =	vadd.f32 v31, v8  }
0x1d9: {  	v51 =	vld [tilespmem:$0x1FDE0];
	v6 =	vadd.f32 v19, v6;
	v9 =	vadd.f32 v21, v9;
	v13 =	vmul.f32 v62, v10  }
0x1da: {  	v0 =	vshrl.u32 v0, $0x17;
	v42 =	vld [tilespmem:$0x1FF60];
	v3 =	vadd.f32 v14, v3;
	v8 =	vadd.f32 v16, v8  }
0x1db: {  	v0 =	vand.u32 $0xFF, v0;
	v11 =	vld.idx.msk [tilespmem:v11+s4+$0x0], $0xffff;
	v6 =	vadd.f32 v34, v6;
	v13 =	vadd.f32 $2.000000030e-01, v13  }
0x1dc: {  	v9 =	vadd.f32 v26, v9;
	v48 =	vadd.s32 v17, v53;
	v3 =	vadd.f32 v18, v3;
	v14 =	vld.idx.msk [tilespmem:v63+s14+$0x0], $0xffff  }
0x1dd: {  	v8 =	vadd.f32 v20, v8;
	v6 =	vadd.f32 v12, v6;
	v12 =	vld.idx.msk [tilespmem:v38+s14+$0x0], $0xffff;
	v13 =	vmul.f32 v13, v10  }
0x1de: {  	v0 =	vadd.s32 $0xFFFFFF81, v0;
	v40 =	vld [tilespmem:$0x1FF40];
	v7 =	vadd.f32 v7, v7;
	v3 =	vadd.f32 v22, v3  }
0x1df: {  	v0 =	vcvt.s32.f32 v0;
	v35 =	vld [tilespmem:$0x1FF00];
	v8 =	vadd.f32 v37, v8;
	v13 =	vadd.f32 $3.333333430e-01, v13  }
0x1e0: {  	v43 =	vld [tilespmem:$0x1FF70];
	v9 =	vadd.f32 v30, v9;
	v11 =	vmul.f32 $9.499999880e-01, v11;
	v3 =	vadd.f32 v27, v3  }
0x1e1: {  	v8 =	vadd.f32 v29, v8;
	v49 =	vmul.f32 $5.555555690e-04, v14;
	v50 =	vmul.f32 v13, v10;
	v10 =	vld.idx.msk [tilespmem:v51+s14+$0x0], $0xffff  }
0x1e2: {  	v1 =	vsub.f32 v1, v11;
	v57 =	vld.idx.msk [tilespmem:v48+s4+$0x0], $0xffff;
	v56 =	vmul.f32 $5.555555690e-04, v12;
	v3 =	vadd.f32 v6, v3  }
0x1e3: {  	v0 =	vmul.f32 $6.931471820e-01, v0;
	v41 =	vld [tilespmem:$0x1FF50];
	v8 =	vadd.f32 v9, v8;
	v6 =	vsub.f32 $3.000000000e+00, v49  }
0x1e4: {  	v2 =	vmul.f32 $1.562500020e-03, v2;
	v39 =	vld [tilespmem:$0x1FF30];
	v11 =	vsub.f32 $3.000000000e+00, v56;
	v9 =	vadd.f32 $1.000000000e+00, v50  }
0x1e5: {  	v31 =	vld [tilespmem:$0x1FEC0];
	v16 =	vimm.f32 $0.0e+00;
	v3 =	vadd.f32 v8, v3;
	vm13 =	vgt.f32 v6, $5.000000000e-01  }
0x1e6: {  	v21 =	vld [tilespmem:$0x1FE20];
	vm14 =	vgt.f32 v11, $5.000000000e-01;
	v7 =	vmul.f32 v9, v7;
	v59 =	vmul.f32 $5.555555690e-04, v10  }
0x1e7: {  	v62 =	vld [tilespmem:$0x1FDF0];
	v61 =	vmul.f32 $9.499999880e-01, v57;
	v58 =	vsel vm13, $0x3F800000, v16;
	v60 =	vsel vm14, $0x3F800000, v16  }
0x1e8: {  	v34 =	vld [tilespmem:$0x1FEF0];
	v6 =	vmul.f32 v58, v6;
	v0 =	vadd.f32 v7, v0;
	v9 =	vsub.f32 $3.000000000e+00, v59  }
0x1e9: {  	v26 =	vld [tilespmem:$0x1FE70];
	v1 =	vsub.f32 v1, v2;
	v3 =	vmul.f32 $1.562500020e-03, v3;
	v2 =	vmul.f32 v60, v11  }
0x1ea: {  	s23 =	sadd.s32 $0x4, s23;
	v53 =	vld [tilespmem:$0x1FFD0];
	v4 =	vmul.f32 v4, v6;
	v0 =	vsub.f32 v0, v61;
	vm15 =	vgt.f32 v9, $5.000000000e-01  }
0x1eb: {  	p0 =	slt.u32 s23, $0xC;
	v20 =	vld [tilespmem:$0x1FE10];
	v5 =	vadd.f32 v58, v5;
	v1 =	vmul.f32 v1, v2;
	v63 =	vsel vm15, $0x3F800000, v16  }
.Ltmp0:
0x1ec: {  	v30 =	vld [tilespmem:$0x1FEB0];
	v4 =	vadd.f32 v4, v62;
	v0 =	vsub.f32 v0, v3;
	v2 =	vmul.f32 v63, v9;
	(pc) =	sbr.rel @p0 .LBB2_3-.Ltmp0, $4  }
0x1ed: {  	v22 =	vld [tilespmem:$0x1FE30]  }
0x1ee: {  	v37 =	vld [tilespmem:$0x1FF20];
	v1 =	vadd.f32 v1, v4;
	v3 =	vadd.f32 v60, v5;
	v0 =	vmul.f32 v0, v2  }
0x1ef: {  	v27 =	vld [tilespmem:$0x1FE80]  }
0x1f0: {  	s24 =	sadd.s32 $0x40, s24;
	v19 =	vlaneseq.u32;
	v29 =	vld [tilespmem:$0x1FEA0];
	v2 =	vadd.f32 v0, v1;
	v1 =	vadd.f32 v63, v3  }
0x1f1: {  	p0 =	seq.s32 s22, $0xF  }
0x1f2: {  	s23 =	sadd.s32 @!p0 $0x1, s22  }
0x1f3: {  	s24 =	sshrl.u32 @!p0 s23, $0x2  }
0x1f4: {  	s23 =	sshll.u32 @!p0 s23, $0x9;
	s24 =	sadd.s32 @!p0 s6, s24  }
0x1f5: {  	s23 =	sand.u32 @!p0 $0x600, s23;
	s24 =	sshll.u32 @!p0 s24, $0xB  }
0x1f6: {  	s23 =	sor.u32 @!p0 s23, s24  }
0x1f7: {  	s24 =	sshll.u32 @!p0 s23, $0x4  }
0x1f8: {  	s25 =	simm.s32 @!p0 $0x0;
	s23 =	sshrl.u32 @!p0 s23, $0x3;
	s24 =	sadd.s32 @!p0 s5, s24  }
0x1f9: {  	[tilespmem:s25], [sflag:$0x1] =	stream.linear.gather @!p0 [hbm4b:s24+s25], $0x8000, $0x38;
	[tilespmem:$0x10380] =	vst v63  }
0x1fa: {  	s23 =	sadd.s32 @!p0 s0, s23;
	s24 =	simm.s32 @!p0 $0x10000  }
0x1fb: {  	[tilespmem:s24], [sflag:$0x1] =	stream.linear.gather @!p0 [hbm4b:s23+s25], $0x100, $0x38;
	[tilespmem:$0x10380] =	vst v63  }
0x1fc: {  	_ =	swait.ge [sflag:s18], $0x8000  }
0x1fd: {  	[sflag:s18] =	ssyncset.done $0x0  }
0x1fe: {  	[sflag:s18] =	ssyncadd.s32 $0xFFFF8000  }
0x1ff: {  	_ =	swait.ge [sflag:s18], $0x100  }
0x200: {  	[sflag:s18] =	ssyncset.done $0x0  }
0x201: {  	s23 =	simm.s32 $0xFFFFFFFC;
	s24 =	simm.s32 $0x130;
	[sflag:s18] =	ssyncadd.s32 $0xFFFFFF00  }
.LBB2_5:
0x202: {  	s25 =	sadd.s32 $0xFFFFFFD0, s24  }
0x203: {  	v0 =	vor.u32 s25, v19  }
0x204: {  	v38 =	vshll.u32 v0, $0x7  }
0x205: {  	[tilespmem:$0x1FBD0] =	vst v0;
	v0 =	vor.u32 v19, v38  }
0x206: {  	[tilespmem:$0x1FD90] =	vst v1;
	v1 =	vor.u32 v20, v38  }
0x207: {  	[tilespmem:$0x1FD00] =	vst v2;
	v2 =	vor.u32 v21, v38  }
0x208: {  	v4 =	vor.u32 v22, v38  }
0x209: {  	v5 =	vor.u32 v23, v38  }
0x20a: {  	v7 =	vor.u32 v24, v38;
	v6 =	vld.idx.msk [tilespmem:v0+s4+$0x0], $0xffff  }
0x20b: {  	v8 =	vor.u32 v25, v38;
	v3 =	vld.idx.msk [tilespmem:v1+s4+$0x0], $0xffff  }
0x20c: {  	v9 =	vor.u32 v26, v38;
	v1 =	vld.idx.msk [tilespmem:v2+s4+$0x0], $0xffff  }
0x20d: {  	v10 =	vor.u32 v27, v38;
	v0 =	vld.idx.msk [tilespmem:v4+s4+$0x0], $0xffff  }
0x20e: {  	v11 =	vor.u32 v28, v38;
	v2 =	vld.idx.msk [tilespmem:v5+s4+$0x0], $0xffff  }
0x20f: {  	v13 =	vor.u32 v29, v38;
	v4 =	vld.idx.msk [tilespmem:v7+s4+$0x0], $0xffff;
	v12 =	vmul.f32 $1.442695020e+00, v6  }
0x210: {  	v15 =	vor.u32 v30, v38;
	v5 =	vld.idx.msk [tilespmem:v8+s4+$0x0], $0xffff;
	v14 =	vmul.f32 $1.442695020e+00, v3  }
0x211: {  	v16 =	vor.u32 v31, v38;
	v7 =	vld.idx.msk [tilespmem:v9+s4+$0x0], $0xffff;
	v61 =	vmul.f32 $1.442695020e+00, v1;
	(erf) = vpow2.f32 v12  }
0x212: {  	v17 =	vor.u32 v32, v38;
	v8 =	vld.idx.msk [tilespmem:v10+s4+$0x0], $0xffff;
	v62 =	vmul.f32 $1.442695020e+00, v0;
	(erf) = vpow2.f32 v14  }
0x213: {  	v19 =	vor.u32 v34, v38;
	v9 =	vld.idx.msk [tilespmem:v11+s4+$0x0], $0xffff;
	v63 =	vmul.f32 $1.442695020e+00, v2;
	(erf) = vpow2.f32 v61  }
0x214: {  	v18 =	vor.u32 v33, v38;
	v10 =	vld.idx.msk [tilespmem:v13+s4+$0x0], $0xffff;
	v32 =	vmul.f32 $1.442695020e+00, v4;
	(erf) = vpow2.f32 v62  }
0x215: {  	v20 =	vor.u32 v47, v38;
	v11 =	vld.idx.msk [tilespmem:v15+s4+$0x0], $0xffff;
	v33 =	vmul.f32 $1.442695020e+00, v5;
	(erf) = vpow2.f32 v63  }
0x216: {  	v21 =	vor.u32 v35, v38;
	v34 =	vmul.f32 $1.442695020e+00, v7;
	v12 =	vld.idx.msk [tilespmem:v16+s4+$0x0], $0xffff;
	(erf) = vpow2.f32 v32  }
0x217: {  	v22 =	vor.u32 v37, v38;
	v13 =	vld.idx.msk [tilespmem:v17+s4+$0x0], $0xffff;
	v35 =	vmul.f32 $1.442695020e+00, v8;
	(erf) = vpow2.f32 v33  }
0x218: {  	v24 =	vor.u32 v39, v38;
	v15 =	vld.idx.msk [tilespmem:v19+s4+$0x0], $0xffff;
	v16 =	vmul.f32 $1.442695020e+00, v9;
	(erf) = vpow2.f32 v34  }
0x219: {  	v25 =	vor.u32 v36, v38;
	v17 =	vmul.f32 $1.442695020e+00, v10;
	v14 =	vld.idx.msk [tilespmem:v18+s4+$0x0], $0xffff;
	(erf) = vpow2.f32 v35  }
0x21a: {  	v29 =	vor.u32 v41, v38;
	v18 =	vmul.f32 $1.442695020e+00, v11;
	v26 =	vpop (erf);
	(erf) = vpow2.f32 v16;
	v16 =	vld.idx.msk [tilespmem:v20+s4+$0x0], $0xffff  }
0x21b: {  	v27 =	vor.u32 v40, v38;
	v19 =	vmul.f32 $1.442695020e+00, v12;
	v28 =	vpop (erf);
	(erf) = vpow2.f32 v17;
	v17 =	vld.idx.msk [tilespmem:v21+s4+$0x0], $0xffff  }
0x21c: {  	v20 =	vmul.f32 $1.442695020e+00, v13;
	v30 =	vpop (erf);
	(erf) = vpow2.f32 v18;
	v18 =	vld.idx.msk [tilespmem:v22+s4+$0x0], $0xffff;
	v22 =	vor.u32 v42, v38  }
0x21d: {  	v31 =	vpop (erf);
	(erf) = vpow2.f32 v19;
	v19 =	vld.idx.msk [tilespmem:v24+s4+$0x0], $0xffff;
	v24 =	vor.u32 v43, v38  }
0x21e: {  	v21 =	vmul.f32 $1.442695020e+00, v14;
	(erf) = vpow2.f32 v20;
	v20 =	vld.idx.msk [tilespmem:v25+s4+$0x0], $0xffff;
	v25 =	vor.u32 v44, v38  }
0x21f: {  	v49 =	vld.idx.msk [tilespmem:v29+s4+$0x0], $0xffff;
	v32 =	vpop (erf)  }
0x220: {  	v34 =	vpop (erf);
	(erf) = vpow2.f32 v21;
	v21 =	vld.idx.msk [tilespmem:v27+s4+$0x0], $0xffff  }
0x221: {  	v43 =	vmul.f32 $1.442695020e+00, v15;
	v23 =	vld.idx.msk [tilespmem:v22+s4+$0x0], $0xffff  }
0x222: {  	v47 =	vmul.f32 $1.442695020e+00, v16;
	v36 =	vpop (erf);
	v59 =	vld.idx.msk [tilespmem:v24+s4+$0x0], $0xffff  }
0x223: {  	v29 =	vor.u32 v46, v38;
	(erf) = vpow2.f32 v43;
	v56 =	vmul.f32 $1.442695020e+00, v17;
	v37 =	vpop (erf);
	v61 =	vld.idx.msk [tilespmem:v25+s4+$0x0], $0xffff  }
0x224: {  	v27 =	vor.u32 v45, v38;
	(erf) = vpow2.f32 v47;
	v57 =	vmul.f32 $1.442695020e+00, v18;
	v48 =	vpop (erf)  }
0x225: {  	v22 =	vor.u32 v52, v38;
	(erf) = vpow2.f32 v56;
	v58 =	vmul.f32 $1.442695020e+00, v19;
	v50 =	vpop (erf)  }
0x226: {  	(erf) = vpow2.f32 v57;
	v60 =	vmul.f32 $1.442695020e+00, v20;
	v51 =	vpop (erf);
	[tilespmem:$0x1FBA0] =	vst v23  }
0x227: {  	(erf) = vpow2.f32 v58;
	v62 =	vmul.f32 $1.442695020e+00, v21;
	v52 =	vpop (erf);
	[tilespmem:$0x1FBB0] =	vst v59  }
0x228: {  	v43 =	vld.idx.msk [tilespmem:v29+s4+$0x0], $0xffff;
	v24 =	vor.u32 v53, v38;
	(erf) = vpow2.f32 v60;
	v29 =	vpop (erf);
	[tilespmem:$0x1FBC0] =	vst v61  }
0x229: {  	v25 =	vor.u32 v54, v38;
	v42 =	vld.idx.msk [tilespmem:v27+s4+$0x0], $0xffff;
	(erf) = vpow2.f32 v62  }
0x22a: {  	v27 =	vor.u32 v55, v38;
	v44 =	vld.idx.msk [tilespmem:v22+s4+$0x0], $0xffff;
	v22 =	vadd.f32 $0.0e+00, v26  }
0x22b: {  	v0 =	vadd.f32 $0.0e+00, v0  }
0x22c: {  	v26 =	vpop (erf);
	v22 =	vadd.f32 v32, v22  }
0x22d: {  	v0 =	vadd.f32 v7, v0;
	v45 =	vld.idx.msk [tilespmem:v24+s4+$0x0], $0xffff;
	v24 =	vadd.f32 $0.0e+00, v28;
	v28 =	vpop (erf)  }
0x22e: {  	v46 =	vld.idx.msk [tilespmem:v25+s4+$0x0], $0xffff;
	v25 =	vadd.f32 $0.0e+00, v30;
	v30 =	vpop (erf);
	v22 =	vadd.f32 v48, v22  }
0x22f: {  	v47 =	vld.idx.msk [tilespmem:v27+s4+$0x0], $0xffff;
	v27 =	vadd.f32 $0.0e+00, v31;
	v31 =	vpop (erf)  }
0x230: {  	v0 =	vadd.f32 v11, v0;
	v58 =	vpop (erf);
	v22 =	vadd.f32 v29, v22  }
0x231: {  	v60 =	vpop (erf)  }
0x232: {  	v0 =	vadd.f32 v15, v0;
	v62 =	vpop (erf);
	v22 =	vadd.f32 v31, v22  }
0x233: {  	v40 =	vpop (erf)  }
0x234: {  	v63 =	vmul.f32 $1.442695020e+00, v49;
	v22 =	vadd.f32 v40, v22;
	v40 =	vadd.f32 v19, v0;
	v0 =	vld [tilespmem:$0x1FE80]  }
0x235: {  	v53 =	vmul.f32 $1.442695020e+00, v23  }
0x236: {  	s30 =	sadd.s32 $0xFFFFFFE0, s24;
	v23 =	vlaneseq.u32;
	v54 =	vmul.f32 $1.442695020e+00, v59;
	(erf) = vpow2.f32 v63  }
0x237: {  	v23 =	vor.u32 s30, v23;
	v55 =	vmul.f32 $1.442695020e+00, v61;
	(erf) = vpow2.f32 v53  }
0x238: {  	v56 =	vmul.f32 $1.442695020e+00, v42;
	(erf) = vpow2.f32 v54;
	v48 =	vshll.u32 v23, $0x7  }
0x239: {  	v57 =	vmul.f32 $1.442695020e+00, v43;
	(erf) = vpow2.f32 v55;
	v0 =	vor.u32 v0, v48  }
0x23a: {  	v24 =	vadd.f32 v34, v24;
	(erf) = vpow2.f32 v56;
	v59 =	vmul.f32 $1.442695020e+00, v44  }
0x23b: {  	v27 =	vadd.f32 v37, v27;
	(erf) = vpow2.f32 v57;
	v61 =	vmul.f32 $1.442695020e+00, v45  }
0x23c: {  	v25 =	vadd.f32 v36, v25;
	v63 =	vmul.f32 $1.442695020e+00, v46;
	(erf) = vpow2.f32 v59  }
0x23d: {  	v27 =	vadd.f32 v52, v27;
	v41 =	vmul.f32 $1.442695020e+00, v47;
	(erf) = vpow2.f32 v61  }
0x23e: {  	v24 =	vadd.f32 v50, v24;
	v53 =	vpop (erf);
	(erf) = vpow2.f32 v63;
	v36 =	vld.idx.msk [tilespmem:v0+s4+$0x0], $0xffff  }
0x23f: {  	v25 =	vadd.f32 v51, v25;
	v27 =	vadd.f32 v30, v27;
	v54 =	vpop (erf);
	(erf) = vpow2.f32 v41;
	v0 =	vld [tilespmem:$0x1FED0]  }
0x240: {  	v24 =	vadd.f32 v26, v24;
	v26 =	vpop (erf)  }
0x241: {  	v25 =	vadd.f32 v28, v25;
	v27 =	vadd.f32 v62, v27;
	v28 =	vpop (erf)  }
0x242: {  	v24 =	vadd.f32 v58, v24;
	v29 =	vpop (erf)  }
0x243: {  	v25 =	vadd.f32 v60, v25;
	v30 =	vpop (erf)  }
0x244: {  	v24 =	vadd.f32 v53, v24;
	v31 =	vpop (erf);
	v32 =	vor.u32 v0, v48;
	v0 =	vld [tilespmem:$0x1FEE0]  }
0x245: {  	v25 =	vadd.f32 v54, v25;
	v26 =	vadd.f32 v26, v27;
	v27 =	vpop (erf)  }
0x246: {  	v22 =	vadd.f32 v28, v22;
	v24 =	vadd.f32 v29, v24;
	v28 =	vpop (erf)  }
0x247: {  	v25 =	vadd.f32 v30, v25;
	v26 =	vadd.f32 v31, v26;
	v29 =	vpop (erf)  }
0x248: {  	v56 =	vld [tilespmem:$0x1FE10];
	v22 =	vadd.f32 v27, v22;
	v24 =	vadd.f32 v28, v24;
	v27 =	vpop (erf)  }
0x249: {  	v25 =	vadd.f32 v29, v25;
	v26 =	vadd.f32 v27, v26;
	v34 =	vor.u32 v0, v48;
	v0 =	vld [tilespmem:$0x1FEF0]  }
0x24a: {  	v3 =	vadd.f32 $0.0e+00, v3  }
0x24b: {  	v22 =	vadd.f32 v24, v22;
	v24 =	vadd.f32 v26, v25;
	_ =	sdelay $0x1  }
0x24c: {  	v3 =	vadd.f32 v4, v3;
	v61 =	vld [tilespmem:$0x1FE60];
	v4 =	vor.u32 v56, v48;
	v50 =	vadd.f32 v24, v22  }
0x24d: {  	v37 =	vor.u32 v0, v48;
	v0 =	vld [tilespmem:$0x1FFB0]  }
0x24e: {  	v57 =	vld [tilespmem:$0x1FE20];
	v22 =	vand.u32 $0x7FFFFF, v50  }
0x24f: {  	v6 =	vadd.f32 $0.0e+00, v6;
	v1 =	vadd.f32 $0.0e+00, v1;
	v58 =	vld [tilespmem:$0x1FE30];
	v22 =	vor.u32 $0x3F800000, v22  }
0x250: {  	v55 =	vlaneseq.u32;
	v59 =	vld [tilespmem:$0x1FE40];
	v24 =	vadd.f32 $1.000000000e+00, v22  }
0x251: {  	v2 =	vadd.f32 v2, v6;
	v1 =	vadd.f32 v5, v1;
	v6 =	vor.u32 v55, v48;
	v52 =	vld.idx.msk [tilespmem:v4+s4+$0x0], $0xffff  }
0x252: {  	v4 =	vor.u32 v61, v48;
	(erf) = vrcp.f32 v24;
	v61 =	vor.u32 v0, v48;
	v0 =	vld [tilespmem:$0x1FF00]  }
0x253: {  	v2 =	vadd.f32 v8, v2;
	v3 =	vadd.f32 v9, v3;
	v5 =	vor.u32 v57, v48  }
0x254: {  	v7 =	vor.u32 v58, v48  }
0x255: {  	v2 =	vadd.f32 v12, v2;
	v3 =	vadd.f32 v13, v3;
	v60 =	vld [tilespmem:$0x1FE50];
	v8 =	vor.u32 v59, v48  }
0x256: {  	v1 =	vadd.f32 v10, v1;
	v51 =	vld.idx.msk [tilespmem:v6+s4+$0x0], $0xffff  }
0x257: {  	v2 =	vadd.f32 v16, v2;
	v3 =	vadd.f32 v17, v3;
	v16 =	vor.u32 v0, v48;
	v0 =	vld [tilespmem:$0x1FF20]  }
0x258: {  	v1 =	vadd.f32 v14, v1;
	v53 =	vld.idx.msk [tilespmem:v5+s4+$0x0], $0xffff  }
0x259: {  	v54 =	vld.idx.msk [tilespmem:v7+s4+$0x0], $0xffff  }
0x25a: {  	v55 =	vld.idx.msk [tilespmem:v8+s4+$0x0], $0xffff;
	v24 =	vadd.f32 v18, v1;
	v1 =	vadd.f32 $-1.000000000e+00, v22  }
0x25b: {  	v39 =	vadd.f32 v21, v3;
	v63 =	vmul.f32 $1.442695020e+00, v51;
	v3 =	vpop (erf)  }
0x25c: {  	v7 =	vmul.f32 v3, v1;
	v1 =	vmul.f32 $1.442695020e+00, v52;
	v9 =	vor.u32 v0, v48;
	v0 =	vld [tilespmem:$0x1FF30]  }
0x25d: {  	v13 =	vmul.f32 $1.442695020e+00, v53;
	(erf) = vpow2.f32 v63  }
0x25e: {  	v15 =	vmul.f32 $1.442695020e+00, v54;
	(erf) = vpow2.f32 v1  }
0x25f: {  	v6 =	vor.u32 v60, v48;
	v33 =	vmul.f32 $1.442695020e+00, v55;
	(erf) = vpow2.f32 v13  }
0x260: {  	(erf) = vpow2.f32 v15  }
0x261: {  	(erf) = vpow2.f32 v33;
	v33 =	vor.u32 v0, v48;
	v0 =	vld [tilespmem:$0x1FF10];
	_ =	sdelay $0x2  }
0x262: {  	v56 =	vld.idx.msk [tilespmem:v6+s4+$0x0], $0xffff;
	_ =	sdelay $0x1  }
0x263: {  	v17 =	vor.u32 v0, v48;
	v0 =	vld [tilespmem:$0x1FF40];
	_ =	sdelay $0x1  }
0x264: {  	v57 =	vld.idx.msk [tilespmem:v4+s4+$0x0], $0xffff  }
0x265: {  	v35 =	vmul.f32 $1.442695020e+00, v56  }
0x266: {  	v12 =	vld [tilespmem:$0x1FEA0]  }
0x267: {  	(erf) = vpow2.f32 v35;
	v35 =	vor.u32 v0, v48;
	v0 =	vld [tilespmem:$0x1FF50]  }
0x268: {  	v62 =	vld [tilespmem:$0x1FE70]  }
0x269: {  	v41 =	vadd.f32 v20, v2;
	v2 =	vld [tilespmem:$0x1FE90];
	v60 =	vmul.f32 $1.442695020e+00, v57  }
0x26a: {  	v3 =	vld [tilespmem:$0x1FEB0]  }
0x26b: {  	(erf) = vpow2.f32 v60;
	v60 =	vld.idx.msk [tilespmem:v16+s4+$0x0], $0xffff  }
0x26c: {  	v16 =	vor.u32 v0, v48;
	v0 =	vld [tilespmem:$0x1FF60]  }
0x26d: {  	v14 =	vld [tilespmem:$0x1FEC0];
	v5 =	vor.u32 v62, v48  }
0x26e: {  	v2 =	vor.u32 v2, v48  }
0x26f: {  	v6 =	vor.u32 v12, v48  }
0x270: {  	v3 =	vor.u32 v3, v48  }
0x271: {  	v19 =	vor.u32 v0, v48;
	v0 =	vld [tilespmem:$0x1FF70]  }
0x272: {  	v58 =	vld.idx.msk [tilespmem:v5+s4+$0x0], $0xffff;
	v5 =	vor.u32 v14, v48  }
0x273: {  	[tilespmem:$0x1FC80] =	vst v23;
	v23 =	vld.idx.msk [tilespmem:v2+s4+$0x0], $0xffff  }
0x274: {  	v15 =	vld.idx.msk [tilespmem:v6+s4+$0x0], $0xffff  }
0x275: {  	v13 =	vld.idx.msk [tilespmem:v3+s4+$0x0], $0xffff  }
0x276: {  	v21 =	vor.u32 v0, v48;
	v0 =	vld [tilespmem:$0x1FF80]  }
0x277: {  	v62 =	vmul.f32 $1.442695020e+00, v58;
	v12 =	vld.idx.msk [tilespmem:v5+s4+$0x0], $0xffff  }
0x278: {  	v59 =	vld.idx.msk [tilespmem:v32+s4+$0x0], $0xffff;
	v63 =	vmul.f32 $1.442695020e+00, v36  }
0x279: {  	v32 =	vmul.f32 $1.442695020e+00, v23;
	v5 =	vld.idx.msk [tilespmem:v34+s4+$0x0], $0xffff;
	(erf) = vpow2.f32 v62  }
0x27a: {  	(erf) = vpow2.f32 v63;
	v34 =	vmul.f32 $1.442695020e+00, v15  }
0x27b: {  	v22 =	vpop (erf);
	(erf) = vpow2.f32 v32;
	v18 =	vmul.f32 $1.442695020e+00, v13;
	v29 =	vor.u32 v0, v48;
	v0 =	vld [tilespmem:$0x1FF90]  }
0x27c: {  	v6 =	vld.idx.msk [tilespmem:v37+s4+$0x0], $0xffff;
	v37 =	vmul.f32 $1.442695020e+00, v12;
	v25 =	vpop (erf);
	(erf) = vpow2.f32 v34  }
0x27d: {  	v26 =	vpop (erf);
	(erf) = vpow2.f32 v18;
	v18 =	vmul.f32 $1.442695020e+00, v59  }
0x27e: {  	v20 =	vmul.f32 $1.442695020e+00, v5;
	v27 =	vpop (erf);
	(erf) = vpow2.f32 v37  }
0x27f: {  	v28 =	vpop (erf);
	(erf) = vpow2.f32 v18  }
0x280: {  	v30 =	vpop (erf);
	(erf) = vpow2.f32 v20;
	v20 =	vor.u32 v0, v48;
	v0 =	vld [tilespmem:$0x1FFA0];
	_ =	sdelay $0x4  }
0x281: {  	v32 =	vor.u32 v0, v48;
	v0 =	vld [tilespmem:$0x1FFC0];
	_ =	sdelay $0x3  }
0x282: {  	v14 =	vld.idx.msk [tilespmem:v35+s4+$0x0], $0xffff  }
0x283: {  	v35 =	vor.u32 v0, v48;
	v0 =	vld [tilespmem:$0x1FFD0]  }
0x284: {  	v8 =	vld.idx.msk [tilespmem:v61+s4+$0x0], $0xffff;
	_ =	sdelay $0x1  }
0x285: {  	v9 =	vld.idx.msk [tilespmem:v9+s4+$0x0], $0xffff  }
0x286: {  	v10 =	vld.idx.msk [tilespmem:v33+s4+$0x0], $0xffff  }
0x287: {  	v18 =	vmul.f32 $1.442695020e+00, v6;
	v62 =	vor.u32 v0, v48;
	v0 =	vld [tilespmem:$0x1FFE0]  }
0x288: {  	v11 =	vld.idx.msk [tilespmem:v17+s4+$0x0], $0xffff;
	v17 =	vmul.f32 $1.442695020e+00, v8  }
0x289: {  	v31 =	vpop (erf);
	(erf) = vpow2.f32 v18;
	v16 =	vld.idx.msk [tilespmem:v16+s4+$0x0], $0xffff  }
0x28a: {  	v33 =	vpop (erf);
	(erf) = vpow2.f32 v17;
	v17 =	vld.idx.msk [tilespmem:v19+s4+$0x0], $0xffff  }
0x28b: {  	v18 =	vmul.f32 $1.442695020e+00, v60;
	v19 =	vld.idx.msk [tilespmem:v29+s4+$0x0], $0xffff  }
0x28c: {  	v4 =	vmul.f32 $1.442695020e+00, v9;
	v29 =	vor.u32 v0, v48;
	v0 =	vld [tilespmem:$0x1FFF0]  }
0x28d: {  	v37 =	vpop (erf);
	v61 =	vmul.f32 $1.442695020e+00, v10;
	(erf) = vpow2.f32 v18;
	v18 =	vld.idx.msk [tilespmem:v21+s4+$0x0], $0xffff  }
0x28e: {  	(erf) = vpow2.f32 v4;
	v21 =	vmul.f32 $1.442695020e+00, v11;
	v20 =	vld.idx.msk [tilespmem:v20+s4+$0x0], $0xffff  }
0x28f: {  	v63 =	vpop (erf);
	(erf) = vpow2.f32 v61;
	v61 =	vmul.f32 $1.442695020e+00, v14  }
0x290: {  	v25 =	vadd.f32 $0.0e+00, v25;
	v34 =	vpop (erf);
	v4 =	vmul.f32 $1.442695020e+00, v16;
	(erf) = vpow2.f32 v21;
	v21 =	vld.idx.msk [tilespmem:v32+s4+$0x0], $0xffff  }
0x291: {  	v32 =	vpop (erf);
	(erf) = vpow2.f32 v61;
	v61 =	vadd.f32 $0.0e+00, v22;
	v22 =	vld.idx.msk [tilespmem:v35+s4+$0x0], $0xffff;
	v1 =	vor.u32 v0, v48  }
0x292: {  	v24 =	vadd.f32 v49, v24;
	v49 =	vmul.f32 $1.442695020e+00, v18;
	v0 =	vmul.f32 $1.442695020e+00, v17  }
0x293: {  	v25 =	vadd.f32 v30, v25;
	v30 =	vmul.f32 $1.442695020e+00, v20;
	v35 =	vpop (erf);
	(erf) = vpow2.f32 v4;
	v4 =	vld.idx.msk [tilespmem:v29+s4+$0x0], $0xffff  }
0x294: {  	v3 =	vpop (erf);
	v62 =	vld.idx.msk [tilespmem:v62+s4+$0x0], $0xffff;
	(erf) = vpow2.f32 v0;
	v0 =	vmul.f32 $1.442695020e+00, v19  }
0x295: {  	v27 =	vadd.f32 $0.0e+00, v27;
	v29 =	vpop (erf);
	(erf) = vpow2.f32 v49  }
0x296: {  	v28 =	vadd.f32 v28, v61;
	v2 =	vpop (erf);
	(erf) = vpow2.f32 v0;
	v0 =	vmul.f32 $1.442695020e+00, v22;
	v61 =	vld.idx.msk [tilespmem:v1+s4+$0x0], $0xffff  }
0x297: {  	v27 =	vadd.f32 v33, v27;
	v49 =	vmul.f32 $1.442695020e+00, v21;
	v1 =	vadd.f32 $0.0e+00, v26;
	v26 =	vpop (erf)  }
0x298: {  	v28 =	vadd.f32 v37, v28;
	(erf) = vpow2.f32 v30;
	v33 =	vmul.f32 $1.442695020e+00, v4;
	v30 =	vpop (erf)  }
0x299: {  	(erf) = vpow2.f32 v49;
	v49 =	vmul.f32 $1.442695020e+00, v62;
	v1 =	vadd.f32 v31, v1;
	v31 =	vpop (erf)  }
0x29a: {  	v25 =	vadd.f32 v63, v25;
	(erf) = vpow2.f32 v0;
	v0 =	vpop (erf)  }
0x29b: {  	v28 =	vadd.f32 v35, v28;
	(erf) = vpow2.f32 v49;
	v37 =	vpop (erf);
	v49 =	vmul.f32 $1.442695020e+00, v61  }
0x29c: {  	(erf) = vpow2.f32 v33;
	v33 =	vpop (erf)  }
0x29d: {  	v27 =	vadd.f32 v32, v27;
	v63 =	vpop (erf);
	(erf) = vpow2.f32 v49  }
0x29e: {  	v3 =	vadd.f32 v3, v25;
	v1 =	vadd.f32 v34, v1;
	v25 =	vpop (erf)  }
0x29f: {  	v2 =	vadd.f32 v2, v27;
	v26 =	vadd.f32 v26, v28;
	v28 =	vpop (erf)  }
0x2a0: {  	v1 =	vadd.f32 v29, v1;
	v29 =	vpop (erf)  }
0x2a1: {  	v3 =	vadd.f32 v30, v3;
	v0 =	vadd.f32 v0, v2;
	v30 =	vpop (erf)  }
0x2a2: {  	v2 =	vadd.f32 v37, v26;
	v1 =	vadd.f32 v31, v1;
	v31 =	vpop (erf)  }
0x2a3: {  	v3 =	vadd.f32 v33, v3;
	v0 =	vadd.f32 v25, v0;
	v25 =	vpop (erf)  }
0x2a4: {  	v2 =	vadd.f32 v28, v2;
	v28 =	vpop (erf)  }
0x2a5: {  	v27 =	vmul.f32 v7, v7;
	v3 =	vadd.f32 v29, v3;
	v0 =	vadd.f32 v31, v0;
	v29 =	vpop (erf)  }
0x2a6: {  	v1 =	vadd.f32 v63, v1;
	v2 =	vadd.f32 v25, v2;
	v25 =	vpop (erf)  }
0x2a7: {  	v26 =	vmul.f32 $1.111111120e-01, v27;
	v0 =	vadd.f32 v25, v0;
	v25 =	vld [tilespmem:$0x1FBA0]  }
0x2a8: {  	v1 =	vadd.f32 v30, v1  }
0x2a9: {  	v26 =	vadd.f32 $1.428571490e-01, v26;
	v3 =	vadd.f32 v28, v3  }
0x2aa: {  	v1 =	vadd.f32 v29, v1  }
0x2ab: {  	v26 =	vmul.f32 v26, v27;
	v28 =	vld [tilespmem:$0x1FE00];
	v2 =	vadd.f32 v3, v2  }
0x2ac: {  	v0 =	vadd.f32 v0, v1;
	v25 =	vadd.f32 v25, v40  }
0x2ad: {  	v24 =	vadd.f32 v42, v24;
	v26 =	vadd.f32 $2.000000030e-01, v26;
	v3 =	vld [tilespmem:$0x1FBC0]  }
0x2ae: {  	v1 =	vld [tilespmem:$0x1FBB0];
	v0 =	vadd.f32 v0, v2;
	v2 =	vadd.f32 v43, v25  }
0x2af: {  	v24 =	vadd.f32 v46, v24  }
0x2b0: {  	v26 =	vmul.f32 v26, v27;
	v28 =	vadd.s32 v28, v38;
	v2 =	vadd.f32 v47, v2  }
0x2b1: {  	v7 =	vadd.f32 v7, v7;
	v29 =	vshrl.u32 v50, $0x17  }
0x2b2: {  	v25 =	vadd.f32 $3.333333430e-01, v26;
	v26 =	vand.u32 $0x7FFFFF, v0;
	v2 =	vadd.f32 v2, v24;
	v24 =	vld [tilespmem:$0x1FBD0]  }
0x2b3: {  	v3 =	vadd.f32 v3, v39;
	v1 =	vadd.f32 v1, v41;
	v26 =	vor.u32 $0x3F800000, v26  }
0x2b4: {  	v25 =	vmul.f32 v25, v27;
	v27 =	vand.u32 $0xFF, v29;
	v29 =	vadd.f32 $1.000000000e+00, v26  }
0x2b5: {  	v3 =	vadd.f32 v45, v3;
	v28 =	vld.idx.msk [tilespmem:v28+s4+$0x0], $0xffff;
	v1 =	vadd.f32 v44, v1;
	v27 =	vadd.s32 $0xFFFFFF81, v27  }
0x2b6: {  	v25 =	vadd.f32 $1.000000000e+00, v25;
	v27 =	vcvt.s32.f32 v27;
	(erf) = vrcp.f32 v29;
	_ =	sdelay $0x1  }
0x2b7: {  	v1 =	vadd.f32 v3, v1;
	v3 =	vmul.f32 $6.931471820e-01, v27;
	v7 =	vmul.f32 v25, v7;
	_ =	sdelay $0x1  }
0x2b8: {  	v1 =	vadd.f32 v2, v1;
	v2 =	vadd.f32 v7, v3;
	v3 =	vmul.f32 $9.499999880e-01, v28;
	v24 =	vld.idx.msk [tilespmem:v24+s14+$0x0], $0xffff;
	_ =	sdelay $0x1  }
0x2b9: {  	v1 =	vmul.f32 $1.562500020e-03, v1;
	v2 =	vsub.f32 v2, v3;
	_ =	sdelay $0x1  }
0x2ba: {  	v1 =	vsub.f32 v2, v1;
	v2 =	vadd.f32 $-1.000000000e+00, v26  }
0x2bb: {  	v3 =	vmul.f32 $5.555555690e-04, v24;
	v24 =	vpop (erf)  }
0x2bc: {  	v25 =	vadd.f32 $0.0e+00, v52;
	v2 =	vmul.f32 v24, v2  }
0x2bd: {  	v44 =	vadd.f32 $0.0e+00, v51  }
0x2be: {  	v25 =	vadd.f32 v56, v25;
	v27 =	vmul.f32 v2, v2  }
0x2bf: {  	v7 =	vadd.f32 v55, v44  }
0x2c0: {  	v23 =	vadd.f32 v23, v25;
	v24 =	vadd.f32 $0.0e+00, v54;
	v25 =	vmul.f32 $1.111111120e-01, v27  }
0x2c1: {  	v7 =	vadd.f32 v36, v7;
	v26 =	vadd.f32 $0.0e+00, v53  }
0x2c2: {  	v24 =	vadd.f32 v58, v24;
	v45 =	vadd.f32 $1.428571490e-01, v25  }
0x2c3: {  	v50 =	vimm.f32 $0.0e+00;
	v7 =	vadd.f32 v12, v7;
	v26 =	vadd.f32 v57, v26;
	v57 =	vld [tilespmem:$0x1FE00]  }
0x2c4: {  	v0 =	vshrl.u32 v0, $0x17;
	v13 =	vadd.f32 v13, v24;
	v47 =	vmul.f32 v45, v27  }
0x2c5: {  	v0 =	vand.u32 $0xFF, v0;
	v23 =	vadd.f32 v59, v23;
	v7 =	vadd.f32 v8, v7  }
0x2c6: {  	v0 =	vadd.s32 $0xFFFFFF81, v0;
	v6 =	vadd.f32 v6, v13;
	v8 =	vadd.f32 $2.000000030e-01, v47  }
0x2c7: {  	v32 =	vld [tilespmem:$0x1FE40];
	v0 =	vcvt.s32.f32 v0;
	v49 =	vadd.f32 v60, v23;
	v15 =	vadd.f32 v15, v26  }
0x2c8: {  	v6 =	vadd.f32 v10, v6;
	v10 =	vadd.s32 v57, v48;
	v8 =	vmul.f32 v8, v27  }
0x2c9: {  	s31 =	sadd.s32 $0xFFFFFFF0, s24;
	v46 =	vld [tilespmem:$0x1FE20];
	v28 =	vlaneseq.u32;
	v7 =	vadd.f32 v11, v7;
	v5 =	vadd.f32 v5, v15  }
0x2ca: {  	v35 =	vld [tilespmem:$0x1FE60];
	v28 =	vor.u32 s31, v28;
	v3 =	vsub.f32 $3.000000000e+00, v3;
	v8 =	vadd.f32 $3.333333430e-01, v8  }
0x2cb: {  	v34 =	vld [tilespmem:$0x1FE50];
	v38 =	vshll.u32 v28, $0x7;
	v53 =	vadd.f32 v14, v49;
	v5 =	vadd.f32 v9, v5  }
0x2cc: {  	v37 =	vld [tilespmem:$0x1FE80];
	v14 =	vor.u32 v32, v38;
	vm0 =	vgt.f32 v3, $5.000000000e-01;
	v8 =	vmul.f32 v8, v27  }
0x2cd: {  	v56 =	vadd.f32 v19, v53;
	v51 =	vsel vm0, $0x3F800000, v50;
	v5 =	vadd.f32 v16, v5;
	v10 =	vld.idx.msk [tilespmem:v10+s4+$0x0], $0xffff  }
0x2ce: {  	v63 =	vld [tilespmem:$0x1FE30];
	v2 =	vadd.f32 v2, v2;
	v3 =	vmul.f32 v51, v3;
	v8 =	vadd.f32 $1.000000000e+00, v8  }
0x2cf: {  	v39 =	vld [tilespmem:$0x1FD00];
	v0 =	vmul.f32 $6.931471820e-01, v0;
	v5 =	vadd.f32 v20, v5;
	v6 =	vadd.f32 v17, v6  }
0x2d0: {  	v36 =	vld [tilespmem:$0x1FE70];
	v1 =	vmul.f32 v1, v3;
	v3 =	vadd.f32 v18, v7;
	v2 =	vmul.f32 v8, v2  }
0x2d1: {  	v49 =	vld [tilespmem:$0x1FFB0];
	v15 =	vor.u32 v46, v38;
	v7 =	vadd.f32 v62, v56;
	v6 =	vadd.f32 v21, v6  }
0x2d2: {  	v53 =	vld [tilespmem:$0x1FF20];
	v4 =	vadd.f32 v4, v5;
	v0 =	vadd.f32 v2, v0;
	v2 =	vmul.f32 $9.499999880e-01, v10  }
0x2d3: {  	v14 =	vld.idx.msk [tilespmem:v14+s4+$0x0], $0xffff;
	v3 =	vadd.f32 v22, v3;
	v33 =	vadd.f32 v61, v6  }
0x2d4: {  	v24 =	vlaneseq.u32;
	v0 =	vsub.f32 v0, v2;
	v2 =	vld [tilespmem:$0x1FEA0]  }
0x2d5: {  	v24 =	vor.u32 v24, v38;
	v25 =	vld [tilespmem:$0x1FE10];
	v3 =	vadd.f32 v7, v3;
	v4 =	vadd.f32 v33, v4  }
0x2d6: {  	[tilespmem:$0x1FC60] =	vst v51;
	v51 =	vld [tilespmem:$0x1FF00];
	v13 =	vor.u32 v63, v38  }
0x2d7: {  	v55 =	vld.idx.msk [tilespmem:v15+s4+$0x0], $0xffff;
	v3 =	vadd.f32 v4, v3  }
0x2d8: {  	v56 =	vld [tilespmem:$0x1FF10];
	v5 =	vor.u32 v36, v38  }
0x2d9: {  	[tilespmem:$0x1FC50] =	vst v3;
	v3 =	vor.u32 v2, v38;
	v2 =	vld [tilespmem:$0x1FEB0]  }
0x2da: {  	v1 =	vadd.f32 v1, v39;
	v52 =	vld.idx.msk [tilespmem:v24+s4+$0x0], $0xffff;
	v25 =	vor.u32 v25, v38  }
0x2db: {  	v23 =	vor.u32 v51, v38;
	v13 =	vld.idx.msk [tilespmem:v13+s4+$0x0], $0xffff  }
0x2dc: {  	[tilespmem:$0x1FCB0] =	vst v1;
	v1 =	vld [tilespmem:$0x1FE90]  }
0x2dd: {  	v20 =	vld.idx.msk [tilespmem:v5+s4+$0x0], $0xffff;
	v6 =	vor.u32 v34, v38  }
0x2de: {  	v40 =	vor.u32 v2, v38;
	v2 =	vld [tilespmem:$0x1FEC0]  }
0x2df: {  	v54 =	vld.idx.msk [tilespmem:v25+s4+$0x0], $0xffff  }
0x2e0: {  	v9 =	vld.idx.msk [tilespmem:v23+s4+$0x0], $0xffff;
	v8 =	vor.u32 v35, v38  }
0x2e1: {  	v22 =	vor.u32 v49, v38;
	v23 =	vld [tilespmem:$0x1FF50]  }
0x2e2: {  	v15 =	vld.idx.msk [tilespmem:v6+s4+$0x0], $0xffff  }
0x2e3: {  	v1 =	vor.u32 v1, v38;
	v41 =	vor.u32 v2, v38;
	v2 =	vld [tilespmem:$0x1FED0]  }
0x2e4: {  	v58 =	vmul.f32 $1.442695020e+00, v52;
	v59 =	vmul.f32 $1.442695020e+00, v54;
	v11 =	vadd.f32 $0.0e+00, v54;
	v54 =	vld [tilespmem:$0x1FF30]  }
0x2e5: {  	v27 =	vor.u32 v56, v38;
	v18 =	vld.idx.msk [tilespmem:v8+s4+$0x0], $0xffff  }
0x2e6: {  	v60 =	vmul.f32 $1.442695020e+00, v55;
	(erf) = vpow2.f32 v58;
	v8 =	vld.idx.msk [tilespmem:v22+s4+$0x0], $0xffff  }
0x2e7: {  	v24 =	vor.u32 v53, v38;
	(erf) = vpow2.f32 v59;
	v22 =	vld [tilespmem:$0x1FF40]  }
0x2e8: {  	(erf) = vpow2.f32 v60;
	v43 =	vor.u32 v2, v38;
	v2 =	vld.idx.msk [tilespmem:v1+s4+$0x0], $0xffff  }
0x2e9: {  	v1 =	vld [tilespmem:$0x1FEE0]  }
0x2ea: {  	v58 =	vld.idx.msk [tilespmem:v27+s4+$0x0], $0xffff  }
0x2eb: {  	v27 =	vld [tilespmem:$0x1FF80];
	v26 =	vor.u32 v54, v38  }
0x2ec: {  	v10 =	vld.idx.msk [tilespmem:v24+s4+$0x0], $0xffff  }
0x2ed: {  	v7 =	vor.u32 v37, v38;
	v24 =	vld [tilespmem:$0x1FF60]  }
0x2ee: {  	v22 =	vor.u32 v22, v38;
	v45 =	vor.u32 v1, v38;
	v1 =	vld.idx.msk [tilespmem:v3+s4+$0x0], $0xffff  }
0x2ef: {  	[tilespmem:$0x1FC70] =	vst v0;
	v0 =	vpop (erf);
	v3 =	vld [tilespmem:$0x1FEF0]  }
0x2f0: {  	v16 =	vadd.f32 $0.0e+00, v0;
	v31 =	vld.idx.msk [tilespmem:v26+s4+$0x0], $0xffff;
	v0 =	vpop (erf)  }
0x2f1: {  	v26 =	vld [tilespmem:$0x1FF70];
	v19 =	vadd.f32 $0.0e+00, v0;
	v0 =	vpop (erf)  }
0x2f2: {  	v42 =	vmul.f32 $1.442695020e+00, v13;
	v21 =	vadd.f32 $0.0e+00, v0;
	v0 =	vld.idx.msk [tilespmem:v7+s4+$0x0], $0xffff  }
0x2f3: {  	v44 =	vmul.f32 $1.442695020e+00, v14;
	v60 =	vld.idx.msk [tilespmem:v22+s4+$0x0], $0xffff  }
0x2f4: {  	v46 =	vmul.f32 $1.442695020e+00, v15;
	(erf) = vpow2.f32 v42;
	v22 =	vld [tilespmem:$0x1FF90];
	v47 =	vor.u32 v3, v38  }
0x2f5: {  	v48 =	vmul.f32 $1.442695020e+00, v18;
	(erf) = vpow2.f32 v44;
	v3 =	vld.idx.msk [tilespmem:v40+s4+$0x0], $0xffff  }
0x2f6: {  	v17 =	vadd.f32 $0.0e+00, v52;
	v50 =	vmul.f32 $1.442695020e+00, v20;
	(erf) = vpow2.f32 v46;
	v4 =	vld.idx.msk [tilespmem:v41+s4+$0x0], $0xffff  }
0x2f7: {  	v23 =	vor.u32 v23, v38;
	(erf) = vpow2.f32 v48;
	v52 =	vmul.f32 $1.442695020e+00, v0;
	v5 =	vld.idx.msk [tilespmem:v43+s4+$0x0], $0xffff  }
0x2f8: {  	v12 =	vadd.f32 $0.0e+00, v55;
	(erf) = vpow2.f32 v50;
	v25 =	vmul.f32 $1.442695020e+00, v2;
	v6 =	vld.idx.msk [tilespmem:v45+s4+$0x0], $0xffff  }
0x2f9: {  	v24 =	vor.u32 v24, v38;
	(erf) = vpow2.f32 v52;
	v55 =	vmul.f32 $1.442695020e+00, v1;
	v7 =	vld.idx.msk [tilespmem:v47+s4+$0x0], $0xffff  }
0x2fa: {  	(erf) = vpow2.f32 v25;
	v57 =	vmul.f32 $1.442695020e+00, v3  }
0x2fb: {  	v22 =	vor.u32 v22, v38;
	v25 =	vmul.f32 $1.442695020e+00, v4;
	(erf) = vpow2.f32 v55  }
0x2fc: {  	[tilespmem:$0x1FC90] =	vst v28;
	v61 =	vld.idx.msk [tilespmem:v23+s4+$0x0], $0xffff;
	v27 =	vor.u32 v27, v38;
	v28 =	vmul.f32 $1.442695020e+00, v5;
	(erf) = vpow2.f32 v57  }
0x2fd: {  	v23 =	vld [tilespmem:$0x1FFA0];
	v29 =	vpop (erf);
	v26 =	vor.u32 v26, v38;
	(erf) = vpow2.f32 v25;
	v25 =	vmul.f32 $1.442695020e+00, v6  }
0x2fe: {  	v63 =	vld.idx.msk [tilespmem:v24+s4+$0x0], $0xffff;
	v30 =	vpop (erf);
	(erf) = vpow2.f32 v28;
	v28 =	vmul.f32 $1.442695020e+00, v7  }
0x2ff: {  	v24 =	vld [tilespmem:$0x1FFC0];
	v59 =	vpop (erf);
	(erf) = vpow2.f32 v25;
	v25 =	vmul.f32 $1.442695020e+00, v8  }
0x300: {  	v33 =	vpop (erf);
	v50 =	vld.idx.msk [tilespmem:v22+s4+$0x0], $0xffff;
	(erf) = vpow2.f32 v28;
	v28 =	vmul.f32 $1.442695020e+00, v9  }
0x301: {  	v62 =	vpop (erf);
	v45 =	vld.idx.msk [tilespmem:v27+s4+$0x0], $0xffff;
	(erf) = vpow2.f32 v25  }
0x302: {  	[tilespmem:$0x1FBE0] =	vst v31;
	v43 =	vpop (erf);
	(erf) = vpow2.f32 v28;
	v28 =	vmul.f32 $1.442695020e+00, v31;
	v31 =	vld.idx.msk [tilespmem:v26+s4+$0x0], $0xffff  }
0x303: {  	v26 =	vld [tilespmem:$0x1FFD0]  }
0x304: {  	v27 =	vld [tilespmem:$0x1FFE0]  }
0x305: {  	v22 =	vld [tilespmem:$0x1FFF0]  }
0x306: {  	v23 =	vor.u32 v23, v38;
	v25 =	vmul.f32 $1.442695020e+00, v10  }
0x307: {  	v24 =	vor.u32 v24, v38  }
0x308: {  	v44 =	vpop (erf);
	(erf) = vpow2.f32 v25;
	v25 =	vmul.f32 $1.442695020e+00, v58;
	v26 =	vor.u32 v26, v38  }
0x309: {  	v27 =	vor.u32 v27, v38;
	v46 =	vpop (erf);
	(erf) = vpow2.f32 v28;
	v28 =	vmul.f32 $1.442695020e+00, v60  }
0x30a: {  	v22 =	vor.u32 v22, v38;
	v47 =	vpop (erf);
	(erf) = vpow2.f32 v25;
	v25 =	vmul.f32 $1.442695020e+00, v61  }
0x30b: {  	v51 =	vld.idx.msk [tilespmem:v23+s4+$0x0], $0xffff;
	v23 =	vpop (erf);
	(erf) = vpow2.f32 v28  }
0x30c: {  	v13 =	vadd.f32 $0.0e+00, v13;
	v52 =	vld.idx.msk [tilespmem:v24+s4+$0x0], $0xffff;
	v28 =	vmul.f32 $1.442695020e+00, v63;
	v24 =	vpop (erf);
	(erf) = vpow2.f32 v25  }
0x30d: {  	v14 =	vadd.f32 v14, v17;
	v25 =	vmul.f32 $1.442695020e+00, v31;
	v54 =	vld.idx.msk [tilespmem:v26+s4+$0x0], $0xffff;
	v26 =	vmul.f32 $1.442695020e+00, v45  }
0x30e: {  	v13 =	vadd.f32 v20, v13;
	v12 =	vadd.f32 v18, v12;
	v55 =	vld.idx.msk [tilespmem:v27+s4+$0x0], $0xffff;
	v17 =	vpop (erf);
	(erf) = vpow2.f32 v28  }
0x30f: {  	v29 =	vadd.f32 $0.0e+00, v29;
	v56 =	vld.idx.msk [tilespmem:v22+s4+$0x0], $0xffff;
	v27 =	vpop (erf);
	(erf) = vpow2.f32 v25;
	v25 =	vmul.f32 $1.442695020e+00, v50  }
0x310: {  	[tilespmem:$0x1FC00] =	vst v60;
	v16 =	vadd.f32 v30, v16;
	v22 =	vmul.f32 $1.442695020e+00, v51;
	v60 =	vpop (erf);
	(erf) = vpow2.f32 v26  }
0x311: {  	v19 =	vadd.f32 v59, v19;
	v26 =	vpop (erf);
	(erf) = vpow2.f32 v25;
	v25 =	vmul.f32 $1.442695020e+00, v52  }
0x312: {  	v21 =	vadd.f32 v33, v21;
	v18 =	vpop (erf);
	(erf) = vpow2.f32 v22;
	v22 =	vmul.f32 $1.442695020e+00, v54  }
0x313: {  	v28 =	vadd.f32 v62, v29;
	v29 =	vpop (erf);
	(erf) = vpow2.f32 v25;
	v25 =	vmul.f32 $1.442695020e+00, v55  }
0x314: {  	v19 =	vadd.f32 v44, v19;
	v20 =	vpop (erf);
	(erf) = vpow2.f32 v22;
	v22 =	vmul.f32 $1.442695020e+00, v56  }
0x315: {  	v21 =	vadd.f32 v46, v21;
	v30 =	vpop (erf);
	(erf) = vpow2.f32 v25;
	v25 =	vadd.f32 v47, v28  }
0x316: {  	v16 =	vadd.f32 v43, v16;
	v19 =	vadd.f32 v24, v19  }
0x317: {  	v17 =	vadd.f32 v17, v21;
	v28 =	vpop (erf);
	(erf) = vpow2.f32 v22;
	v21 =	vadd.f32 v27, v25  }
0x318: {  	v16 =	vadd.f32 v23, v16;
	v22 =	vpop (erf)  }
0x319: {  	v11 =	vadd.f32 v15, v11;
	v0 =	vadd.f32 v0, v14;
	v23 =	vpop (erf)  }
0x31a: {  	v15 =	vadd.f32 v60, v16;
	v16 =	vadd.f32 v26, v19;
	v19 =	vpop (erf)  }
0x31b: {  	v17 =	vadd.f32 v18, v17;
	v18 =	vadd.f32 v29, v21;
	v21 =	vpop (erf)  }
0x31c: {  	v15 =	vadd.f32 v20, v15;
	v16 =	vadd.f32 v30, v16;
	v20 =	vpop (erf)  }
0x31d: {  	v17 =	vadd.f32 v28, v17;
	v18 =	vadd.f32 v22, v18;
	v22 =	vpop (erf)  }
0x31e: {  	v15 =	vadd.f32 v23, v15;
	v16 =	vadd.f32 v19, v16;
	v19 =	vpop (erf)  }
0x31f: {  	v17 =	vadd.f32 v21, v17;
	v18 =	vadd.f32 v20, v18;
	v20 =	vpop (erf)  }
0x320: {  	v15 =	vadd.f32 v22, v15;
	v16 =	vadd.f32 v19, v16;
	v19 =	vpop (erf)  }
0x321: {  	v17 =	vadd.f32 v20, v17;
	v18 =	vadd.f32 v19, v18  }
0x322: {  	v0 =	vadd.f32 v4, v0  }
0x323: {  	[tilespmem:$0x1FC20] =	vst v63;
	v63 =	vadd.f32 v16, v15;
	v32 =	vadd.f32 v18, v17  }
0x324: {  	v12 =	vadd.f32 v1, v12;
	v47 =	vadd.f32 v8, v0;
	v0 =	vld [tilespmem:$0x1FE80]  }
0x325: {  	v1 =	vld [tilespmem:$0x1FE40];
	[tilespmem:$0x1FC40] =	vst v45;
	v3 =	vadd.f32 v3, v13;
	v45 =	vadd.f32 v32, v63  }
0x326: {  	v23 =	vlaneseq.u32  }
0x327: {  	v49 =	vadd.f32 v7, v3;
	v23 =	vor.u32 s24, v23;
	v3 =	vand.u32 $0x7FFFFF, v45  }
0x328: {  	v53 =	vshll.u32 v23, $0x7;
	v25 =	vor.u32 $0x3F800000, v3  }
0x329: {  	[tilespmem:$0x1FC10] =	vst v61;
	v61 =	vld [tilespmem:$0x1FE20];
	v3 =	vor.u32 v0, v53;
	v0 =	vadd.f32 $1.000000000e+00, v25  }
0x32a: {  	v17 =	vor.u32 v1, v53;
	v1 =	vld [tilespmem:$0x1FE50]  }
0x32b: {  	(erf) = vrcp.f32 v0;
	v0 =	vld [tilespmem:$0x1FEB0];
	_ =	sdelay $0x2  }
0x32c: {  	v62 =	vor.u32 v61, v53  }
0x32d: {  	v33 =	vor.u32 v1, v53;
	v1 =	vld [tilespmem:$0x1FE60]  }
0x32e: {  	v34 =	vadd.f32 v6, v12;
	v6 =	vor.u32 v0, v53;
	v0 =	vld [tilespmem:$0x1FEC0];
	_ =	sdelay $0x2  }
0x32f: {  	v59 =	vld.idx.msk [tilespmem:v62+s4+$0x0], $0xffff  }
0x330: {  	v35 =	vor.u32 v1, v53;
	v62 =	vld.idx.msk [tilespmem:v33+s4+$0x0], $0xffff  }
0x331: {  	v33 =	vor.u32 v0, v53;
	v0 =	vld [tilespmem:$0x1FED0];
	_ =	sdelay $0x2  }
0x332: {  	v16 =	vld [tilespmem:$0x1FE30]  }
0x333: {  	v63 =	vld.idx.msk [tilespmem:v35+s4+$0x0], $0xffff  }
0x334: {  	v35 =	vor.u32 v0, v53;
	v0 =	vld [tilespmem:$0x1FEE0];
	_ =	sdelay $0x3  }
0x335: {  	v16 =	vor.u32 v16, v53  }
0x336: {  	v8 =	vor.u32 v0, v53;
	v0 =	vld [tilespmem:$0x1FEF0];
	_ =	sdelay $0x3  }
0x337: {  	v60 =	vld.idx.msk [tilespmem:v16+s4+$0x0], $0xffff  }
0x338: {  	v16 =	vor.u32 v0, v53;
	v0 =	vld [tilespmem:$0x1FFB0];
	_ =	sdelay $0x2  }
0x339: {  	v19 =	vld [tilespmem:$0x1FE10]  }
0x33a: {  	v61 =	vld.idx.msk [tilespmem:v17+s4+$0x0], $0xffff  }
0x33b: {  	v17 =	vor.u32 v0, v53;
	v0 =	vld [tilespmem:$0x1FF00];
	_ =	sdelay $0x3  }
0x33c: {  	v19 =	vor.u32 v19, v53  }
0x33d: {  	v18 =	vor.u32 v0, v53;
	v0 =	vld [tilespmem:$0x1FF20];
	_ =	sdelay $0x3  }
0x33e: {  	[tilespmem:$0x1FBF0] =	vst v58;
	v58 =	vld.idx.msk [tilespmem:v19+s4+$0x0], $0xffff  }
0x33f: {  	v19 =	vor.u32 v0, v53;
	v0 =	vld [tilespmem:$0x1FF30];
	_ =	sdelay $0x2  }
0x340: {  	v21 =	vlaneseq.u32  }
0x341: {  	v21 =	vor.u32 v21, v53  }
0x342: {  	v20 =	vor.u32 v0, v53;
	v0 =	vld [tilespmem:$0x1FF10];
	_ =	sdelay $0x3  }
0x343: {  	v57 =	vld.idx.msk [tilespmem:v21+s4+$0x0], $0xffff  }
0x344: {  	v21 =	vor.u32 v0, v53;
	v0 =	vld [tilespmem:$0x1FF40];
	_ =	sdelay $0x2  }
0x345: {  	v2 =	vadd.f32 v2, v11;
	v1 =	vld [tilespmem:$0x1FE70];
	_ =	sdelay $0x1  }
0x346: {  	v2 =	vadd.f32 v5, v2;
	v22 =	vor.u32 v0, v53;
	v0 =	vld [tilespmem:$0x1FF50];
	_ =	sdelay $0x1  }
0x347: {  	v48 =	vadd.f32 v9, v2;
	v2 =	vmul.f32 $1.442695020e+00, v57  }
0x348: {  	v36 =	vor.u32 v1, v53;
	v1 =	vld [tilespmem:$0x1FE90]  }
0x349: {  	(erf) = vpow2.f32 v2;
	v2 =	vld [tilespmem:$0x1FFD0]  }
0x34a: {  	[tilespmem:$0x1FCA0] =	vst v23;
	v23 =	vor.u32 v0, v53;
	v0 =	vld [tilespmem:$0x1FF60];
	_ =	sdelay $0x1  }
0x34b: {  	v43 =	vld.idx.msk [tilespmem:v3+s4+$0x0], $0xffff  }
0x34c: {  	v37 =	vor.u32 v1, v53;
	v1 =	vld [tilespmem:$0x1FEA0]  }
0x34d: {  	v12 =	vor.u32 v2, v53;
	v2 =	vld [tilespmem:$0x1FFE0]  }
0x34e: {  	v15 =	vmul.f32 $1.442695020e+00, v58;
	v24 =	vor.u32 v0, v53;
	v0 =	vld [tilespmem:$0x1FF70]  }
0x34f: {  	v32 =	vmul.f32 $1.442695020e+00, v59;
	v40 =	vld.idx.msk [tilespmem:v6+s4+$0x0], $0xffff  }
0x350: {  	v46 =	vadd.f32 v10, v34;
	v34 =	vmul.f32 $1.442695020e+00, v60;
	(erf) = vpow2.f32 v15;
	v44 =	vld.idx.msk [tilespmem:v36+s4+$0x0], $0xffff  }
0x351: {  	(erf) = vpow2.f32 v32;
	v36 =	vmul.f32 $1.442695020e+00, v61;
	v39 =	vor.u32 v1, v53;
	v42 =	vld.idx.msk [tilespmem:v37+s4+$0x0], $0xffff  }
0x352: {  	(erf) = vpow2.f32 v34;
	v37 =	vmul.f32 $1.442695020e+00, v62;
	v1 =	vld [tilespmem:$0x1FFC0]  }
0x353: {  	v4 =	vmul.f32 $1.442695020e+00, v63;
	(erf) = vpow2.f32 v36;
	v28 =	vor.u32 v0, v53;
	v0 =	vld [tilespmem:$0x1FF80]  }
0x354: {  	(erf) = vpow2.f32 v37;
	v35 =	vld.idx.msk [tilespmem:v35+s4+$0x0], $0xffff  }
0x355: {  	(erf) = vpow2.f32 v4;
	v4 =	vor.u32 v2, v53;
	v2 =	vld [tilespmem:$0x1FFF0]  }
0x356: {  	v41 =	vld.idx.msk [tilespmem:v39+s4+$0x0], $0xffff  }
0x357: {  	v39 =	vld.idx.msk [tilespmem:v33+s4+$0x0], $0xffff  }
0x358: {  	v5 =	vmul.f32 $1.442695020e+00, v44;
	v34 =	vor.u32 v0, v53;
	v0 =	vld [tilespmem:$0x1FF90]  }
0x359: {  	[tilespmem:$0x1FC30] =	vst v31;
	v6 =	vmul.f32 $1.442695020e+00, v43;
	v31 =	vld.idx.msk [tilespmem:v8+s4+$0x0], $0xffff  }
0x35a: {  	(erf) = vpow2.f32 v5;
	v7 =	vmul.f32 $1.442695020e+00, v42;
	v15 =	vld.idx.msk [tilespmem:v16+s4+$0x0], $0xffff  }
0x35b: {  	(erf) = vpow2.f32 v6;
	v11 =	vmul.f32 $1.442695020e+00, v41;
	v14 =	vld.idx.msk [tilespmem:v17+s4+$0x0], $0xffff  }
0x35c: {  	v32 =	vpop (erf);
	(erf) = vpow2.f32 v7;
	v16 =	vmul.f32 $1.442695020e+00, v40;
	v13 =	vld.idx.msk [tilespmem:v18+s4+$0x0], $0xffff  }
0x35d: {  	v26 =	vpop (erf);
	(erf) = vpow2.f32 v11;
	v17 =	vmul.f32 $1.442695020e+00, v39;
	v37 =	vor.u32 v0, v53;
	v0 =	vld [tilespmem:$0x1FFA0]  }
0x35e: {  	v27 =	vpop (erf);
	(erf) = vpow2.f32 v16;
	v18 =	vmul.f32 $1.442695020e+00, v35;
	v16 =	vld.idx.msk [tilespmem:v19+s4+$0x0], $0xffff  }
0x35f: {  	v30 =	vpop (erf);
	(erf) = vpow2.f32 v17;
	v19 =	vmul.f32 $1.442695020e+00, v31;
	v17 =	vld.idx.msk [tilespmem:v20+s4+$0x0], $0xffff  }
0x360: {  	v33 =	vpop (erf);
	(erf) = vpow2.f32 v18;
	v20 =	vmul.f32 $1.442695020e+00, v15;
	v18 =	vld.idx.msk [tilespmem:v21+s4+$0x0], $0xffff  }
0x361: {  	v29 =	vpop (erf);
	(erf) = vpow2.f32 v19;
	v19 =	vld.idx.msk [tilespmem:v22+s4+$0x0], $0xffff  }
0x362: {  	v36 =	vpop (erf);
	(erf) = vpow2.f32 v20;
	v21 =	vmul.f32 $1.442695020e+00, v14;
	v20 =	vld.idx.msk [tilespmem:v23+s4+$0x0], $0xffff;
	v23 =	vor.u32 v0, v53  }
0x363: {  	v22 =	vmul.f32 $1.442695020e+00, v13  }
0x364: {  	v11 =	vpop (erf);
	(erf) = vpow2.f32 v21;
	v21 =	vld.idx.msk [tilespmem:v24+s4+$0x0], $0xffff;
	v0 =	vmul.f32 $1.442695020e+00, v16  }
0x365: {  	v6 =	vor.u32 v1, v53;
	v1 =	vmul.f32 $1.442695020e+00, v17;
	v24 =	vpop (erf);
	(erf) = vpow2.f32 v22;
	v22 =	vld.idx.msk [tilespmem:v28+s4+$0x0], $0xffff  }
0x366: {  	v5 =	vor.u32 v2, v53;
	v28 =	vpop (erf);
	v34 =	vld.idx.msk [tilespmem:v34+s4+$0x0], $0xffff;
	(erf) = vpow2.f32 v0;
	v0 =	vmul.f32 $1.442695020e+00, v18  }
0x367: {  	v2 =	vadd.f32 $0.0e+00, v26;
	v10 =	vpop (erf);
	(erf) = vpow2.f32 v1;
	v1 =	vmul.f32 $1.442695020e+00, v19;
	v26 =	vld.idx.msk [tilespmem:v23+s4+$0x0], $0xffff  }
0x368: {  	v9 =	vpop (erf);
	v37 =	vld.idx.msk [tilespmem:v37+s4+$0x0], $0xffff;
	(erf) = vpow2.f32 v0;
	v0 =	vmul.f32 $1.442695020e+00, v20  }
0x369: {  	v12 =	vld.idx.msk [tilespmem:v12+s4+$0x0], $0xffff;
	v23 =	vpop (erf);
	(erf) = vpow2.f32 v1;
	v1 =	vmul.f32 $1.442695020e+00, v21  }
0x36a: {  	v3 =	vadd.f32 $0.0e+00, v27;
	v27 =	vld.idx.msk [tilespmem:v6+s4+$0x0], $0xffff;
	v8 =	vpop (erf);
	(erf) = vpow2.f32 v0;
	v0 =	vmul.f32 $1.442695020e+00, v22  }
0x36b: {  	v2 =	vadd.f32 v29, v2;
	v29 =	vld.idx.msk [tilespmem:v4+s4+$0x0], $0xffff;
	v4 =	vmul.f32 $1.442695020e+00, v34;
	v7 =	vpop (erf);
	(erf) = vpow2.f32 v1  }
0x36c: {  	v3 =	vadd.f32 v36, v3;
	v6 =	vpop (erf);
	(erf) = vpow2.f32 v0;
	v0 =	vmul.f32 $1.442695020e+00, v26  }
0x36d: {  	v2 =	vadd.f32 v28, v2;
	v36 =	vmul.f32 $1.442695020e+00, v37;
	v1 =	vadd.f32 $0.0e+00, v30;
	v30 =	vld.idx.msk [tilespmem:v5+s4+$0x0], $0xffff;
	v5 =	vpop (erf)  }
0x36e: {  	v3 =	vadd.f32 v10, v3;
	(erf) = vpow2.f32 v4;
	v4 =	vadd.f32 $0.0e+00, v33;
	v33 =	vpop (erf)  }
0x36f: {  	v1 =	vadd.f32 v11, v1;
	(erf) = vpow2.f32 v36;
	v36 =	vmul.f32 $1.442695020e+00, v27;
	v11 =	vpop (erf)  }
0x370: {  	v4 =	vadd.f32 v24, v4;
	v24 =	vmul.f32 $1.442695020e+00, v12;
	(erf) = vpow2.f32 v0;
	v0 =	vpop (erf)  }
0x371: {  	v1 =	vadd.f32 v9, v1;
	(erf) = vpow2.f32 v36;
	v36 =	vmul.f32 $1.442695020e+00, v29;
	v28 =	vpop (erf)  }
0x372: {  	v3 =	vadd.f32 v7, v3;
	(erf) = vpow2.f32 v24;
	v10 =	vpop (erf)  }
0x373: {  	v4 =	vadd.f32 v23, v4;
	v1 =	vadd.f32 v6, v1;
	(erf) = vpow2.f32 v36;
	v9 =	vpop (erf)  }
0x374: {  	v2 =	vadd.f32 v8, v2;
	v24 =	vmul.f32 $1.442695020e+00, v30;
	v7 =	vpop (erf)  }
0x375: {  	v3 =	vadd.f32 v11, v3;
	v4 =	vadd.f32 v5, v4;
	v5 =	vpop (erf)  }
0x376: {  	v2 =	vadd.f32 v33, v2;
	v6 =	vadd.f32 $-1.000000000e+00, v25;
	(erf) = vpow2.f32 v24;
	v8 =	vpop (erf)  }
0x377: {  	v0 =	vadd.f32 v0, v1;
	v3 =	vadd.f32 v9, v3;
	v1 =	vpop (erf)  }
0x378: {  	v4 =	vadd.f32 v28, v4;
	v2 =	vadd.f32 v10, v2;
	v10 =	vpop (erf)  }
0x379: {  	v6 =	vmul.f32 v32, v6;
	v0 =	vadd.f32 v7, v0;
	v7 =	vpop (erf)  }
0x37a: {  	v4 =	vadd.f32 v5, v4;
	v2 =	vadd.f32 v8, v2;
	v5 =	vpop (erf)  }
0x37b: {  	v8 =	vmul.f32 v6, v6;
	v1 =	vadd.f32 v1, v3;
	v0 =	vadd.f32 v10, v0;
	v3 =	vpop (erf)  }
0x37c: {  	v11 =	vpop (erf)  }
0x37d: {  	v9 =	vmul.f32 $1.111111120e-01, v8;
	v0 =	vadd.f32 v11, v0;
	v11 =	vld [tilespmem:$0x1FBE0]  }
0x37e: {  	v4 =	vadd.f32 v7, v4;
	v2 =	vadd.f32 v5, v2  }
0x37f: {  	v10 =	vadd.f32 $1.428571490e-01, v9;
	v1 =	vadd.f32 v3, v1;
	v3 =	vpop (erf)  }
0x380: {  	v9 =	vld [tilespmem:$0x1FC10];
	v3 =	vadd.f32 v3, v4  }
0x381: {  	v1 =	vadd.f32 v1, v2;
	v2 =	vmul.f32 v10, v8;
	v10 =	vld [tilespmem:$0x1FC30]  }
0x382: {  	v0 =	vadd.f32 v3, v0;
	v5 =	vadd.f32 v11, v49;
	v49 =	vld [tilespmem:$0x1FBF0]  }
0x383: {  	v3 =	vld [tilespmem:$0x1FC00]  }
0x384: {  	v0 =	vadd.f32 v0, v1;
	v1 =	vadd.f32 $2.000000030e-01, v2;
	v2 =	vld [tilespmem:$0x1FC20];
	_ =	sdelay $0x2  }
0x385: {  	v4 =	vadd.f32 v9, v46;
	v11 =	vld [tilespmem:$0x1FC40];
	v7 =	vadd.f32 v49, v47  }
0x386: {  	v33 =	vld [tilespmem:$0x1FEE0];
	v1 =	vmul.f32 v1, v8;
	v3 =	vadd.f32 v3, v48;
	v48 =	vand.u32 $0x7FFFFF, v0  }
0x387: {  	v23 =	vld [tilespmem:$0x1FE40];
	v2 =	vadd.f32 v2, v5;
	v5 =	vadd.f32 v10, v7;
	v7 =	vor.u32 $0x3F800000, v48  }
0x388: {  	v25 =	vld [tilespmem:$0x1FE60];
	v49 =	vadd.f32 $1.000000000e+00, v7  }
0x389: {  	v32 =	vld [tilespmem:$0x1FED0];
	v4 =	vadd.f32 v50, v4;
	v1 =	vadd.f32 $3.333333430e-01, v1  }
0x38a: {  	v36 =	vld [tilespmem:$0x1FF10];
	v3 =	vadd.f32 v11, v3;
	(erf) = vrcp.f32 v49  }
0x38b: {  	v24 =	vld [tilespmem:$0x1FE50];
	v6 =	vadd.f32 v6, v6;
	v4 =	vadd.f32 v55, v4;
	v1 =	vmul.f32 v1, v8  }
0x38c: {  	v11 =	vld [tilespmem:$0x1FC50];
	v2 =	vadd.f32 v51, v2;
	v3 =	vadd.f32 v54, v3  }
0x38d: {  	v28 =	vld [tilespmem:$0x1FE90];
	v50 =	vshrl.u32 v45, $0x17;
	v1 =	vadd.f32 $1.000000000e+00, v1;
	v7 =	vadd.f32 $-1.000000000e+00, v7  }
0x38e: {  	v46 =	vld [tilespmem:$0x1FFA0];
	v51 =	vand.u32 $0xFF, v50;
	v5 =	vadd.f32 v52, v5;
	v2 =	vadd.f32 v56, v2  }
0x38f: {  	v8 =	vadd.s32 $0xFFFFFF81, v51;
	v51 =	vld [tilespmem:$0x1FC70];
	v56 =	vadd.f32 $0.0e+00, v58;
	v58 =	vadd.f32 $0.0e+00, v60  }
0x390: {  	v48 =	vld [tilespmem:$0x1FD90];
	v8 =	vcvt.s32.f32 v8;
	v3 =	vadd.f32 v3, v5;
	v2 =	vadd.f32 v2, v4  }
0x391: {  	v49 =	vld [tilespmem:$0x1FC60];
	v1 =	vmul.f32 v1, v6;
	v4 =	vmul.f32 $1.562500020e-03, v11;
	v6 =	vadd.f32 v62, v56  }
0x392: {  	v60 =	vld [tilespmem:$0x1FE00];
	v50 =	vmul.f32 $6.931471820e-01, v8;
	v9 =	vadd.f32 v44, v58;
	v2 =	vadd.f32 v2, v3  }
0x393: {  	v45 =	vld [tilespmem:$0x1FF90];
	v3 =	vadd.f32 $0.0e+00, v57;
	v57 =	vadd.f32 $0.0e+00, v59;
	v59 =	vpop (erf)  }
0x394: {  	v55 =	vld [tilespmem:$0x1FFF0];
	v4 =	vsub.f32 v51, v4;
	v1 =	vadd.f32 v1, v50;
	v7 =	vmul.f32 v59, v7  }
0x395: {  	v47 =	vld [tilespmem:$0x1FFB0];
	v6 =	vadd.f32 v42, v6;
	v9 =	vadd.f32 v40, v9  }
0x396: {  	v54 =	vld [tilespmem:$0x1FFE0];
	v5 =	vadd.f32 v49, v48;
	v3 =	vadd.f32 v61, v3;
	v10 =	vmul.f32 v7, v7  }
0x397: {  	v11 =	vadd.s32 v60, v38;
	v8 =	vadd.f32 v63, v57;
	v6 =	vadd.f32 v35, v6;
	v63 =	vld [tilespmem:$0x1FC80]  }
0x398: {  	v38 =	vld [tilespmem:$0x1FC90];
	v9 =	vadd.f32 v15, v9;
	v3 =	vadd.f32 v43, v3;
	v61 =	vmul.f32 $1.111111120e-01, v10  }
0x399: {  	v48 =	vld [tilespmem:$0x1FE00];
	v8 =	vadd.f32 v41, v8;
	v6 =	vadd.f32 v13, v6  }
0x39a: {  	v52 =	vld [tilespmem:$0x1FFC0];
	v9 =	vadd.f32 v17, v9;
	v62 =	vadd.f32 $1.428571490e-01, v61  }
0x39b: {  	v44 =	vld [tilespmem:$0x1FF80];
	v3 =	vadd.f32 v39, v3;
	v8 =	vadd.f32 v31, v8  }
0x39c: {  	v51 =	vld [tilespmem:$0x1FCA0];
	v6 =	vadd.f32 v19, v6;
	v9 =	vadd.f32 v21, v9;
	v13 =	vmul.f32 v62, v10  }
0x39d: {  	v0 =	vshrl.u32 v0, $0x17;
	v42 =	vld [tilespmem:$0x1FF60];
	v3 =	vadd.f32 v14, v3;
	v8 =	vadd.f32 v16, v8  }
0x39e: {  	v11 =	vld.idx.msk [tilespmem:v11+s4+$0x0], $0xffff;
	v15 =	vadd.s32 v48, v53;
	v6 =	vadd.f32 v34, v6;
	v13 =	vadd.f32 $2.000000030e-01, v13  }
0x39f: {  	v0 =	vand.u32 $0xFF, v0;
	v9 =	vadd.f32 v26, v9;
	v3 =	vadd.f32 v18, v3;
	v14 =	vld.idx.msk [tilespmem:v63+s14+$0x0], $0xffff  }
0x3a0: {  	v8 =	vadd.f32 v20, v8;
	v6 =	vadd.f32 v12, v6;
	v12 =	vld.idx.msk [tilespmem:v38+s14+$0x0], $0xffff;
	v13 =	vmul.f32 v13, v10  }
0x3a1: {  	v0 =	vadd.s32 $0xFFFFFF81, v0;
	v40 =	vld [tilespmem:$0x1FF40];
	v7 =	vadd.f32 v7, v7;
	v3 =	vadd.f32 v22, v3  }
0x3a2: {  	v0 =	vcvt.s32.f32 v0;
	v35 =	vld [tilespmem:$0x1FF00];
	v8 =	vadd.f32 v37, v8;
	v13 =	vadd.f32 $3.333333430e-01, v13  }
0x3a3: {  	v9 =	vadd.f32 v30, v9;
	v11 =	vmul.f32 $9.499999880e-01, v11;
	v57 =	vld.idx.msk [tilespmem:v15+s4+$0x0], $0xffff;
	v3 =	vadd.f32 v27, v3  }
0x3a4: {  	v8 =	vadd.f32 v29, v8;
	v49 =	vmul.f32 $5.555555690e-04, v14;
	v50 =	vmul.f32 v13, v10;
	v10 =	vld.idx.msk [tilespmem:v51+s14+$0x0], $0xffff  }
0x3a5: {  	v43 =	vld [tilespmem:$0x1FF70];
	v1 =	vsub.f32 v1, v11;
	v56 =	vmul.f32 $5.555555690e-04, v12;
	v3 =	vadd.f32 v6, v3  }
0x3a6: {  	v0 =	vmul.f32 $6.931471820e-01, v0;
	v41 =	vld [tilespmem:$0x1FF50];
	v8 =	vadd.f32 v9, v8;
	v6 =	vsub.f32 $3.000000000e+00, v49  }
0x3a7: {  	v2 =	vmul.f32 $1.562500020e-03, v2;
	v39 =	vld [tilespmem:$0x1FF30];
	v11 =	vsub.f32 $3.000000000e+00, v56;
	v9 =	vadd.f32 $1.000000000e+00, v50  }
0x3a8: {  	v31 =	vld [tilespmem:$0x1FEC0];
	v16 =	vimm.f32 $0.0e+00;
	v61 =	vmul.f32 $9.499999880e-01, v57;
	vm13 =	vgt.f32 v6, $5.000000000e-01  }
0x3a9: {  	v21 =	vld [tilespmem:$0x1FE20];
	vm14 =	vgt.f32 v11, $5.000000000e-01;
	v7 =	vmul.f32 v9, v7;
	v59 =	vmul.f32 $5.555555690e-04, v10  }
0x3aa: {  	v62 =	vld [tilespmem:$0x1FCB0];
	v3 =	vadd.f32 v8, v3;
	v58 =	vsel vm13, $0x3F800000, v16;
	v60 =	vsel vm14, $0x3F800000, v16  }
0x3ab: {  	v53 =	vld [tilespmem:$0x1FFD0];
	v6 =	vmul.f32 v58, v6;
	v0 =	vadd.f32 v7, v0;
	v9 =	vsub.f32 $3.000000000e+00, v59  }
0x3ac: {  	v34 =	vld [tilespmem:$0x1FEF0];
	v1 =	vsub.f32 v1, v2;
	v3 =	vmul.f32 $1.562500020e-03, v3;
	v2 =	vmul.f32 v60, v11  }
0x3ad: {  	s23 =	sadd.s32 $0x4, s23;
	v26 =	vld [tilespmem:$0x1FE70];
	v4 =	vmul.f32 v4, v6;
	v0 =	vsub.f32 v0, v61;
	vm15 =	vgt.f32 v9, $5.000000000e-01  }
0x3ae: {  	p0 =	slt.u32 s23, $0xC;
	v20 =	vld [tilespmem:$0x1FE10];
	v5 =	vadd.f32 v58, v5;
	v1 =	vmul.f32 v1, v2;
	v63 =	vsel vm15, $0x3F800000, v16  }
.Ltmp1:
0x3af: {  	v30 =	vld [tilespmem:$0x1FEB0];
	v4 =	vadd.f32 v4, v62;
	v0 =	vsub.f32 v0, v3;
	v2 =	vmul.f32 v63, v9;
	(pc) =	sbr.rel @p0 .LBB2_5-.Ltmp1, $4  }
0x3b0: {  	v22 =	vld [tilespmem:$0x1FE30]  }
0x3b1: {  	v37 =	vld [tilespmem:$0x1FF20];
	v1 =	vadd.f32 v1, v4;
	v3 =	vadd.f32 v60, v5;
	v0 =	vmul.f32 v0, v2  }
0x3b2: {  	v27 =	vld [tilespmem:$0x1FE80]  }
0x3b3: {  	s24 =	sadd.s32 $0x40, s24;
	v19 =	vlaneseq.u32;
	v29 =	vld [tilespmem:$0x1FEA0];
	v2 =	vadd.f32 v0, v1;
	v1 =	vadd.f32 v63, v3  }
0x3b4: {  	s22 =	sadd.s32 $0x1, s22  }
0x3b5: {  	p0 =	sne.s32 s22, $0x10  }
.Ltmp2:
0x3b6: {  	_ = 	snop;
	(pc) =	sbr.rel @p0 .LBB2_2-.Ltmp2, $1  }
0x3b7: {  	_ =	sdelay $0x3  }
0x3b8: {  	[tilespmem:$0x10280] =	vst v2  }
0x3b9: {  	[tilespmem:$0x10300] =	vst v1  }
0x3ba: {  	[hbm4b:s9+s4] =	stream.linear.scatter [tilespmem:s19], [sflag:$0x3], $0x10, $0x38;
	[tilespmem:$0x10380] =	vst v63  }
0x3bb: {  	s21 =	sadd.s32 $0x1, s21;
	_ =	swait.ge [sflag:s13], $0x10  }
0x3bc: {  	p0 =	sne.s32 s21, s11;
	[sflag:s13] =	ssyncset.done $0x0  }
.Ltmp3:
0x3bd: {  	[sflag:s13] =	ssyncadd.s32 $0xFFFFFFF0;
	(pc) =	sbr.rel @p0 .LBB2_1-.Ltmp3, $4  }
0x3be: {  	[hbm4b:s10+s4] =	stream.linear.scatter [tilespmem:s20], [sflag:$0x3], $0x10, $0x38;
	[tilespmem:$0x10380] =	vst v63  }
0x3bf: {  	_ =	swait.ge [sflag:s13], $0x10  }
0x3c0: {  	[sflag:s13] =	ssyncset.done $0x0  }
0x3c1: {  	[sflag:s13] =	ssyncadd.s32 $0xFFFFFFF0  }
0x3c2: {  	_ =	sfence.sel $0x180000  }
0x3c3: {  	[bflag:$0x0] =	sbarrier.arrive $0xFFFF  }
0x3c4: {  	p0 =	sne.s32 s3, $0x0;
	_ =	strace $0x90000047  }
0x3c5: {  	s0 =	sadd.s32 @!p0 $0x100000, s1;
	[bflag:$0x2] =	sbarrier.arrive $0xFFFF  }
0x3c6: {  	[sflag:s0] =	ssyncadd.tile.s32 @!p0 $0x1;
	_ =	shalt  }
.Lfunc_end2:
_tile_overlayer_lowered:
.L_overlay_start_2:
0x3c7: {  	(tag) =	ssettag $0x2  }
0x3c8: {  	s0 =	rddreg [dreg:$0x0];
	s2 =	stileid.u32  }
0x3c9: {  	s1 =	rddreg [dreg:$0x1];
	p0 =	sne.s32 s2, $0x0  }
0x3ca: {  	s3 =	rddreg [dreg:$0x2];
	[bflag:$0x3] =	sbarrier.arrive $0xFFFF;
	s2 =	simm.s32 @!p0 $0x1C03  }
0x3cb: {  	[timem:s3], [sflag:s2] =	dma.local @!p0 [hbm:s0], s1  }
0x3cc: {  	s0 =	simm.s32 @!p0 $0x3  }
0x3cd: {  	_ =	swait.ge @!p0 [sflag:s0], s1  }
0x3ce: {  	s1 =	ssub.s32 @!p0 $0x0, s1;
	[sflag:s0] =	ssyncset.done @!p0 $0x0  }
0x3cf: {  	[sflag:s0] =	ssyncadd.s32 @!p0 s1  }
0x3d0: {  	[bflag:$0x3] =	sbarrier.arrive $0xFFFF  }
0x3d1: {  	_ =	shalt  }

</sc_bundles>
